<compile_context>
chip_gen: v7x
topology: tpu7x:2x2x1
jax: 0.10.2.dev20260603
libtpu: 0.0.44.dev20260713+nightly
codegen_flags: <defaults>
</compile_context>

<pallas_src>
import functools

import jax
import jax.numpy as jnp
from jax import lax
from jax.experimental import pallas as pl
from jax.experimental.pallas import tpu as pltpu
from jax.experimental.pallas import tpu_sc as plsc

N_NODES = 10000
N_EDGES = 320000
D = 128
BM = 1000
K = 40
SCH = 50
ZCHUNKS = N_NODES // K


_GDN = lax.GatherDimensionNumbers(
    offset_dims=(), collapsed_slice_dims=(0,), start_index_map=(0,))


def _shuffle(v, idx):
    return lax.gather(v, idx[:, None], dimension_numbers=_GDN,
                      slice_sizes=(1,),
                      mode=lax.GatherScatterMode.PROMISE_IN_BOUNDS)


def _proj_body(x_ref, wl_ref, wr_ref, w_ref, hl_ref, hrc_ref):
    x = x_ref[...]
    hl_ref[...] = jnp.dot(x, wl_ref[...], preferred_element_type=jnp.float32)
    hrc_ref[:, :D] = jnp.dot(x, wr_ref[...], preferred_element_type=jnp.float32)
    hrc_ref[:, D:] = jnp.dot(x, w_ref[...], preferred_element_type=jnp.float32)


def _project(X, W_l, W_r, W):
    return pl.pallas_call(
        _proj_body,
        grid=(N_NODES // BM,),
        in_specs=[
            pl.BlockSpec((BM, D), lambda i: (i, 0)),
            pl.BlockSpec((D, D), lambda i: (0, 0)),
            pl.BlockSpec((D, D), lambda i: (0, 0)),
            pl.BlockSpec((D, D), lambda i: (0, 0)),
        ],
        out_specs=[
            pl.BlockSpec((BM, D), lambda i: (i, 0)),
            pl.BlockSpec((BM, 2 * D), lambda i: (i, 0)),
        ],
        out_shape=[
            jax.ShapeDtypeStruct((N_NODES, D), jnp.float32),
            jax.ShapeDtypeStruct((N_NODES, 2 * D), jnp.float32),
        ],
    )(X, W_l, W_r, W)


def _sc_gat(HL, HRC, row, col):
    info = plsc.get_sparse_core_info()
    NC, NS = info.num_cores, info.num_subcores
    NW = NC * NS
    nsup = N_EDGES // (NW * SCH * K)
    row4 = row.reshape(NW, nsup, SCH, K)
    col4 = col.reshape(NW, nsup, SCH, K)
    mesh = plsc.VectorSubcoreMesh(core_axis_name="c", subcore_axis_name="s")

    @functools.partial(
        pl.kernel, mesh=mesh,
        out_type=jax.ShapeDtypeStruct((NC, N_NODES, D), jnp.float32),
        scratch_types=[
            pltpu.VMEM((SCH, K), jnp.int32),
            pltpu.VMEM((SCH, K), jnp.int32),
            pltpu.VMEM((K, D), jnp.float32),
            pltpu.VMEM((K, 2 * D), jnp.float32),
            pltpu.VMEM((K, D), jnp.float32),
            pltpu.VMEM((K, 2 * D), jnp.float32),
            pltpu.VMEM((K, D), jnp.float32),
            pltpu.VMEM_SHARED((N_NODES, D), jnp.float32),
            pltpu.SemaphoreType.DMA,
            pltpu.SemaphoreType.DMA,
            pltpu.SemaphoreType.DMA,
        ],
    )
    def k(hl_hbm, hrc_hbm, row_hbm, col_hbm, out_hbm,
          rbuf, cbuf, hlv0, hrcv0, hlv1, hrcv1, msgv0,
          agg, gsem0, gsem1, ssem):
        hlv = (hlv0, hlv1)
        hrcv = (hrcv0, hrcv1)
        gsem = (gsem0, gsem1)
        cid = lax.axis_index("c")
        sid = lax.axis_index("s")
        wid = sid * NC + cid

        def zrow(kk, carry):
            for g in range(8):
                msgv0[kk, pl.ds(g * 16, 16)] = jnp.zeros((16,), jnp.float32)
            return carry
        lax.fori_loop(0, K, zrow, 0)
        for j in range(ZCHUNKS // NS + 1):
            c = sid + NS * j

            @pl.when(c < ZCHUNKS)
            def _():
                pltpu.sync_copy(msgv0, agg.at[pl.ds(c * K, K)])
        plsc.subcore_barrier()

        def start_gather(t, jj):
            pltpu.async_copy(hl_hbm.at[rbuf.at[jj]], hlv[t], gsem[t])
            pltpu.async_copy(hrc_hbm.at[cbuf.at[jj]], hrcv[t], gsem[t])

        def wait_gather(t):
            pltpu.make_async_copy(hl_hbm.at[rbuf.at[0]], hlv[t],
                                  gsem[t]).wait()
            pltpu.make_async_copy(hrc_hbm.at[cbuf.at[0]], hrcv[t],
                                  gsem[t]).wait()

        def start_scatter(jj):
            pltpu.async_copy(msgv0, agg.at[rbuf.at[jj]], ssem, add=True)

        def wait_scatter():
            pltpu.make_async_copy(msgv0, agg.at[rbuf.at[0]], ssem).wait()

        lane = jnp.arange(16, dtype=jnp.int32)

        def unpk(x):
            even = lax.bitcast_convert_type(lax.shift_left(x, 16),
                                            jnp.float32)
            odd = lax.bitcast_convert_type(x & jnp.int32(-65536), jnp.float32)
            return even, odd

        def compute(t, jj):
            hl, hrc, msg = hlv[t], hrcv[t], msgv0

            @plsc.parallel_loop(0, K, unroll=2)
            def edge(kk):
                acc = jnp.zeros((16,), jnp.float32)
                for g in range(8):
                    acc = acc + (hl[kk, pl.ds(g * 16, 16)]
                                 * hrc[kk, pl.ds(g * 16, 16)])
                for sh in (1, 2, 4, 8):
                    acc = acc + _shuffle(acc, lane ^ sh)
                e = jnp.where(acc >= 0.0, acc, acc * jnp.float32(0.2))
                for g in range(8):
                    msg[kk, pl.ds(g * 16, 16)] = (
                        e * hrc[kk, pl.ds(D + g * 16, 16)])

        def pair(p, carry):
            start_gather(1, 2 * p + 1)
            wait_gather(0)
            @pl.when(carry >= 1)
            def _():
                wait_scatter()
            compute(0, 2 * p)
            start_scatter(2 * p)
            @pl.when(p < SCH // 2 - 1)
            def _():
                start_gather(0, 2 * p + 2)
            wait_gather(1)
            wait_scatter()
            compute(1, 2 * p + 1)
            start_scatter(2 * p + 1)
            return jnp.int32(1)

        def superchunk(s, carry):
            @pl.when(s >= 1)
            def _():
                wait_scatter()
            pltpu.sync_copy(row_hbm.at[wid, s], rbuf)
            pltpu.sync_copy(col_hbm.at[wid, s], cbuf)
            start_gather(0, 0)
            lax.fori_loop(0, SCH // 2, pair, 0)
            return carry
        lax.fori_loop(0, nsup, superchunk, 0)
        wait_scatter()
        plsc.subcore_barrier()

        for j in range(ZCHUNKS // NS + 1):
            c = sid + NS * j

            @pl.when(c < ZCHUNKS)
            def _():
                pltpu.sync_copy(agg.at[pl.ds(c * K, K)],
                                out_hbm.at[cid, pl.ds(c * K, K)])

    return k(HL, HRC, row4, col4)


def _combine_body(p_ref, o_ref):
    o_ref[...] = jnp.sum(p_ref[...], axis=0)


def _combine(parts):
    nc = parts.shape[0]
    return pl.pallas_call(
        _combine_body,
        grid=(N_NODES // BM,),
        in_specs=[pl.BlockSpec((nc, BM, D), lambda i: (0, i, 0))],
        out_specs=pl.BlockSpec((BM, D), lambda i: (i, 0)),
        out_shape=jax.ShapeDtypeStruct((N_NODES, D), jnp.float32),
    )(parts)


import numpy as _np

_q = _np.arange(D) % 32
_g = (_np.arange(D) // 32) * 32
_COMB_NAT = _g + _np.where(_q % 2 == 0, _q // 2, 16 + (_q - 1) // 2)


def kernel(X, edge_index, W, W_r, W_l):
    HL, HRC = _project(X, W_l, W_r, W)
    row = edge_index[0]
    col = edge_index[1]
    parts = _sc_gat(HL, HRC, row, col)
    return _combine(parts)

# --- scband reference (transcript-rebuilt; emitter-appended) ---
"""Pipeline reference for scband-gatconv-3023656976834 (READ-ONLY COPY).

The authoritative reference and input builder live on the scoring server;
editing this copy changes nothing except your own understanding.
"""

import jax, jax.numpy as jnp
import numpy as np

N_NODES = 10000
N_EDGES = 320000
D_IN = 128
D_OUT = 128


def leaky_relu(x, negative_slope=0.2):
    return jnp.where(x >= 0, x, negative_slope * x)


def setup_inputs(seed: int = 0) -> dict:
    key = jax.random.key(seed)
    k1, k2, k3, k4, k5 = jax.random.split(key, 5)
    X = jax.random.normal(k1, (N_NODES, D_IN), dtype=jnp.float32)
    edge_index = jax.random.randint(k2, (2, N_EDGES), 0, N_NODES, dtype=jnp.int32)
    stdv = 1.0 / np.sqrt(D_OUT)
    W = jax.random.uniform(k3, (D_IN, D_OUT), minval=-stdv, maxval=stdv, dtype=jnp.float32)
    W_r = jax.random.uniform(k4, (D_IN, D_OUT), minval=-stdv, maxval=stdv, dtype=jnp.float32)
    W_l = jax.random.uniform(k5, (D_IN, D_OUT), minval=-stdv, maxval=stdv, dtype=jnp.float32)
    return {"X": X, "edge_index": edge_index, "W": W, "W_r": W_r, "W_l": W_l}


def reference(X, edge_index, W, W_r, W_l):
    # comb = X @ W  (feature transform)
    comb = jnp.matmul(X, W)
    # attention projections
    h_r = jnp.matmul(X, W_r)
    h_l = jnp.matmul(X, W_l)
    # SDDMM: for each nonzero (i, j) of A (row i = dst, col j = src),
    # a_input[i, j] = dot(h_l[i, :], h_r[j, :])  == (h_l @ h_r.T) masked by A
    row = edge_index[0]
    col = edge_index[1]
    e = jnp.sum(jnp.take(h_l, row, axis=0) * jnp.take(h_r, col, axis=0), axis=-1)
    # A_csr.values = leakyrelu(a_input.val)
    e = leaky_relu(e, 0.2)
    # agg = A_csr @ comb  (SpMM with edge weights): scatter-add messages to dst rows
    msg = e[:, None] * jnp.take(comb, col, axis=0)
    agg = jax.ops.segment_sum(msg, row, num_segments=N_NODES)
    return agg

if __name__ == "__main__":
    import jax
    _d = setup_inputs()
    print(jax.jit(kernel)(*tuple(_d.values())))

</pallas_src>

<mosaic_0001>
#map = affine_map<(d0, d1) -> (0, 0)>
#map1 = affine_map<(d0, d1) -> (0, 0, 0, 0)>
#map2 = affine_map<(d0, d1) -> (0, 0, 0)>
module attributes {stable_mosaic.version = 14 : i64} {
  func.func @k(%arg0: i32, %arg1: i32, %arg2: memref<10000x128xf32, #tpu.memory_space<hbm>>, %arg3: memref<10000x256xf32, #tpu.memory_space<hbm>>, %arg4: memref<32x5x50x40xi32, #tpu.memory_space<hbm>>, %arg5: memref<32x5x50x40xi32, #tpu.memory_space<hbm>>, %arg6: memref<2x10000x128xf32, #tpu.memory_space<hbm>>, %arg7: memref<50x40xi32, #tpu.memory_space<vmem>>, %arg8: memref<50x40xi32, #tpu.memory_space<vmem>>, %arg9: memref<40x128xf32, #tpu.memory_space<vmem>>, %arg10: memref<40x256xf32, #tpu.memory_space<vmem>>, %arg11: memref<40x128xf32, #tpu.memory_space<vmem>>, %arg12: memref<40x256xf32, #tpu.memory_space<vmem>>, %arg13: memref<40x128xf32, #tpu.memory_space<vmem>>, %arg14: memref<10000x128xf32, #tpu.memory_space<vmem_shared>>, %arg15: memref<!tpu.dma_semaphore, #tpu.memory_space<semaphore_mem>>, %arg16: memref<!tpu.dma_semaphore, #tpu.memory_space<semaphore_mem>>, %arg17: memref<!tpu.dma_semaphore, #tpu.memory_space<semaphore_mem>>) attributes {dimension_semantics = [#tpu.dimension_semantics<core_parallel>, #tpu.dimension_semantics<subcore_parallel>], iteration_bounds = array<i64: 2, 16>, scalar_prefetch = 0 : i64, scratch_operands = 11 : i64, tpu.core_type = #tpu.core_type<sc_vector_subcore>, window_params = [{transform_indices = #map}, {transform_indices = #map}, {transform_indices = #map1}, {transform_indices = #map1}, {transform_indices = #map2}]} {
    %mul3A = arith.constant 2 : i32
    %mul3A_0 = arith.muli %arg1, %mul3A : i32
    %add3A = arith.addi %mul3A_0, %arg0 : i32
    %scan3A = arith.constant 0 : i32
    %scan3A_1 = arith.constant 0 : i32
    %scan3A_2 = arith.constant 40 : i32
    %scan3A_3 = arith.addi %scan3A_1, %scan3A_2 : i32
    %scan3A_4 = arith.constant 1 : i32
    scf.for %scan3A_240 = %scan3A_1 to %scan3A_3 step %scan3A_4  : i32 {
      %broadcast_in_dim3A = arith.constant 0.000000e+00 : f32
      %broadcast_in_dim3A_241 = vector.broadcast %broadcast_in_dim3A : f32 to vector<16xf32>
      %swap3A = arith.index_cast %scan3A_240 : i32 to index
      %swap3A_242 = arith.constant 0 : index
      %swap3A_243 = tpu.vector_load %arg13[%swap3A, %swap3A_242] {strides = array<i32>} : memref<40x128xf32, #tpu.memory_space<vmem>>, vector<1x16xf32>,
      %swap3A_244 = vector.shape_cast %swap3A_243 : vector<1x16xf32> to vector<16xf32>
      %swap3A_245 = vector.shape_cast %broadcast_in_dim3A_241 : vector<16xf32> to vector<1x16xf32>
      tpu.vector_store %arg13[%swap3A, %swap3A_242], %swap3A_245 {strides = array<i32>} : memref<40x128xf32, #tpu.memory_space<vmem>>, vector<1x16xf32>,
      %broadcast_in_dim3A_246 = arith.constant 0.000000e+00 : f32
      %broadcast_in_dim3A_247 = vector.broadcast %broadcast_in_dim3A_246 : f32 to vector<16xf32>
      %swap3A_248 = arith.index_cast %scan3A_240 : i32 to index
      %swap3A_249 = arith.constant 16 : index
      %swap3A_250 = tpu.vector_load %arg13[%swap3A_248, %swap3A_249] {strides = array<i32>} : memref<40x128xf32, #tpu.memory_space<vmem>>, vector<1x16xf32>,
      %swap3A_251 = vector.shape_cast %swap3A_250 : vector<1x16xf32> to vector<16xf32>
      %swap3A_252 = vector.shape_cast %broadcast_in_dim3A_247 : vector<16xf32> to vector<1x16xf32>
      tpu.vector_store %arg13[%swap3A_248, %swap3A_249], %swap3A_252 {strides = array<i32>} : memref<40x128xf32, #tpu.memory_space<vmem>>, vector<1x16xf32>,
      %broadcast_in_dim3A_253 = arith.constant 0.000000e+00 : f32
      %broadcast_in_dim3A_254 = vector.broadcast %broadcast_in_dim3A_253 : f32 to vector<16xf32>
      %swap3A_255 = arith.index_cast %scan3A_240 : i32 to index
      %swap3A_256 = arith.constant 32 : index
      %swap3A_257 = tpu.vector_load %arg13[%swap3A_255, %swap3A_256] {strides = array<i32>} : memref<40x128xf32, #tpu.memory_space<vmem>>, vector<1x16xf32>,
      %swap3A_258 = vector.shape_cast %swap3A_257 : vector<1x16xf32> to vector<16xf32>
      %swap3A_259 = vector.shape_cast %broadcast_in_dim3A_254 : vector<16xf32> to vector<1x16xf32>
      tpu.vector_store %arg13[%swap3A_255, %swap3A_256], %swap3A_259 {strides = array<i32>} : memref<40x128xf32, #tpu.memory_space<vmem>>, vector<1x16xf32>,
      %broadcast_in_dim3A_260 = arith.constant 0.000000e+00 : f32
      %broadcast_in_dim3A_261 = vector.broadcast %broadcast_in_dim3A_260 : f32 to vector<16xf32>
      %swap3A_262 = arith.index_cast %scan3A_240 : i32 to index
      %swap3A_263 = arith.constant 48 : index
      %swap3A_264 = tpu.vector_load %arg13[%swap3A_262, %swap3A_263] {strides = array<i32>} : memref<40x128xf32, #tpu.memory_space<vmem>>, vector<1x16xf32>,
      %swap3A_265 = vector.shape_cast %swap3A_264 : vector<1x16xf32> to vector<16xf32>
      %swap3A_266 = vector.shape_cast %broadcast_in_dim3A_261 : vector<16xf32> to vector<1x16xf32>
      tpu.vector_store %arg13[%swap3A_262, %swap3A_263], %swap3A_266 {strides = array<i32>} : memref<40x128xf32, #tpu.memory_space<vmem>>, vector<1x16xf32>,
      %broadcast_in_dim3A_267 = arith.constant 0.000000e+00 : f32
      %broadcast_in_dim3A_268 = vector.broadcast %broadcast_in_dim3A_267 : f32 to vector<16xf32>
      %swap3A_269 = arith.index_cast %scan3A_240 : i32 to index
      %swap3A_270 = arith.constant 64 : index
      %swap3A_271 = tpu.vector_load %arg13[%swap3A_269, %swap3A_270] {strides = array<i32>} : memref<40x128xf32, #tpu.memory_space<vmem>>, vector<1x16xf32>,
      %swap3A_272 = vector.shape_cast %swap3A_271 : vector<1x16xf32> to vector<16xf32>
      %swap3A_273 = vector.shape_cast %broadcast_in_dim3A_268 : vector<16xf32> to vector<1x16xf32>
      tpu.vector_store %arg13[%swap3A_269, %swap3A_270], %swap3A_273 {strides = array<i32>} : memref<40x128xf32, #tpu.memory_space<vmem>>, vector<1x16xf32>,
      %broadcast_in_dim3A_274 = arith.constant 0.000000e+00 : f32
      %broadcast_in_dim3A_275 = vector.broadcast %broadcast_in_dim3A_274 : f32 to vector<16xf32>
      %swap3A_276 = arith.index_cast %scan3A_240 : i32 to index
      %swap3A_277 = arith.constant 80 : index
      %swap3A_278 = tpu.vector_load %arg13[%swap3A_276, %swap3A_277] {strides = array<i32>} : memref<40x128xf32, #tpu.memory_space<vmem>>, vector<1x16xf32>,
      %swap3A_279 = vector.shape_cast %swap3A_278 : vector<1x16xf32> to vector<16xf32>
      %swap3A_280 = vector.shape_cast %broadcast_in_dim3A_275 : vector<16xf32> to vector<1x16xf32>
      tpu.vector_store %arg13[%swap3A_276, %swap3A_277], %swap3A_280 {strides = array<i32>} : memref<40x128xf32, #tpu.memory_space<vmem>>, vector<1x16xf32>,
      %broadcast_in_dim3A_281 = arith.constant 0.000000e+00 : f32
      %broadcast_in_dim3A_282 = vector.broadcast %broadcast_in_dim3A_281 : f32 to vector<16xf32>
      %swap3A_283 = arith.index_cast %scan3A_240 : i32 to index
      %swap3A_284 = arith.constant 96 : index
      %swap3A_285 = tpu.vector_load %arg13[%swap3A_283, %swap3A_284] {strides = array<i32>} : memref<40x128xf32, #tpu.memory_space<vmem>>, vector<1x16xf32>,
      %swap3A_286 = vector.shape_cast %swap3A_285 : vector<1x16xf32> to vector<16xf32>
      %swap3A_287 = vector.shape_cast %broadcast_in_dim3A_282 : vector<16xf32> to vector<1x16xf32>
      tpu.vector_store %arg13[%swap3A_283, %swap3A_284], %swap3A_287 {strides = array<i32>} : memref<40x128xf32, #tpu.memory_space<vmem>>, vector<1x16xf32>,
      %broadcast_in_dim3A_288 = arith.constant 0.000000e+00 : f32
      %broadcast_in_dim3A_289 = vector.broadcast %broadcast_in_dim3A_288 : f32 to vector<16xf32>
      %swap3A_290 = arith.index_cast %scan3A_240 : i32 to index
      %swap3A_291 = arith.constant 112 : index
      %swap3A_292 = tpu.vector_load %arg13[%swap3A_290, %swap3A_291] {strides = array<i32>} : memref<40x128xf32, #tpu.memory_space<vmem>>, vector<1x16xf32>,
      %swap3A_293 = vector.shape_cast %swap3A_292 : vector<1x16xf32> to vector<16xf32>
      %swap3A_294 = vector.shape_cast %broadcast_in_dim3A_289 : vector<16xf32> to vector<1x16xf32>
      tpu.vector_store %arg13[%swap3A_290, %swap3A_291], %swap3A_294 {strides = array<i32>} : memref<40x128xf32, #tpu.memory_space<vmem>>, vector<1x16xf32>,
    }
    %scan3A_5 = arith.constant 40 : i32
    %add3A_6 = arith.constant 0 : i32
    %add3A_7 = arith.addi %arg1, %add3A_6 : i32
    %lt3A = arith.constant 250 : i32
    %lt3A_8 = arith.cmpi slt, %add3A_7, %lt3A : i32
    %convert_element_type3A = arith.extui %lt3A_8 : i1 to i32
    %cond3A = arith.constant 0 : i32
    %cond3A_9 = arith.cmpi ne, %convert_element_type3A, %cond3A : i32
    scf.if %cond3A_9 {
      %mul3A_240 = arith.constant 40 : i32
      %mul3A_241 = arith.muli %add3A_7, %mul3A_240 : i32
      "tpu.region"() ({
        %run_scoped3A = tpu.sem_alloc : memref<!tpu.dma_semaphore, #tpu.memory_space<semaphore_mem>>
        %dma_start3A = arith.constant 0 : i32
        %dma_start3A_242 = tpu.memref_slice %arg14[%mul3A_241, %dma_start3A] : memref<10000x128xf32, #tpu.memory_space<vmem_shared>> -> memref<40x128xf32, #tpu.memory_space<vmem_shared>>
        %dma_start3A_243 = arith.constant 0 : i32
        %dma_start3A_244 = tpu.memref_slice %arg14[%mul3A_241, %dma_start3A_243] : memref<10000x128xf32, #tpu.memory_space<vmem_shared>> -> memref<40x128xf32, #tpu.memory_space<vmem_shared>>
        tpu.enqueue_dma source(%arg13 : memref<40x128xf32, #tpu.memory_space<vmem>>) target(%dma_start3A_244 : memref<40x128xf32, #tpu.memory_space<vmem_shared>>) target_semaphore(%run_scoped3A : memref<!tpu.dma_semaphore, #tpu.memory_space<semaphore_mem>>)
        %dma_wait3A_245 = arith.constant 0 : i32
        %dma_wait3A_246 = tpu.memref_slice %arg14[%mul3A_241, %dma_wait3A_245] : memref<10000x128xf32, #tpu.memory_space<vmem_shared>> -> memref<40x128xf32, #tpu.memory_space<vmem_shared>>
        %dma_wait3A_247 = arith.constant 0 : i32
        %dma_wait3A_248 = tpu.memref_slice %arg14[%mul3A_241, %dma_wait3A_247] : memref<10000x128xf32, #tpu.memory_space<vmem_shared>> -> memref<40x128xf32, #tpu.memory_space<vmem_shared>>
        tpu.wait_dma2 semaphore(%run_scoped3A : memref<!tpu.dma_semaphore, #tpu.memory_space<semaphore_mem>>) src(%arg13 : memref<40x128xf32, #tpu.memory_space<vmem>>) dst(%dma_wait3A_248 : memref<40x128xf32, #tpu.memory_space<vmem_shared>>)
        tpu.yield
      }) : () -> ()
    } else {
    }
    %add3A_10 = arith.constant 16 : i32
    %add3A_11 = arith.addi %arg1, %add3A_10 : i32
    %lt3A_12 = arith.constant 250 : i32
    %lt3A_13 = arith.cmpi slt, %add3A_11, %lt3A_12 : i32
    %convert_element_type3A_14 = arith.extui %lt3A_13 : i1 to i32
    %cond3A_15 = arith.constant 0 : i32
    %cond3A_16 = arith.cmpi ne, %convert_element_type3A_14, %cond3A_15 : i32
    scf.if %cond3A_16 {
      %mul3A_240 = arith.constant 40 : i32
      %mul3A_241 = arith.muli %add3A_11, %mul3A_240 : i32
      "tpu.region"() ({
        %run_scoped3A = tpu.sem_alloc : memref<!tpu.dma_semaphore, #tpu.memory_space<semaphore_mem>>
        %dma_start3A = arith.constant 0 : i32
        %dma_start3A_242 = tpu.memref_slice %arg14[%mul3A_241, %dma_start3A] : memref<10000x128xf32, #tpu.memory_space<vmem_shared>> -> memref<40x128xf32, #tpu.memory_space<vmem_shared>>
        %dma_start3A_243 = arith.constant 0 : i32
        %dma_start3A_244 = tpu.memref_slice %arg14[%mul3A_241, %dma_start3A_243] : memref<10000x128xf32, #tpu.memory_space<vmem_shared>> -> memref<40x128xf32, #tpu.memory_space<vmem_shared>>
        tpu.enqueue_dma source(%arg13 : memref<40x128xf32, #tpu.memory_space<vmem>>) target(%dma_start3A_244 : memref<40x128xf32, #tpu.memory_space<vmem_shared>>) target_semaphore(%run_scoped3A : memref<!tpu.dma_semaphore, #tpu.memory_space<semaphore_mem>>)
        %dma_wait3A_245 = arith.constant 0 : i32
        %dma_wait3A_246 = tpu.memref_slice %arg14[%mul3A_241, %dma_wait3A_245] : memref<10000x128xf32, #tpu.memory_space<vmem_shared>> -> memref<40x128xf32, #tpu.memory_space<vmem_shared>>
        %dma_wait3A_247 = arith.constant 0 : i32
        %dma_wait3A_248 = tpu.memref_slice %arg14[%mul3A_241, %dma_wait3A_247] : memref<10000x128xf32, #tpu.memory_space<vmem_shared>> -> memref<40x128xf32, #tpu.memory_space<vmem_shared>>
        tpu.wait_dma2 semaphore(%run_scoped3A : memref<!tpu.dma_semaphore, #tpu.memory_space<semaphore_mem>>) src(%arg13 : memref<40x128xf32, #tpu.memory_space<vmem>>) dst(%dma_wait3A_248 : memref<40x128xf32, #tpu.memory_space<vmem_shared>>)
        tpu.yield
      }) : () -> ()
    } else {
    }
    %add3A_17 = arith.constant 32 : i32
    %add3A_18 = arith.addi %arg1, %add3A_17 : i32
    %lt3A_19 = arith.constant 250 : i32
    %lt3A_20 = arith.cmpi slt, %add3A_18, %lt3A_19 : i32
    %convert_element_type3A_21 = arith.extui %lt3A_20 : i1 to i32
    %cond3A_22 = arith.constant 0 : i32
    %cond3A_23 = arith.cmpi ne, %convert_element_type3A_21, %cond3A_22 : i32
    scf.if %cond3A_23 {
      %mul3A_240 = arith.constant 40 : i32
      %mul3A_241 = arith.muli %add3A_18, %mul3A_240 : i32
      "tpu.region"() ({
        %run_scoped3A = tpu.sem_alloc : memref<!tpu.dma_semaphore, #tpu.memory_space<semaphore_mem>>
        %dma_start3A = arith.constant 0 : i32
        %dma_start3A_242 = tpu.memref_slice %arg14[%mul3A_241, %dma_start3A] : memref<10000x128xf32, #tpu.memory_space<vmem_shared>> -> memref<40x128xf32, #tpu.memory_space<vmem_shared>>
        %dma_start3A_243 = arith.constant 0 : i32
        %dma_start3A_244 = tpu.memref_slice %arg14[%mul3A_241, %dma_start3A_243] : memref<10000x128xf32, #tpu.memory_space<vmem_shared>> -> memref<40x128xf32, #tpu.memory_space<vmem_shared>>
        tpu.enqueue_dma source(%arg13 : memref<40x128xf32, #tpu.memory_space<vmem>>) target(%dma_start3A_244 : memref<40x128xf32, #tpu.memory_space<vmem_shared>>) target_semaphore(%run_scoped3A : memref<!tpu.dma_semaphore, #tpu.memory_space<semaphore_mem>>)
        %dma_wait3A_245 = arith.constant 0 : i32
        %dma_wait3A_246 = tpu.memref_slice %arg14[%mul3A_241, %dma_wait3A_245] : memref<10000x128xf32, #tpu.memory_space<vmem_shared>> -> memref<40x128xf32, #tpu.memory_space<vmem_shared>>
        %dma_wait3A_247 = arith.constant 0 : i32
        %dma_wait3A_248 = tpu.memref_slice %arg14[%mul3A_241, %dma_wait3A_247] : memref<10000x128xf32, #tpu.memory_space<vmem_shared>> -> memref<40x128xf32, #tpu.memory_space<vmem_shared>>
        tpu.wait_dma2 semaphore(%run_scoped3A : memref<!tpu.dma_semaphore, #tpu.memory_space<semaphore_mem>>) src(%arg13 : memref<40x128xf32, #tpu.memory_space<vmem>>) dst(%dma_wait3A_248 : memref<40x128xf32, #tpu.memory_space<vmem_shared>>)
        tpu.yield
      }) : () -> ()
    } else {
    }
    %add3A_24 = arith.constant 48 : i32
    %add3A_25 = arith.addi %arg1, %add3A_24 : i32
    %lt3A_26 = arith.constant 250 : i32
    %lt3A_27 = arith.cmpi slt, %add3A_25, %lt3A_26 : i32
    %convert_element_type3A_28 = arith.extui %lt3A_27 : i1 to i32
    %cond3A_29 = arith.constant 0 : i32
    %cond3A_30 = arith.cmpi ne, %convert_element_type3A_28, %cond3A_29 : i32
    scf.if %cond3A_30 {
      %mul3A_240 = arith.constant 40 : i32
      %mul3A_241 = arith.muli %add3A_25, %mul3A_240 : i32
      "tpu.region"() ({
        %run_scoped3A = tpu.sem_alloc : memref<!tpu.dma_semaphore, #tpu.memory_space<semaphore_mem>>
        %dma_start3A = arith.constant 0 : i32
        %dma_start3A_242 = tpu.memref_slice %arg14[%mul3A_241, %dma_start3A] : memref<10000x128xf32, #tpu.memory_space<vmem_shared>> -> memref<40x128xf32, #tpu.memory_space<vmem_shared>>
        %dma_start3A_243 = arith.constant 0 : i32
        %dma_start3A_244 = tpu.memref_slice %arg14[%mul3A_241, %dma_start3A_243] : memref<10000x128xf32, #tpu.memory_space<vmem_shared>> -> memref<40x128xf32, #tpu.memory_space<vmem_shared>>
        tpu.enqueue_dma source(%arg13 : memref<40x128xf32, #tpu.memory_space<vmem>>) target(%dma_start3A_244 : memref<40x128xf32, #tpu.memory_space<vmem_shared>>) target_semaphore(%run_scoped3A : memref<!tpu.dma_semaphore, #tpu.memory_space<semaphore_mem>>)
        %dma_wait3A_245 = arith.constant 0 : i32
        %dma_wait3A_246 = tpu.memref_slice %arg14[%mul3A_241, %dma_wait3A_245] : memref<10000x128xf32, #tpu.memory_space<vmem_shared>> -> memref<40x128xf32, #tpu.memory_space<vmem_shared>>
        %dma_wait3A_247 = arith.constant 0 : i32
        %dma_wait3A_248 = tpu.memref_slice %arg14[%mul3A_241, %dma_wait3A_247] : memref<10000x128xf32, #tpu.memory_space<vmem_shared>> -> memref<40x128xf32, #tpu.memory_space<vmem_shared>>
        tpu.wait_dma2 semaphore(%run_scoped3A : memref<!tpu.dma_semaphore, #tpu.memory_space<semaphore_mem>>) src(%arg13 : memref<40x128xf32, #tpu.memory_space<vmem>>) dst(%dma_wait3A_248 : memref<40x128xf32, #tpu.memory_space<vmem_shared>>)
        tpu.yield
      }) : () -> ()
    } else {
    }
    %add3A_31 = arith.constant 64 : i32
    %add3A_32 = arith.addi %arg1, %add3A_31 : i32
    %lt3A_33 = arith.constant 250 : i32
    %lt3A_34 = arith.cmpi slt, %add3A_32, %lt3A_33 : i32
    %convert_element_type3A_35 = arith.extui %lt3A_34 : i1 to i32
    %cond3A_36 = arith.constant 0 : i32
    %cond3A_37 = arith.cmpi ne, %convert_element_type3A_35, %cond3A_36 : i32
    scf.if %cond3A_37 {
      %mul3A_240 = arith.constant 40 : i32
      %mul3A_241 = arith.muli %add3A_32, %mul3A_240 : i32
      "tpu.region"() ({
        %run_scoped3A = tpu.sem_alloc : memref<!tpu.dma_semaphore, #tpu.memory_space<semaphore_mem>>
        %dma_start3A = arith.constant 0 : i32
        %dma_start3A_242 = tpu.memref_slice %arg14[%mul3A_241, %dma_start3A] : memref<10000x128xf32, #tpu.memory_space<vmem_shared>> -> memref<40x128xf32, #tpu.memory_space<vmem_shared>>
        %dma_start3A_243 = arith.constant 0 : i32
        %dma_start3A_244 = tpu.memref_slice %arg14[%mul3A_241, %dma_start3A_243] : memref<10000x128xf32, #tpu.memory_space<vmem_shared>> -> memref<40x128xf32, #tpu.memory_space<vmem_shared>>
        tpu.enqueue_dma source(%arg13 : memref<40x128xf32, #tpu.memory_space<vmem>>) target(%dma_start3A_244 : memref<40x128xf32, #tpu.memory_space<vmem_shared>>) target_semaphore(%run_scoped3A : memref<!tpu.dma_semaphore, #tpu.memory_space<semaphore_mem>>)
        %dma_wait3A_245 = arith.constant 0 : i32
        %dma_wait3A_246 = tpu.memref_slice %arg14[%mul3A_241, %dma_wait3A_245] : memref<10000x128xf32, #tpu.memory_space<vmem_shared>> -> memref<40x128xf32, #tpu.memory_space<vmem_shared>>
        %dma_wait3A_247 = arith.constant 0 : i32
        %dma_wait3A_248 = tpu.memref_slice %arg14[%mul3A_241, %dma_wait3A_247] : memref<10000x128xf32, #tpu.memory_space<vmem_shared>> -> memref<40x128xf32, #tpu.memory_space<vmem_shared>>
        tpu.wait_dma2 semaphore(%run_scoped3A : memref<!tpu.dma_semaphore, #tpu.memory_space<semaphore_mem>>) src(%arg13 : memref<40x128xf32, #tpu.memory_space<vmem>>) dst(%dma_wait3A_248 : memref<40x128xf32, #tpu.memory_space<vmem_shared>>)
        tpu.yield
      }) : () -> ()
    } else {
    }
    %add3A_38 = arith.constant 80 : i32
    %add3A_39 = arith.addi %arg1, %add3A_38 : i32
    %lt3A_40 = arith.constant 250 : i32
    %lt3A_41 = arith.cmpi slt, %add3A_39, %lt3A_40 : i32
    %convert_element_type3A_42 = arith.extui %lt3A_41 : i1 to i32
    %cond3A_43 = arith.constant 0 : i32
    %cond3A_44 = arith.cmpi ne, %convert_element_type3A_42, %cond3A_43 : i32
    scf.if %cond3A_44 {
      %mul3A_240 = arith.constant 40 : i32
      %mul3A_241 = arith.muli %add3A_39, %mul3A_240 : i32
      "tpu.region"() ({
        %run_scoped3A = tpu.sem_alloc : memref<!tpu.dma_semaphore, #tpu.memory_space<semaphore_mem>>
        %dma_start3A = arith.constant 0 : i32
        %dma_start3A_242 = tpu.memref_slice %arg14[%mul3A_241, %dma_start3A] : memref<10000x128xf32, #tpu.memory_space<vmem_shared>> -> memref<40x128xf32, #tpu.memory_space<vmem_shared>>
        %dma_start3A_243 = arith.constant 0 : i32
        %dma_start3A_244 = tpu.memref_slice %arg14[%mul3A_241, %dma_start3A_243] : memref<10000x128xf32, #tpu.memory_space<vmem_shared>> -> memref<40x128xf32, #tpu.memory_space<vmem_shared>>
        tpu.enqueue_dma source(%arg13 : memref<40x128xf32, #tpu.memory_space<vmem>>) target(%dma_start3A_244 : memref<40x128xf32, #tpu.memory_space<vmem_shared>>) target_semaphore(%run_scoped3A : memref<!tpu.dma_semaphore, #tpu.memory_space<semaphore_mem>>)
        %dma_wait3A_245 = arith.constant 0 : i32
        %dma_wait3A_246 = tpu.memref_slice %arg14[%mul3A_241, %dma_wait3A_245] : memref<10000x128xf32, #tpu.memory_space<vmem_shared>> -> memref<40x128xf32, #tpu.memory_space<vmem_shared>>
        %dma_wait3A_247 = arith.constant 0 : i32
        %dma_wait3A_248 = tpu.memref_slice %arg14[%mul3A_241, %dma_wait3A_247] : memref<10000x128xf32, #tpu.memory_space<vmem_shared>> -> memref<40x128xf32, #tpu.memory_space<vmem_shared>>
        tpu.wait_dma2 semaphore(%run_scoped3A : memref<!tpu.dma_semaphore, #tpu.memory_space<semaphore_mem>>) src(%arg13 : memref<40x128xf32, #tpu.memory_space<vmem>>) dst(%dma_wait3A_248 : memref<40x128xf32, #tpu.memory_space<vmem_shared>>)
        tpu.yield
      }) : () -> ()
    } else {
    }
    %add3A_45 = arith.constant 96 : i32
    %add3A_46 = arith.addi %arg1, %add3A_45 : i32
    %lt3A_47 = arith.constant 250 : i32
    %lt3A_48 = arith.cmpi slt, %add3A_46, %lt3A_47 : i32
    %convert_element_type3A_49 = arith.extui %lt3A_48 : i1 to i32
    %cond3A_50 = arith.constant 0 : i32
    %cond3A_51 = arith.cmpi ne, %convert_element_type3A_49, %cond3A_50 : i32
    scf.if %cond3A_51 {
      %mul3A_240 = arith.constant 40 : i32
      %mul3A_241 = arith.muli %add3A_46, %mul3A_240 : i32
      "tpu.region"() ({
        %run_scoped3A = tpu.sem_alloc : memref<!tpu.dma_semaphore, #tpu.memory_space<semaphore_mem>>
        %dma_start3A = arith.constant 0 : i32
        %dma_start3A_242 = tpu.memref_slice %arg14[%mul3A_241, %dma_start3A] : memref<10000x128xf32, #tpu.memory_space<vmem_shared>> -> memref<40x128xf32, #tpu.memory_space<vmem_shared>>
        %dma_start3A_243 = arith.constant 0 : i32
        %dma_start3A_244 = tpu.memref_slice %arg14[%mul3A_241, %dma_start3A_243] : memref<10000x128xf32, #tpu.memory_space<vmem_shared>> -> memref<40x128xf32, #tpu.memory_space<vmem_shared>>
        tpu.enqueue_dma source(%arg13 : memref<40x128xf32, #tpu.memory_space<vmem>>) target(%dma_start3A_244 : memref<40x128xf32, #tpu.memory_space<vmem_shared>>) target_semaphore(%run_scoped3A : memref<!tpu.dma_semaphore, #tpu.memory_space<semaphore_mem>>)
        %dma_wait3A_245 = arith.constant 0 : i32
        %dma_wait3A_246 = tpu.memref_slice %arg14[%mul3A_241, %dma_wait3A_245] : memref<10000x128xf32, #tpu.memory_space<vmem_shared>> -> memref<40x128xf32, #tpu.memory_space<vmem_shared>>
        %dma_wait3A_247 = arith.constant 0 : i32
        %dma_wait3A_248 = tpu.memref_slice %arg14[%mul3A_241, %dma_wait3A_247] : memref<10000x128xf32, #tpu.memory_space<vmem_shared>> -> memref<40x128xf32, #tpu.memory_space<vmem_shared>>
        tpu.wait_dma2 semaphore(%run_scoped3A : memref<!tpu.dma_semaphore, #tpu.memory_space<semaphore_mem>>) src(%arg13 : memref<40x128xf32, #tpu.memory_space<vmem>>) dst(%dma_wait3A_248 : memref<40x128xf32, #tpu.memory_space<vmem_shared>>)
        tpu.yield
      }) : () -> ()
    } else {
    }
    %add3A_52 = arith.constant 112 : i32
    %add3A_53 = arith.addi %arg1, %add3A_52 : i32
    %lt3A_54 = arith.constant 250 : i32
    %lt3A_55 = arith.cmpi slt, %add3A_53, %lt3A_54 : i32
    %convert_element_type3A_56 = arith.extui %lt3A_55 : i1 to i32
    %cond3A_57 = arith.constant 0 : i32
    %cond3A_58 = arith.cmpi ne, %convert_element_type3A_56, %cond3A_57 : i32
    scf.if %cond3A_58 {
      %mul3A_240 = arith.constant 40 : i32
      %mul3A_241 = arith.muli %add3A_53, %mul3A_240 : i32
      "tpu.region"() ({
        %run_scoped3A = tpu.sem_alloc : memref<!tpu.dma_semaphore, #tpu.memory_space<semaphore_mem>>
        %dma_start3A = arith.constant 0 : i32
        %dma_start3A_242 = tpu.memref_slice %arg14[%mul3A_241, %dma_start3A] : memref<10000x128xf32, #tpu.memory_space<vmem_shared>> -> memref<40x128xf32, #tpu.memory_space<vmem_shared>>
        %dma_start3A_243 = arith.constant 0 : i32
        %dma_start3A_244 = tpu.memref_slice %arg14[%mul3A_241, %dma_start3A_243] : memref<10000x128xf32, #tpu.memory_space<vmem_shared>> -> memref<40x128xf32, #tpu.memory_space<vmem_shared>>
        tpu.enqueue_dma source(%arg13 : memref<40x128xf32, #tpu.memory_space<vmem>>) target(%dma_start3A_244 : memref<40x128xf32, #tpu.memory_space<vmem_shared>>) target_semaphore(%run_scoped3A : memref<!tpu.dma_semaphore, #tpu.memory_space<semaphore_mem>>)
        %dma_wait3A_245 = arith.constant 0 : i32
        %dma_wait3A_246 = tpu.memref_slice %arg14[%mul3A_241, %dma_wait3A_245] : memref<10000x128xf32, #tpu.memory_space<vmem_shared>> -> memref<40x128xf32, #tpu.memory_space<vmem_shared>>
        %dma_wait3A_247 = arith.constant 0 : i32
        %dma_wait3A_248 = tpu.memref_slice %arg14[%mul3A_241, %dma_wait3A_247] : memref<10000x128xf32, #tpu.memory_space<vmem_shared>> -> memref<40x128xf32, #tpu.memory_space<vmem_shared>>
        tpu.wait_dma2 semaphore(%run_scoped3A : memref<!tpu.dma_semaphore, #tpu.memory_space<semaphore_mem>>) src(%arg13 : memref<40x128xf32, #tpu.memory_space<vmem>>) dst(%dma_wait3A_248 : memref<40x128xf32, #tpu.memory_space<vmem_shared>>)
        tpu.yield
      }) : () -> ()
    } else {
    }
    %add3A_59 = arith.constant 128 : i32
    %add3A_60 = arith.addi %arg1, %add3A_59 : i32
    %lt3A_61 = arith.constant 250 : i32
    %lt3A_62 = arith.cmpi slt, %add3A_60, %lt3A_61 : i32
    %convert_element_type3A_63 = arith.extui %lt3A_62 : i1 to i32
    %cond3A_64 = arith.constant 0 : i32
    %cond3A_65 = arith.cmpi ne, %convert_element_type3A_63, %cond3A_64 : i32
    scf.if %cond3A_65 {
      %mul3A_240 = arith.constant 40 : i32
      %mul3A_241 = arith.muli %add3A_60, %mul3A_240 : i32
      "tpu.region"() ({
        %run_scoped3A = tpu.sem_alloc : memref<!tpu.dma_semaphore, #tpu.memory_space<semaphore_mem>>
        %dma_start3A = arith.constant 0 : i32
        %dma_start3A_242 = tpu.memref_slice %arg14[%mul3A_241, %dma_start3A] : memref<10000x128xf32, #tpu.memory_space<vmem_shared>> -> memref<40x128xf32, #tpu.memory_space<vmem_shared>>
        %dma_start3A_243 = arith.constant 0 : i32
        %dma_start3A_244 = tpu.memref_slice %arg14[%mul3A_241, %dma_start3A_243] : memref<10000x128xf32, #tpu.memory_space<vmem_shared>> -> memref<40x128xf32, #tpu.memory_space<vmem_shared>>
        tpu.enqueue_dma source(%arg13 : memref<40x128xf32, #tpu.memory_space<vmem>>) target(%dma_start3A_244 : memref<40x128xf32, #tpu.memory_space<vmem_shared>>) target_semaphore(%run_scoped3A : memref<!tpu.dma_semaphore, #tpu.memory_space<semaphore_mem>>)
        %dma_wait3A_245 = arith.constant 0 : i32
        %dma_wait3A_246 = tpu.memref_slice %arg14[%mul3A_241, %dma_wait3A_245] : memref<10000x128xf32, #tpu.memory_space<vmem_shared>> -> memref<40x128xf32, #tpu.memory_space<vmem_shared>>
        %dma_wait3A_247 = arith.constant 0 : i32
        %dma_wait3A_248 = tpu.memref_slice %arg14[%mul3A_241, %dma_wait3A_247] : memref<10000x128xf32, #tpu.memory_space<vmem_shared>> -> memref<40x128xf32, #tpu.memory_space<vmem_shared>>
        tpu.wait_dma2 semaphore(%run_scoped3A : memref<!tpu.dma_semaphore, #tpu.memory_space<semaphore_mem>>) src(%arg13 : memref<40x128xf32, #tpu.memory_space<vmem>>) dst(%dma_wait3A_248 : memref<40x128xf32, #tpu.memory_space<vmem_shared>>)
        tpu.yield
      }) : () -> ()
    } else {
    }
    %add3A_66 = arith.constant 144 : i32
    %add3A_67 = arith.addi %arg1, %add3A_66 : i32
    %lt3A_68 = arith.constant 250 : i32
    %lt3A_69 = arith.cmpi slt, %add3A_67, %lt3A_68 : i32
    %convert_element_type3A_70 = arith.extui %lt3A_69 : i1 to i32
    %cond3A_71 = arith.constant 0 : i32
    %cond3A_72 = arith.cmpi ne, %convert_element_type3A_70, %cond3A_71 : i32
    scf.if %cond3A_72 {
      %mul3A_240 = arith.constant 40 : i32
      %mul3A_241 = arith.muli %add3A_67, %mul3A_240 : i32
      "tpu.region"() ({
        %run_scoped3A = tpu.sem_alloc : memref<!tpu.dma_semaphore, #tpu.memory_space<semaphore_mem>>
        %dma_start3A = arith.constant 0 : i32
        %dma_start3A_242 = tpu.memref_slice %arg14[%mul3A_241, %dma_start3A] : memref<10000x128xf32, #tpu.memory_space<vmem_shared>> -> memref<40x128xf32, #tpu.memory_space<vmem_shared>>
        %dma_start3A_243 = arith.constant 0 : i32
        %dma_start3A_244 = tpu.memref_slice %arg14[%mul3A_241, %dma_start3A_243] : memref<10000x128xf32, #tpu.memory_space<vmem_shared>> -> memref<40x128xf32, #tpu.memory_space<vmem_shared>>
        tpu.enqueue_dma source(%arg13 : memref<40x128xf32, #tpu.memory_space<vmem>>) target(%dma_start3A_244 : memref<40x128xf32, #tpu.memory_space<vmem_shared>>) target_semaphore(%run_scoped3A : memref<!tpu.dma_semaphore, #tpu.memory_space<semaphore_mem>>)
        %dma_wait3A_245 = arith.constant 0 : i32
        %dma_wait3A_246 = tpu.memref_slice %arg14[%mul3A_241, %dma_wait3A_245] : memref<10000x128xf32, #tpu.memory_space<vmem_shared>> -> memref<40x128xf32, #tpu.memory_space<vmem_shared>>
        %dma_wait3A_247 = arith.constant 0 : i32
        %dma_wait3A_248 = tpu.memref_slice %arg14[%mul3A_241, %dma_wait3A_247] : memref<10000x128xf32, #tpu.memory_space<vmem_shared>> -> memref<40x128xf32, #tpu.memory_space<vmem_shared>>
        tpu.wait_dma2 semaphore(%run_scoped3A : memref<!tpu.dma_semaphore, #tpu.memory_space<semaphore_mem>>) src(%arg13 : memref<40x128xf32, #tpu.memory_space<vmem>>) dst(%dma_wait3A_248 : memref<40x128xf32, #tpu.memory_space<vmem_shared>>)
        tpu.yield
      }) : () -> ()
    } else {
    }
    %add3A_73 = arith.constant 160 : i32
    %add3A_74 = arith.addi %arg1, %add3A_73 : i32
    %lt3A_75 = arith.constant 250 : i32
    %lt3A_76 = arith.cmpi slt, %add3A_74, %lt3A_75 : i32
    %convert_element_type3A_77 = arith.extui %lt3A_76 : i1 to i32
    %cond3A_78 = arith.constant 0 : i32
    %cond3A_79 = arith.cmpi ne, %convert_element_type3A_77, %cond3A_78 : i32
    scf.if %cond3A_79 {
      %mul3A_240 = arith.constant 40 : i32
      %mul3A_241 = arith.muli %add3A_74, %mul3A_240 : i32
      "tpu.region"() ({
        %run_scoped3A = tpu.sem_alloc : memref<!tpu.dma_semaphore, #tpu.memory_space<semaphore_mem>>
        %dma_start3A = arith.constant 0 : i32
        %dma_start3A_242 = tpu.memref_slice %arg14[%mul3A_241, %dma_start3A] : memref<10000x128xf32, #tpu.memory_space<vmem_shared>> -> memref<40x128xf32, #tpu.memory_space<vmem_shared>>
        %dma_start3A_243 = arith.constant 0 : i32
        %dma_start3A_244 = tpu.memref_slice %arg14[%mul3A_241, %dma_start3A_243] : memref<10000x128xf32, #tpu.memory_space<vmem_shared>> -> memref<40x128xf32, #tpu.memory_space<vmem_shared>>
        tpu.enqueue_dma source(%arg13 : memref<40x128xf32, #tpu.memory_space<vmem>>) target(%dma_start3A_244 : memref<40x128xf32, #tpu.memory_space<vmem_shared>>) target_semaphore(%run_scoped3A : memref<!tpu.dma_semaphore, #tpu.memory_space<semaphore_mem>>)
        %dma_wait3A_245 = arith.constant 0 : i32
        %dma_wait3A_246 = tpu.memref_slice %arg14[%mul3A_241, %dma_wait3A_245] : memref<10000x128xf32, #tpu.memory_space<vmem_shared>> -> memref<40x128xf32, #tpu.memory_space<vmem_shared>>
        %dma_wait3A_247 = arith.constant 0 : i32
        %dma_wait3A_248 = tpu.memref_slice %arg14[%mul3A_241, %dma_wait3A_247] : memref<10000x128xf32, #tpu.memory_space<vmem_shared>> -> memref<40x128xf32, #tpu.memory_space<vmem_shared>>
        tpu.wait_dma2 semaphore(%run_scoped3A : memref<!tpu.dma_semaphore, #tpu.memory_space<semaphore_mem>>) src(%arg13 : memref<40x128xf32, #tpu.memory_space<vmem>>) dst(%dma_wait3A_248 : memref<40x128xf32, #tpu.memory_space<vmem_shared>>)
        tpu.yield
      }) : () -> ()
    } else {
    }
    %add3A_80 = arith.constant 176 : i32
    %add3A_81 = arith.addi %arg1, %add3A_80 : i32
    %lt3A_82 = arith.constant 250 : i32
    %lt3A_83 = arith.cmpi slt, %add3A_81, %lt3A_82 : i32
    %convert_element_type3A_84 = arith.extui %lt3A_83 : i1 to i32
    %cond3A_85 = arith.constant 0 : i32
    %cond3A_86 = arith.cmpi ne, %convert_element_type3A_84, %cond3A_85 : i32
    scf.if %cond3A_86 {
      %mul3A_240 = arith.constant 40 : i32
      %mul3A_241 = arith.muli %add3A_81, %mul3A_240 : i32
      "tpu.region"() ({
        %run_scoped3A = tpu.sem_alloc : memref<!tpu.dma_semaphore, #tpu.memory_space<semaphore_mem>>
        %dma_start3A = arith.constant 0 : i32
        %dma_start3A_242 = tpu.memref_slice %arg14[%mul3A_241, %dma_start3A] : memref<10000x128xf32, #tpu.memory_space<vmem_shared>> -> memref<40x128xf32, #tpu.memory_space<vmem_shared>>
        %dma_start3A_243 = arith.constant 0 : i32
        %dma_start3A_244 = tpu.memref_slice %arg14[%mul3A_241, %dma_start3A_243] : memref<10000x128xf32, #tpu.memory_space<vmem_shared>> -> memref<40x128xf32, #tpu.memory_space<vmem_shared>>
        tpu.enqueue_dma source(%arg13 : memref<40x128xf32, #tpu.memory_space<vmem>>) target(%dma_start3A_244 : memref<40x128xf32, #tpu.memory_space<vmem_shared>>) target_semaphore(%run_scoped3A : memref<!tpu.dma_semaphore, #tpu.memory_space<semaphore_mem>>)
        %dma_wait3A_245 = arith.constant 0 : i32
        %dma_wait3A_246 = tpu.memref_slice %arg14[%mul3A_241, %dma_wait3A_245] : memref<10000x128xf32, #tpu.memory_space<vmem_shared>> -> memref<40x128xf32, #tpu.memory_space<vmem_shared>>
        %dma_wait3A_247 = arith.constant 0 : i32
        %dma_wait3A_248 = tpu.memref_slice %arg14[%mul3A_241, %dma_wait3A_247] : memref<10000x128xf32, #tpu.memory_space<vmem_shared>> -> memref<40x128xf32, #tpu.memory_space<vmem_shared>>
        tpu.wait_dma2 semaphore(%run_scoped3A : memref<!tpu.dma_semaphore, #tpu.memory_space<semaphore_mem>>) src(%arg13 : memref<40x128xf32, #tpu.memory_space<vmem>>) dst(%dma_wait3A_248 : memref<40x128xf32, #tpu.memory_space<vmem_shared>>)
        tpu.yield
      }) : () -> ()
    } else {
    }
    %add3A_87 = arith.constant 192 : i32
    %add3A_88 = arith.addi %arg1, %add3A_87 : i32
    %lt3A_89 = arith.constant 250 : i32
    %lt3A_90 = arith.cmpi slt, %add3A_88, %lt3A_89 : i32
    %convert_element_type3A_91 = arith.extui %lt3A_90 : i1 to i32
    %cond3A_92 = arith.constant 0 : i32
    %cond3A_93 = arith.cmpi ne, %convert_element_type3A_91, %cond3A_92 : i32
    scf.if %cond3A_93 {
      %mul3A_240 = arith.constant 40 : i32
      %mul3A_241 = arith.muli %add3A_88, %mul3A_240 : i32
      "tpu.region"() ({
        %run_scoped3A = tpu.sem_alloc : memref<!tpu.dma_semaphore, #tpu.memory_space<semaphore_mem>>
        %dma_start3A = arith.constant 0 : i32
        %dma_start3A_242 = tpu.memref_slice %arg14[%mul3A_241, %dma_start3A] : memref<10000x128xf32, #tpu.memory_space<vmem_shared>> -> memref<40x128xf32, #tpu.memory_space<vmem_shared>>
        %dma_start3A_243 = arith.constant 0 : i32
        %dma_start3A_244 = tpu.memref_slice %arg14[%mul3A_241, %dma_start3A_243] : memref<10000x128xf32, #tpu.memory_space<vmem_shared>> -> memref<40x128xf32, #tpu.memory_space<vmem_shared>>
        tpu.enqueue_dma source(%arg13 : memref<40x128xf32, #tpu.memory_space<vmem>>) target(%dma_start3A_244 : memref<40x128xf32, #tpu.memory_space<vmem_shared>>) target_semaphore(%run_scoped3A : memref<!tpu.dma_semaphore, #tpu.memory_space<semaphore_mem>>)
        %dma_wait3A_245 = arith.constant 0 : i32
        %dma_wait3A_246 = tpu.memref_slice %arg14[%mul3A_241, %dma_wait3A_245] : memref<10000x128xf32, #tpu.memory_space<vmem_shared>> -> memref<40x128xf32, #tpu.memory_space<vmem_shared>>
        %dma_wait3A_247 = arith.constant 0 : i32
        %dma_wait3A_248 = tpu.memref_slice %arg14[%mul3A_241, %dma_wait3A_247] : memref<10000x128xf32, #tpu.memory_space<vmem_shared>> -> memref<40x128xf32, #tpu.memory_space<vmem_shared>>
        tpu.wait_dma2 semaphore(%run_scoped3A : memref<!tpu.dma_semaphore, #tpu.memory_space<semaphore_mem>>) src(%arg13 : memref<40x128xf32, #tpu.memory_space<vmem>>) dst(%dma_wait3A_248 : memref<40x128xf32, #tpu.memory_space<vmem_shared>>)
        tpu.yield
      }) : () -> ()
    } else {
    }
    %add3A_94 = arith.constant 208 : i32
    %add3A_95 = arith.addi %arg1, %add3A_94 : i32
    %lt3A_96 = arith.constant 250 : i32
    %lt3A_97 = arith.cmpi slt, %add3A_95, %lt3A_96 : i32
    %convert_element_type3A_98 = arith.extui %lt3A_97 : i1 to i32
    %cond3A_99 = arith.constant 0 : i32
    %cond3A_100 = arith.cmpi ne, %convert_element_type3A_98, %cond3A_99 : i32
    scf.if %cond3A_100 {
      %mul3A_240 = arith.constant 40 : i32
      %mul3A_241 = arith.muli %add3A_95, %mul3A_240 : i32
      "tpu.region"() ({
        %run_scoped3A = tpu.sem_alloc : memref<!tpu.dma_semaphore, #tpu.memory_space<semaphore_mem>>
        %dma_start3A = arith.constant 0 : i32
        %dma_start3A_242 = tpu.memref_slice %arg14[%mul3A_241, %dma_start3A] : memref<10000x128xf32, #tpu.memory_space<vmem_shared>> -> memref<40x128xf32, #tpu.memory_space<vmem_shared>>
        %dma_start3A_243 = arith.constant 0 : i32
        %dma_start3A_244 = tpu.memref_slice %arg14[%mul3A_241, %dma_start3A_243] : memref<10000x128xf32, #tpu.memory_space<vmem_shared>> -> memref<40x128xf32, #tpu.memory_space<vmem_shared>>
        tpu.enqueue_dma source(%arg13 : memref<40x128xf32, #tpu.memory_space<vmem>>) target(%dma_start3A_244 : memref<40x128xf32, #tpu.memory_space<vmem_shared>>) target_semaphore(%run_scoped3A : memref<!tpu.dma_semaphore, #tpu.memory_space<semaphore_mem>>)
        %dma_wait3A_245 = arith.constant 0 : i32
        %dma_wait3A_246 = tpu.memref_slice %arg14[%mul3A_241, %dma_wait3A_245] : memref<10000x128xf32, #tpu.memory_space<vmem_shared>> -> memref<40x128xf32, #tpu.memory_space<vmem_shared>>
        %dma_wait3A_247 = arith.constant 0 : i32
        %dma_wait3A_248 = tpu.memref_slice %arg14[%mul3A_241, %dma_wait3A_247] : memref<10000x128xf32, #tpu.memory_space<vmem_shared>> -> memref<40x128xf32, #tpu.memory_space<vmem_shared>>
        tpu.wait_dma2 semaphore(%run_scoped3A : memref<!tpu.dma_semaphore, #tpu.memory_space<semaphore_mem>>) src(%arg13 : memref<40x128xf32, #tpu.memory_space<vmem>>) dst(%dma_wait3A_248 : memref<40x128xf32, #tpu.memory_space<vmem_shared>>)
        tpu.yield
      }) : () -> ()
    } else {
    }
    %add3A_101 = arith.constant 224 : i32
    %add3A_102 = arith.addi %arg1, %add3A_101 : i32
    %lt3A_103 = arith.constant 250 : i32
    %lt3A_104 = arith.cmpi slt, %add3A_102, %lt3A_103 : i32
    %convert_element_type3A_105 = arith.extui %lt3A_104 : i1 to i32
    %cond3A_106 = arith.constant 0 : i32
    %cond3A_107 = arith.cmpi ne, %convert_element_type3A_105, %cond3A_106 : i32
    scf.if %cond3A_107 {
      %mul3A_240 = arith.constant 40 : i32
      %mul3A_241 = arith.muli %add3A_102, %mul3A_240 : i32
      "tpu.region"() ({
        %run_scoped3A = tpu.sem_alloc : memref<!tpu.dma_semaphore, #tpu.memory_space<semaphore_mem>>
        %dma_start3A = arith.constant 0 : i32
        %dma_start3A_242 = tpu.memref_slice %arg14[%mul3A_241, %dma_start3A] : memref<10000x128xf32, #tpu.memory_space<vmem_shared>> -> memref<40x128xf32, #tpu.memory_space<vmem_shared>>
        %dma_start3A_243 = arith.constant 0 : i32
        %dma_start3A_244 = tpu.memref_slice %arg14[%mul3A_241, %dma_start3A_243] : memref<10000x128xf32, #tpu.memory_space<vmem_shared>> -> memref<40x128xf32, #tpu.memory_space<vmem_shared>>
        tpu.enqueue_dma source(%arg13 : memref<40x128xf32, #tpu.memory_space<vmem>>) target(%dma_start3A_244 : memref<40x128xf32, #tpu.memory_space<vmem_shared>>) target_semaphore(%run_scoped3A : memref<!tpu.dma_semaphore, #tpu.memory_space<semaphore_mem>>)
        %dma_wait3A_245 = arith.constant 0 : i32
        %dma_wait3A_246 = tpu.memref_slice %arg14[%mul3A_241, %dma_wait3A_245] : memref<10000x128xf32, #tpu.memory_space<vmem_shared>> -> memref<40x128xf32, #tpu.memory_space<vmem_shared>>
        %dma_wait3A_247 = arith.constant 0 : i32
        %dma_wait3A_248 = tpu.memref_slice %arg14[%mul3A_241, %dma_wait3A_247] : memref<10000x128xf32, #tpu.memory_space<vmem_shared>> -> memref<40x128xf32, #tpu.memory_space<vmem_shared>>
        tpu.wait_dma2 semaphore(%run_scoped3A : memref<!tpu.dma_semaphore, #tpu.memory_space<semaphore_mem>>) src(%arg13 : memref<40x128xf32, #tpu.memory_space<vmem>>) dst(%dma_wait3A_248 : memref<40x128xf32, #tpu.memory_space<vmem_shared>>)
        tpu.yield
      }) : () -> ()
    } else {
    }
    %add3A_108 = arith.constant 240 : i32
    %add3A_109 = arith.addi %arg1, %add3A_108 : i32
    %lt3A_110 = arith.constant 250 : i32
    %lt3A_111 = arith.cmpi slt, %add3A_109, %lt3A_110 : i32
    %convert_element_type3A_112 = arith.extui %lt3A_111 : i1 to i32
    %cond3A_113 = arith.constant 0 : i32
    %cond3A_114 = arith.cmpi ne, %convert_element_type3A_112, %cond3A_113 : i32
    scf.if %cond3A_114 {
      %mul3A_240 = arith.constant 40 : i32
      %mul3A_241 = arith.muli %add3A_109, %mul3A_240 : i32
      "tpu.region"() ({
        %run_scoped3A = tpu.sem_alloc : memref<!tpu.dma_semaphore, #tpu.memory_space<semaphore_mem>>
        %dma_start3A = arith.constant 0 : i32
        %dma_start3A_242 = tpu.memref_slice %arg14[%mul3A_241, %dma_start3A] : memref<10000x128xf32, #tpu.memory_space<vmem_shared>> -> memref<40x128xf32, #tpu.memory_space<vmem_shared>>
        %dma_start3A_243 = arith.constant 0 : i32
        %dma_start3A_244 = tpu.memref_slice %arg14[%mul3A_241, %dma_start3A_243] : memref<10000x128xf32, #tpu.memory_space<vmem_shared>> -> memref<40x128xf32, #tpu.memory_space<vmem_shared>>
        tpu.enqueue_dma source(%arg13 : memref<40x128xf32, #tpu.memory_space<vmem>>) target(%dma_start3A_244 : memref<40x128xf32, #tpu.memory_space<vmem_shared>>) target_semaphore(%run_scoped3A : memref<!tpu.dma_semaphore, #tpu.memory_space<semaphore_mem>>)
        %dma_wait3A_245 = arith.constant 0 : i32
        %dma_wait3A_246 = tpu.memref_slice %arg14[%mul3A_241, %dma_wait3A_245] : memref<10000x128xf32, #tpu.memory_space<vmem_shared>> -> memref<40x128xf32, #tpu.memory_space<vmem_shared>>
        %dma_wait3A_247 = arith.constant 0 : i32
        %dma_wait3A_248 = tpu.memref_slice %arg14[%mul3A_241, %dma_wait3A_247] : memref<10000x128xf32, #tpu.memory_space<vmem_shared>> -> memref<40x128xf32, #tpu.memory_space<vmem_shared>>
        tpu.wait_dma2 semaphore(%run_scoped3A : memref<!tpu.dma_semaphore, #tpu.memory_space<semaphore_mem>>) src(%arg13 : memref<40x128xf32, #tpu.memory_space<vmem>>) dst(%dma_wait3A_248 : memref<40x128xf32, #tpu.memory_space<vmem_shared>>)
        tpu.yield
      }) : () -> ()
    } else {
    }
    %barrier3A = arith.constant 0 : index
    tpu.barrier barrier_id(%barrier3A)
    %iota3A = tpu.iota {dimensions = array<i32: 0>} : vector<16xi32>
    %scan3A_115 = arith.constant 0 : i32
    %scan3A_116 = arith.constant 0 : i32
    %scan3A_117 = arith.constant 5 : i32
    %scan3A_118 = arith.addi %scan3A_116, %scan3A_117 : i32
    %scan3A_119 = arith.constant 1 : i32
    scf.for %scan3A_240 = %scan3A_116 to %scan3A_118 step %scan3A_119  : i32 {
      %ge3A = arith.constant 1 : i32
      %ge3A_241 = arith.cmpi sge, %scan3A_240, %ge3A : i32
      %convert_element_type3A_242 = arith.extui %ge3A_241 : i1 to i32
      %cond3A_243 = arith.constant 0 : i32
      %cond3A_244 = arith.cmpi ne, %convert_element_type3A_242, %cond3A_243 : i32
      scf.if %cond3A_244 {
        %dma_wait3A_265 = arith.constant 0 : i32
        %dma_wait3A_266 = arith.constant 0 : i32
        %dma_wait3A_267 = tpu.memref_slice %arg7[%dma_wait3A_265, %dma_wait3A_266] : memref<50x40xi32, #tpu.memory_space<vmem>> -> memref<1x40xi32, #tpu.memory_space<vmem>>
        %dma_wait3A_268 = tpu.memref_squeeze %dma_wait3A_267 : memref<1x40xi32, #tpu.memory_space<vmem>> -> memref<40xi32, #tpu.memory_space<vmem>>
        %dma_wait3A_269 = arith.constant 0 : i32
        %dma_wait3A_270 = arith.constant 0 : i32
        %dma_wait3A_271 = tpu.memref_slice %arg14[%dma_wait3A_269, %dma_wait3A_270] : memref<10000x128xf32, #tpu.memory_space<vmem_shared>> -> memref<10000x128xf32, #tpu.memory_space<vmem_shared>>
        tpu.wait_indirect_dma semaphore(%arg17 : memref<!tpu.dma_semaphore, #tpu.memory_space<semaphore_mem>>) src(%arg13 : memref<40x128xf32, #tpu.memory_space<vmem>>) dst(%dma_wait3A_271 : memref<10000x128xf32, #tpu.memory_space<vmem_shared>>)
      } else {
      }
      "tpu.region"() ({
        %run_scoped3A = tpu.sem_alloc : memref<!tpu.dma_semaphore, #tpu.memory_space<semaphore_mem>>
        %dma_start3A_265 = arith.constant 0 : i32
        %dma_start3A_266 = arith.constant 0 : i32
        %dma_start3A_267 = tpu.memref_slice %arg4[%add3A, %scan3A_240, %dma_start3A_265, %dma_start3A_266] : memref<32x5x50x40xi32, #tpu.memory_space<hbm>> -> memref<1x1x50x40xi32, #tpu.memory_space<hbm>>
        %dma_start3A_268 = tpu.memref_squeeze %dma_start3A_267 : memref<1x1x50x40xi32, #tpu.memory_space<hbm>> -> memref<50x40xi32, #tpu.memory_space<hbm>>
        %dma_start3A_269 = arith.constant 0 : i32
        %dma_start3A_270 = arith.constant 0 : i32
        %dma_start3A_271 = tpu.memref_slice %arg4[%add3A, %scan3A_240, %dma_start3A_269, %dma_start3A_270] : memref<32x5x50x40xi32, #tpu.memory_space<hbm>> -> memref<1x1x50x40xi32, #tpu.memory_space<hbm>>
        %dma_start3A_272 = tpu.memref_squeeze %dma_start3A_271 : memref<1x1x50x40xi32, #tpu.memory_space<hbm>> -> memref<50x40xi32, #tpu.memory_space<hbm>>
        tpu.enqueue_dma source(%dma_start3A_272 : memref<50x40xi32, #tpu.memory_space<hbm>>) target(%arg7 : memref<50x40xi32, #tpu.memory_space<vmem>>) target_semaphore(%run_scoped3A : memref<!tpu.dma_semaphore, #tpu.memory_space<semaphore_mem>>)
        %dma_wait3A_273 = arith.constant 0 : i32
        %dma_wait3A_274 = arith.constant 0 : i32
        %dma_wait3A_275 = tpu.memref_slice %arg4[%add3A, %scan3A_240, %dma_wait3A_273, %dma_wait3A_274] : memref<32x5x50x40xi32, #tpu.memory_space<hbm>> -> memref<1x1x50x40xi32, #tpu.memory_space<hbm>>
        %dma_wait3A_276 = tpu.memref_squeeze %dma_wait3A_275 : memref<1x1x50x40xi32, #tpu.memory_space<hbm>> -> memref<50x40xi32, #tpu.memory_space<hbm>>
        %dma_wait3A_277 = arith.constant 0 : i32
        %dma_wait3A_278 = arith.constant 0 : i32
        %dma_wait3A_279 = tpu.memref_slice %arg4[%add3A, %scan3A_240, %dma_wait3A_277, %dma_wait3A_278] : memref<32x5x50x40xi32, #tpu.memory_space<hbm>> -> memref<1x1x50x40xi32, #tpu.memory_space<hbm>>
        %dma_wait3A_280 = tpu.memref_squeeze %dma_wait3A_279 : memref<1x1x50x40xi32, #tpu.memory_space<hbm>> -> memref<50x40xi32, #tpu.memory_space<hbm>>
        tpu.wait_dma2 semaphore(%run_scoped3A : memref<!tpu.dma_semaphore, #tpu.memory_space<semaphore_mem>>) src(%dma_wait3A_280 : memref<50x40xi32, #tpu.memory_space<hbm>>) dst(%arg7 : memref<50x40xi32, #tpu.memory_space<vmem>>)
        tpu.yield
      }) : () -> ()
      "tpu.region"() ({
        %run_scoped3A = tpu.sem_alloc : memref<!tpu.dma_semaphore, #tpu.memory_space<semaphore_mem>>
        %dma_start3A_265 = arith.constant 0 : i32
        %dma_start3A_266 = arith.constant 0 : i32
        %dma_start3A_267 = tpu.memref_slice %arg5[%add3A, %scan3A_240, %dma_start3A_265, %dma_start3A_266] : memref<32x5x50x40xi32, #tpu.memory_space<hbm>> -> memref<1x1x50x40xi32, #tpu.memory_space<hbm>>
        %dma_start3A_268 = tpu.memref_squeeze %dma_start3A_267 : memref<1x1x50x40xi32, #tpu.memory_space<hbm>> -> memref<50x40xi32, #tpu.memory_space<hbm>>
        %dma_start3A_269 = arith.constant 0 : i32
        %dma_start3A_270 = arith.constant 0 : i32
        %dma_start3A_271 = tpu.memref_slice %arg5[%add3A, %scan3A_240, %dma_start3A_269, %dma_start3A_270] : memref<32x5x50x40xi32, #tpu.memory_space<hbm>> -> memref<1x1x50x40xi32, #tpu.memory_space<hbm>>
        %dma_start3A_272 = tpu.memref_squeeze %dma_start3A_271 : memref<1x1x50x40xi32, #tpu.memory_space<hbm>> -> memref<50x40xi32, #tpu.memory_space<hbm>>
        tpu.enqueue_dma source(%dma_start3A_272 : memref<50x40xi32, #tpu.memory_space<hbm>>) target(%arg8 : memref<50x40xi32, #tpu.memory_space<vmem>>) target_semaphore(%run_scoped3A : memref<!tpu.dma_semaphore, #tpu.memory_space<semaphore_mem>>)
        %dma_wait3A_273 = arith.constant 0 : i32
        %dma_wait3A_274 = arith.constant 0 : i32
        %dma_wait3A_275 = tpu.memref_slice %arg5[%add3A, %scan3A_240, %dma_wait3A_273, %dma_wait3A_274] : memref<32x5x50x40xi32, #tpu.memory_space<hbm>> -> memref<1x1x50x40xi32, #tpu.memory_space<hbm>>
        %dma_wait3A_276 = tpu.memref_squeeze %dma_wait3A_275 : memref<1x1x50x40xi32, #tpu.memory_space<hbm>> -> memref<50x40xi32, #tpu.memory_space<hbm>>
        %dma_wait3A_277 = arith.constant 0 : i32
        %dma_wait3A_278 = arith.constant 0 : i32
        %dma_wait3A_279 = tpu.memref_slice %arg5[%add3A, %scan3A_240, %dma_wait3A_277, %dma_wait3A_278] : memref<32x5x50x40xi32, #tpu.memory_space<hbm>> -> memref<1x1x50x40xi32, #tpu.memory_space<hbm>>
        %dma_wait3A_280 = tpu.memref_squeeze %dma_wait3A_279 : memref<1x1x50x40xi32, #tpu.memory_space<hbm>> -> memref<50x40xi32, #tpu.memory_space<hbm>>
        tpu.wait_dma2 semaphore(%run_scoped3A : memref<!tpu.dma_semaphore, #tpu.memory_space<semaphore_mem>>) src(%dma_wait3A_280 : memref<50x40xi32, #tpu.memory_space<hbm>>) dst(%arg8 : memref<50x40xi32, #tpu.memory_space<vmem>>)
        tpu.yield
      }) : () -> ()
      %dma_start3A = arith.constant 0 : i32
      %dma_start3A_245 = arith.constant 0 : i32
      %dma_start3A_246 = tpu.memref_slice %arg7[%dma_start3A, %dma_start3A_245] : memref<50x40xi32, #tpu.memory_space<vmem>> -> memref<1x40xi32, #tpu.memory_space<vmem>>
      %dma_start3A_247 = tpu.memref_squeeze %dma_start3A_246 : memref<1x40xi32, #tpu.memory_space<vmem>> -> memref<40xi32, #tpu.memory_space<vmem>>
      %dma_start3A_248 = arith.constant 0 : i32
      %dma_start3A_249 = arith.constant 0 : i32
      %dma_start3A_250 = tpu.memref_slice %arg2[%dma_start3A_248, %dma_start3A_249] : memref<10000x128xf32, #tpu.memory_space<hbm>> -> memref<10000x128xf32, #tpu.memory_space<hbm>>
      tpu.enqueue_indirect_dma source(%dma_start3A_250 : memref<10000x128xf32, #tpu.memory_space<hbm>>) target(%arg9 : memref<40x128xf32, #tpu.memory_space<vmem>>) offsets(%dma_start3A_247 : memref<40xi32, #tpu.memory_space<vmem>>) semaphore(%arg15 : memref<!tpu.dma_semaphore, #tpu.memory_space<semaphore_mem>>)
      %dma_start3A_251 = arith.constant 0 : i32
      %dma_start3A_252 = arith.constant 0 : i32
      %dma_start3A_253 = tpu.memref_slice %arg8[%dma_start3A_251, %dma_start3A_252] : memref<50x40xi32, #tpu.memory_space<vmem>> -> memref<1x40xi32, #tpu.memory_space<vmem>>
      %dma_start3A_254 = tpu.memref_squeeze %dma_start3A_253 : memref<1x40xi32, #tpu.memory_space<vmem>> -> memref<40xi32, #tpu.memory_space<vmem>>
      %dma_start3A_255 = arith.constant 0 : i32
      %dma_start3A_256 = arith.constant 0 : i32
      %dma_start3A_257 = tpu.memref_slice %arg3[%dma_start3A_255, %dma_start3A_256] : memref<10000x256xf32, #tpu.memory_space<hbm>> -> memref<10000x256xf32, #tpu.memory_space<hbm>>
      tpu.enqueue_indirect_dma source(%dma_start3A_257 : memref<10000x256xf32, #tpu.memory_space<hbm>>) target(%arg10 : memref<40x256xf32, #tpu.memory_space<vmem>>) offsets(%dma_start3A_254 : memref<40xi32, #tpu.memory_space<vmem>>) semaphore(%arg15 : memref<!tpu.dma_semaphore, #tpu.memory_space<semaphore_mem>>)
      %scan3A_258 = arith.constant 0 : i32
      %scan3A_259 = arith.constant 0 : i32
      %scan3A_260 = arith.constant 25 : i32
      %scan3A_261 = arith.addi %scan3A_259, %scan3A_260 : i32
      %scan3A_262 = arith.constant 1 : i32
      %scan3A_263 = scf.for %scan3A_265 = %scan3A_259 to %scan3A_261 step %scan3A_262 iter_args(%scan3A_266 = %scan3A_258) -> (i32)  : i32 {
        %mul3A_267 = arith.constant 2 : i32
        %mul3A_268 = arith.muli %mul3A_267, %scan3A_265 : i32
        %add3A_269 = arith.constant 1 : i32
        %add3A_270 = arith.addi %mul3A_268, %add3A_269 : i32
        %dma_start3A_271 = arith.constant 0 : i32
        %dma_start3A_272 = tpu.memref_slice %arg7[%add3A_270, %dma_start3A_271] : memref<50x40xi32, #tpu.memory_space<vmem>> -> memref<1x40xi32, #tpu.memory_space<vmem>>
        %dma_start3A_273 = tpu.memref_squeeze %dma_start3A_272 : memref<1x40xi32, #tpu.memory_space<vmem>> -> memref<40xi32, #tpu.memory_space<vmem>>
        %dma_start3A_274 = arith.constant 0 : i32
        %dma_start3A_275 = arith.constant 0 : i32
        %dma_start3A_276 = tpu.memref_slice %arg2[%dma_start3A_274, %dma_start3A_275] : memref<10000x128xf32, #tpu.memory_space<hbm>> -> memref<10000x128xf32, #tpu.memory_space<hbm>>
        tpu.enqueue_indirect_dma source(%dma_start3A_276 : memref<10000x128xf32, #tpu.memory_space<hbm>>) target(%arg11 : memref<40x128xf32, #tpu.memory_space<vmem>>) offsets(%dma_start3A_273 : memref<40xi32, #tpu.memory_space<vmem>>) semaphore(%arg16 : memref<!tpu.dma_semaphore, #tpu.memory_space<semaphore_mem>>)
        %dma_start3A_277 = arith.constant 0 : i32
        %dma_start3A_278 = tpu.memref_slice %arg8[%add3A_270, %dma_start3A_277] : memref<50x40xi32, #tpu.memory_space<vmem>> -> memref<1x40xi32, #tpu.memory_space<vmem>>
        %dma_start3A_279 = tpu.memref_squeeze %dma_start3A_278 : memref<1x40xi32, #tpu.memory_space<vmem>> -> memref<40xi32, #tpu.memory_space<vmem>>
        %dma_start3A_280 = arith.constant 0 : i32
        %dma_start3A_281 = arith.constant 0 : i32
        %dma_start3A_282 = tpu.memref_slice %arg3[%dma_start3A_280, %dma_start3A_281] : memref<10000x256xf32, #tpu.memory_space<hbm>> -> memref<10000x256xf32, #tpu.memory_space<hbm>>
        tpu.enqueue_indirect_dma source(%dma_start3A_282 : memref<10000x256xf32, #tpu.memory_space<hbm>>) target(%arg12 : memref<40x256xf32, #tpu.memory_space<vmem>>) offsets(%dma_start3A_279 : memref<40xi32, #tpu.memory_space<vmem>>) semaphore(%arg16 : memref<!tpu.dma_semaphore, #tpu.memory_space<semaphore_mem>>)
        %dma_wait3A_283 = arith.constant 0 : i32
        %dma_wait3A_284 = arith.constant 0 : i32
        %dma_wait3A_285 = tpu.memref_slice %arg7[%dma_wait3A_283, %dma_wait3A_284] : memref<50x40xi32, #tpu.memory_space<vmem>> -> memref<1x40xi32, #tpu.memory_space<vmem>>
        %dma_wait3A_286 = tpu.memref_squeeze %dma_wait3A_285 : memref<1x40xi32, #tpu.memory_space<vmem>> -> memref<40xi32, #tpu.memory_space<vmem>>
        %dma_wait3A_287 = arith.constant 0 : i32
        %dma_wait3A_288 = arith.constant 0 : i32
        %dma_wait3A_289 = tpu.memref_slice %arg2[%dma_wait3A_287, %dma_wait3A_288] : memref<10000x128xf32, #tpu.memory_space<hbm>> -> memref<10000x128xf32, #tpu.memory_space<hbm>>
        tpu.wait_indirect_dma semaphore(%arg15 : memref<!tpu.dma_semaphore, #tpu.memory_space<semaphore_mem>>) src(%dma_wait3A_289 : memref<10000x128xf32, #tpu.memory_space<hbm>>) dst(%arg9 : memref<40x128xf32, #tpu.memory_space<vmem>>)
        %dma_wait3A_290 = arith.constant 0 : i32
        %dma_wait3A_291 = arith.constant 0 : i32
        %dma_wait3A_292 = tpu.memref_slice %arg8[%dma_wait3A_290, %dma_wait3A_291] : memref<50x40xi32, #tpu.memory_space<vmem>> -> memref<1x40xi32, #tpu.memory_space<vmem>>
        %dma_wait3A_293 = tpu.memref_squeeze %dma_wait3A_292 : memref<1x40xi32, #tpu.memory_space<vmem>> -> memref<40xi32, #tpu.memory_space<vmem>>
        %dma_wait3A_294 = arith.constant 0 : i32
        %dma_wait3A_295 = arith.constant 0 : i32
        %dma_wait3A_296 = tpu.memref_slice %arg3[%dma_wait3A_294, %dma_wait3A_295] : memref<10000x256xf32, #tpu.memory_space<hbm>> -> memref<10000x256xf32, #tpu.memory_space<hbm>>
        tpu.wait_indirect_dma semaphore(%arg15 : memref<!tpu.dma_semaphore, #tpu.memory_space<semaphore_mem>>) src(%dma_wait3A_296 : memref<10000x256xf32, #tpu.memory_space<hbm>>) dst(%arg10 : memref<40x256xf32, #tpu.memory_space<vmem>>)
        %ge3A_297 = arith.constant 1 : i32
        %ge3A_298 = arith.cmpi sge, %scan3A_266, %ge3A_297 : i32
        %convert_element_type3A_299 = arith.extui %ge3A_298 : i1 to i32
        %cond3A_300 = arith.constant 0 : i32
        %cond3A_301 = arith.cmpi ne, %convert_element_type3A_299, %cond3A_300 : i32
        scf.if %cond3A_301 {
          %dma_wait3A_358 = arith.constant 0 : i32
          %dma_wait3A_359 = arith.constant 0 : i32
          %dma_wait3A_360 = tpu.memref_slice %arg7[%dma_wait3A_358, %dma_wait3A_359] : memref<50x40xi32, #tpu.memory_space<vmem>> -> memref<1x40xi32, #tpu.memory_space<vmem>>
          %dma_wait3A_361 = tpu.memref_squeeze %dma_wait3A_360 : memref<1x40xi32, #tpu.memory_space<vmem>> -> memref<40xi32, #tpu.memory_space<vmem>>
          %dma_wait3A_362 = arith.constant 0 : i32
          %dma_wait3A_363 = arith.constant 0 : i32
          %dma_wait3A_364 = tpu.memref_slice %arg14[%dma_wait3A_362, %dma_wait3A_363] : memref<10000x128xf32, #tpu.memory_space<vmem_shared>> -> memref<10000x128xf32, #tpu.memory_space<vmem_shared>>
          tpu.wait_indirect_dma semaphore(%arg17 : memref<!tpu.dma_semaphore, #tpu.memory_space<semaphore_mem>>) src(%arg13 : memref<40x128xf32, #tpu.memory_space<vmem>>) dst(%dma_wait3A_364 : memref<10000x128xf32, #tpu.memory_space<vmem_shared>>)
        } else {
        }
        %mul3A_302 = arith.constant 2 : i32
        %mul3A_303 = arith.muli %mul3A_302, %scan3A_265 : i32
        %parallel_loop3A = arith.constant 0 : i32
        %parallel_loop3A_304 = arith.constant 40 : i32
        %parallel_loop3A_305 = arith.constant 1 : i32
        scf.for %parallel_loop3A_358 = %parallel_loop3A to %parallel_loop3A_304 step %parallel_loop3A_305  : i32 {
          %parallel_loop3A_359 = arith.constant 0.000000e+00 : f32
          %parallel_loop3A_360 = vector.broadcast %parallel_loop3A_359 : f32 to vector<16xf32>
          %parallel_loop3A_361 = arith.index_cast %parallel_loop3A_358 : i32 to index
          %parallel_loop3A_362 = arith.constant 0 : index
          %parallel_loop3A_363 = tpu.vector_load %arg9[%parallel_loop3A_361, %parallel_loop3A_362] {strides = array<i32>} : memref<40x128xf32, #tpu.memory_space<vmem>>, vector<1x16xf32>,
          %parallel_loop3A_364 = vector.shape_cast %parallel_loop3A_363 : vector<1x16xf32> to vector<16xf32>
          %parallel_loop3A_365 = arith.index_cast %parallel_loop3A_358 : i32 to index
          %parallel_loop3A_366 = arith.constant 0 : index
          %parallel_loop3A_367 = tpu.vector_load %arg10[%parallel_loop3A_365, %parallel_loop3A_366] {strides = array<i32>} : memref<40x256xf32, #tpu.memory_space<vmem>>, vector<1x16xf32>,
          %parallel_loop3A_368 = vector.shape_cast %parallel_loop3A_367 : vector<1x16xf32> to vector<16xf32>
          %parallel_loop3A_369 = arith.mulf %parallel_loop3A_364, %parallel_loop3A_368 : vector<16xf32>
          %parallel_loop3A_370 = arith.addf %parallel_loop3A_360, %parallel_loop3A_369 : vector<16xf32>
          %parallel_loop3A_371 = arith.index_cast %parallel_loop3A_358 : i32 to index
          %parallel_loop3A_372 = arith.constant 16 : index
          %parallel_loop3A_373 = tpu.vector_load %arg9[%parallel_loop3A_371, %parallel_loop3A_372] {strides = array<i32>} : memref<40x128xf32, #tpu.memory_space<vmem>>, vector<1x16xf32>,
          %parallel_loop3A_374 = vector.shape_cast %parallel_loop3A_373 : vector<1x16xf32> to vector<16xf32>
          %parallel_loop3A_375 = arith.index_cast %parallel_loop3A_358 : i32 to index
          %parallel_loop3A_376 = arith.constant 16 : index
          %parallel_loop3A_377 = tpu.vector_load %arg10[%parallel_loop3A_375, %parallel_loop3A_376] {strides = array<i32>} : memref<40x256xf32, #tpu.memory_space<vmem>>, vector<1x16xf32>,
          %parallel_loop3A_378 = vector.shape_cast %parallel_loop3A_377 : vector<1x16xf32> to vector<16xf32>
          %parallel_loop3A_379 = arith.mulf %parallel_loop3A_374, %parallel_loop3A_378 : vector<16xf32>
          %parallel_loop3A_380 = arith.addf %parallel_loop3A_370, %parallel_loop3A_379 : vector<16xf32>
          %parallel_loop3A_381 = arith.index_cast %parallel_loop3A_358 : i32 to index
          %parallel_loop3A_382 = arith.constant 32 : index
          %parallel_loop3A_383 = tpu.vector_load %arg9[%parallel_loop3A_381, %parallel_loop3A_382] {strides = array<i32>} : memref<40x128xf32, #tpu.memory_space<vmem>>, vector<1x16xf32>,
          %parallel_loop3A_384 = vector.shape_cast %parallel_loop3A_383 : vector<1x16xf32> to vector<16xf32>
          %parallel_loop3A_385 = arith.index_cast %parallel_loop3A_358 : i32 to index
          %parallel_loop3A_386 = arith.constant 32 : index
          %parallel_loop3A_387 = tpu.vector_load %arg10[%parallel_loop3A_385, %parallel_loop3A_386] {strides = array<i32>} : memref<40x256xf32, #tpu.memory_space<vmem>>, vector<1x16xf32>,
          %parallel_loop3A_388 = vector.shape_cast %parallel_loop3A_387 : vector<1x16xf32> to vector<16xf32>
          %parallel_loop3A_389 = arith.mulf %parallel_loop3A_384, %parallel_loop3A_388 : vector<16xf32>
          %parallel_loop3A_390 = arith.addf %parallel_loop3A_380, %parallel_loop3A_389 : vector<16xf32>
          %parallel_loop3A_391 = arith.index_cast %parallel_loop3A_358 : i32 to index
          %parallel_loop3A_392 = arith.constant 48 : index
          %parallel_loop3A_393 = tpu.vector_load %arg9[%parallel_loop3A_391, %parallel_loop3A_392] {strides = array<i32>} : memref<40x128xf32, #tpu.memory_space<vmem>>, vector<1x16xf32>,
          %parallel_loop3A_394 = vector.shape_cast %parallel_loop3A_393 : vector<1x16xf32> to vector<16xf32>
          %parallel_loop3A_395 = arith.index_cast %parallel_loop3A_358 : i32 to index
          %parallel_loop3A_396 = arith.constant 48 : index
          %parallel_loop3A_397 = tpu.vector_load %arg10[%parallel_loop3A_395, %parallel_loop3A_396] {strides = array<i32>} : memref<40x256xf32, #tpu.memory_space<vmem>>, vector<1x16xf32>,
          %parallel_loop3A_398 = vector.shape_cast %parallel_loop3A_397 : vector<1x16xf32> to vector<16xf32>
          %parallel_loop3A_399 = arith.mulf %parallel_loop3A_394, %parallel_loop3A_398 : vector<16xf32>
          %parallel_loop3A_400 = arith.addf %parallel_loop3A_390, %parallel_loop3A_399 : vector<16xf32>
          %parallel_loop3A_401 = arith.index_cast %parallel_loop3A_358 : i32 to index
          %parallel_loop3A_402 = arith.constant 64 : index
          %parallel_loop3A_403 = tpu.vector_load %arg9[%parallel_loop3A_401, %parallel_loop3A_402] {strides = array<i32>} : memref<40x128xf32, #tpu.memory_space<vmem>>, vector<1x16xf32>,
          %parallel_loop3A_404 = vector.shape_cast %parallel_loop3A_403 : vector<1x16xf32> to vector<16xf32>
          %parallel_loop3A_405 = arith.index_cast %parallel_loop3A_358 : i32 to index
          %parallel_loop3A_406 = arith.constant 64 : index
          %parallel_loop3A_407 = tpu.vector_load %arg10[%parallel_loop3A_405, %parallel_loop3A_406] {strides = array<i32>} : memref<40x256xf32, #tpu.memory_space<vmem>>, vector<1x16xf32>,
          %parallel_loop3A_408 = vector.shape_cast %parallel_loop3A_407 : vector<1x16xf32> to vector<16xf32>
          %parallel_loop3A_409 = arith.mulf %parallel_loop3A_404, %parallel_loop3A_408 : vector<16xf32>
          %parallel_loop3A_410 = arith.addf %parallel_loop3A_400, %parallel_loop3A_409 : vector<16xf32>
          %parallel_loop3A_411 = arith.index_cast %parallel_loop3A_358 : i32 to index
          %parallel_loop3A_412 = arith.constant 80 : index
          %parallel_loop3A_413 = tpu.vector_load %arg9[%parallel_loop3A_411, %parallel_loop3A_412] {strides = array<i32>} : memref<40x128xf32, #tpu.memory_space<vmem>>, vector<1x16xf32>,
          %parallel_loop3A_414 = vector.shape_cast %parallel_loop3A_413 : vector<1x16xf32> to vector<16xf32>
          %parallel_loop3A_415 = arith.index_cast %parallel_loop3A_358 : i32 to index
          %parallel_loop3A_416 = arith.constant 80 : index
          %parallel_loop3A_417 = tpu.vector_load %arg10[%parallel_loop3A_415, %parallel_loop3A_416] {strides = array<i32>} : memref<40x256xf32, #tpu.memory_space<vmem>>, vector<1x16xf32>,
          %parallel_loop3A_418 = vector.shape_cast %parallel_loop3A_417 : vector<1x16xf32> to vector<16xf32>
          %parallel_loop3A_419 = arith.mulf %parallel_loop3A_414, %parallel_loop3A_418 : vector<16xf32>
          %parallel_loop3A_420 = arith.addf %parallel_loop3A_410, %parallel_loop3A_419 : vector<16xf32>
          %parallel_loop3A_421 = arith.index_cast %parallel_loop3A_358 : i32 to index
          %parallel_loop3A_422 = arith.constant 96 : index
          %parallel_loop3A_423 = tpu.vector_load %arg9[%parallel_loop3A_421, %parallel_loop3A_422] {strides = array<i32>} : memref<40x128xf32, #tpu.memory_space<vmem>>, vector<1x16xf32>,
          %parallel_loop3A_424 = vector.shape_cast %parallel_loop3A_423 : vector<1x16xf32> to vector<16xf32>
          %parallel_loop3A_425 = arith.index_cast %parallel_loop3A_358 : i32 to index
          %parallel_loop3A_426 = arith.constant 96 : index
          %parallel_loop3A_427 = tpu.vector_load %arg10[%parallel_loop3A_425, %parallel_loop3A_426] {strides = array<i32>} : memref<40x256xf32, #tpu.memory_space<vmem>>, vector<1x16xf32>,
          %parallel_loop3A_428 = vector.shape_cast %parallel_loop3A_427 : vector<1x16xf32> to vector<16xf32>
          %parallel_loop3A_429 = arith.mulf %parallel_loop3A_424, %parallel_loop3A_428 : vector<16xf32>
          %parallel_loop3A_430 = arith.addf %parallel_loop3A_420, %parallel_loop3A_429 : vector<16xf32>
          %parallel_loop3A_431 = arith.index_cast %parallel_loop3A_358 : i32 to index
          %parallel_loop3A_432 = arith.constant 112 : index
          %parallel_loop3A_433 = tpu.vector_load %arg9[%parallel_loop3A_431, %parallel_loop3A_432] {strides = array<i32>} : memref<40x128xf32, #tpu.memory_space<vmem>>, vector<1x16xf32>,
          %parallel_loop3A_434 = vector.shape_cast %parallel_loop3A_433 : vector<1x16xf32> to vector<16xf32>
          %parallel_loop3A_435 = arith.index_cast %parallel_loop3A_358 : i32 to index
          %parallel_loop3A_436 = arith.constant 112 : index
          %parallel_loop3A_437 = tpu.vector_load %arg10[%parallel_loop3A_435, %parallel_loop3A_436] {strides = array<i32>} : memref<40x256xf32, #tpu.memory_space<vmem>>, vector<1x16xf32>,
          %parallel_loop3A_438 = vector.shape_cast %parallel_loop3A_437 : vector<1x16xf32> to vector<16xf32>
          %parallel_loop3A_439 = arith.mulf %parallel_loop3A_434, %parallel_loop3A_438 : vector<16xf32>
          %parallel_loop3A_440 = arith.addf %parallel_loop3A_430, %parallel_loop3A_439 : vector<16xf32>
          %parallel_loop3A_441 = arith.constant 1 : i32
          %parallel_loop3A_442 = vector.broadcast %parallel_loop3A_441 : i32 to vector<16xi32>
          %parallel_loop3A_443 = arith.xori %iota3A, %parallel_loop3A_442 : vector<16xi32>
          %parallel_loop3A_444 = vector.shape_cast %parallel_loop3A_443 : vector<16xi32> to vector<16x1xi32>
          %parallel_loop3A_445 = vector.shape_cast %parallel_loop3A_444 : vector<16x1xi32> to vector<16xi32>
          %parallel_loop3A_446 = tpu.dynamic_gather %parallel_loop3A_440[%parallel_loop3A_445] in [0] : vector<16xf32>, vector<16xi32> -> vector<16xf32>
          %parallel_loop3A_447 = arith.addf %parallel_loop3A_440, %parallel_loop3A_446 : vector<16xf32>
          %parallel_loop3A_448 = arith.constant 2 : i32
          %parallel_loop3A_449 = vector.broadcast %parallel_loop3A_448 : i32 to vector<16xi32>
          %parallel_loop3A_450 = arith.xori %iota3A, %parallel_loop3A_449 : vector<16xi32>
          %parallel_loop3A_451 = vector.shape_cast %parallel_loop3A_450 : vector<16xi32> to vector<16x1xi32>
          %parallel_loop3A_452 = vector.shape_cast %parallel_loop3A_451 : vector<16x1xi32> to vector<16xi32>
          %parallel_loop3A_453 = tpu.dynamic_gather %parallel_loop3A_447[%parallel_loop3A_452] in [0] : vector<16xf32>, vector<16xi32> -> vector<16xf32>
          %parallel_loop3A_454 = arith.addf %parallel_loop3A_447, %parallel_loop3A_453 : vector<16xf32>
          %parallel_loop3A_455 = arith.constant 4 : i32
          %parallel_loop3A_456 = vector.broadcast %parallel_loop3A_455 : i32 to vector<16xi32>
          %parallel_loop3A_457 = arith.xori %iota3A, %parallel_loop3A_456 : vector<16xi32>
          %parallel_loop3A_458 = vector.shape_cast %parallel_loop3A_457 : vector<16xi32> to vector<16x1xi32>
          %parallel_loop3A_459 = vector.shape_cast %parallel_loop3A_458 : vector<16x1xi32> to vector<16xi32>
          %parallel_loop3A_460 = tpu.dynamic_gather %parallel_loop3A_454[%parallel_loop3A_459] in [0] : vector<16xf32>, vector<16xi32> -> vector<16xf32>
          %parallel_loop3A_461 = arith.addf %parallel_loop3A_454, %parallel_loop3A_460 : vector<16xf32>
          %parallel_loop3A_462 = arith.constant 8 : i32
          %parallel_loop3A_463 = vector.broadcast %parallel_loop3A_462 : i32 to vector<16xi32>
          %parallel_loop3A_464 = arith.xori %iota3A, %parallel_loop3A_463 : vector<16xi32>
          %parallel_loop3A_465 = vector.shape_cast %parallel_loop3A_464 : vector<16xi32> to vector<16x1xi32>
          %parallel_loop3A_466 = vector.shape_cast %parallel_loop3A_465 : vector<16x1xi32> to vector<16xi32>
          %parallel_loop3A_467 = tpu.dynamic_gather %parallel_loop3A_461[%parallel_loop3A_466] in [0] : vector<16xf32>, vector<16xi32> -> vector<16xf32>
          %parallel_loop3A_468 = arith.addf %parallel_loop3A_461, %parallel_loop3A_467 : vector<16xf32>
          %parallel_loop3A_469 = arith.constant 0.000000e+00 : f32
          %parallel_loop3A_470 = vector.broadcast %parallel_loop3A_469 : f32 to vector<16xf32>
          %parallel_loop3A_471 = arith.cmpf oge, %parallel_loop3A_468, %parallel_loop3A_470 : vector<16xf32>
          %parallel_loop3A_472 = arith.constant 2.000000e-01 : f32
          %parallel_loop3A_473 = vector.broadcast %parallel_loop3A_472 : f32 to vector<16xf32>
          %parallel_loop3A_474 = arith.mulf %parallel_loop3A_468, %parallel_loop3A_473 : vector<16xf32>
          %parallel_loop3A_475 = arith.select %parallel_loop3A_471, %parallel_loop3A_468, %parallel_loop3A_474 : vector<16xi1>, vector<16xf32>
          %parallel_loop3A_476 = arith.index_cast %parallel_loop3A_358 : i32 to index
          %parallel_loop3A_477 = arith.constant 128 : index
          %parallel_loop3A_478 = tpu.vector_load %arg10[%parallel_loop3A_476, %parallel_loop3A_477] {strides = array<i32>} : memref<40x256xf32, #tpu.memory_space<vmem>>, vector<1x16xf32>,
          %parallel_loop3A_479 = vector.shape_cast %parallel_loop3A_478 : vector<1x16xf32> to vector<16xf32>
          %parallel_loop3A_480 = arith.mulf %parallel_loop3A_475, %parallel_loop3A_479 : vector<16xf32>
          %parallel_loop3A_481 = arith.index_cast %parallel_loop3A_358 : i32 to index
          %parallel_loop3A_482 = arith.constant 0 : index
          %parallel_loop3A_483 = tpu.vector_load %arg13[%parallel_loop3A_481, %parallel_loop3A_482] {strides = array<i32>} : memref<40x128xf32, #tpu.memory_space<vmem>>, vector<1x16xf32>,
          %parallel_loop3A_484 = vector.shape_cast %parallel_loop3A_483 : vector<1x16xf32> to vector<16xf32>
          %parallel_loop3A_485 = vector.shape_cast %parallel_loop3A_480 : vector<16xf32> to vector<1x16xf32>
          tpu.vector_store %arg13[%parallel_loop3A_481, %parallel_loop3A_482], %parallel_loop3A_485 {strides = array<i32>} : memref<40x128xf32, #tpu.memory_space<vmem>>, vector<1x16xf32>,
          %parallel_loop3A_486 = arith.index_cast %parallel_loop3A_358 : i32 to index
          %parallel_loop3A_487 = arith.constant 144 : index
          %parallel_loop3A_488 = tpu.vector_load %arg10[%parallel_loop3A_486, %parallel_loop3A_487] {strides = array<i32>} : memref<40x256xf32, #tpu.memory_space<vmem>>, vector<1x16xf32>,
          %parallel_loop3A_489 = vector.shape_cast %parallel_loop3A_488 : vector<1x16xf32> to vector<16xf32>
          %parallel_loop3A_490 = arith.mulf %parallel_loop3A_475, %parallel_loop3A_489 : vector<16xf32>
          %parallel_loop3A_491 = arith.index_cast %parallel_loop3A_358 : i32 to index
          %parallel_loop3A_492 = arith.constant 16 : index
          %parallel_loop3A_493 = tpu.vector_load %arg13[%parallel_loop3A_491, %parallel_loop3A_492] {strides = array<i32>} : memref<40x128xf32, #tpu.memory_space<vmem>>, vector<1x16xf32>,
          %parallel_loop3A_494 = vector.shape_cast %parallel_loop3A_493 : vector<1x16xf32> to vector<16xf32>
          %parallel_loop3A_495 = vector.shape_cast %parallel_loop3A_490 : vector<16xf32> to vector<1x16xf32>
          tpu.vector_store %arg13[%parallel_loop3A_491, %parallel_loop3A_492], %parallel_loop3A_495 {strides = array<i32>} : memref<40x128xf32, #tpu.memory_space<vmem>>, vector<1x16xf32>,
          %parallel_loop3A_496 = arith.index_cast %parallel_loop3A_358 : i32 to index
          %parallel_loop3A_497 = arith.constant 160 : index
          %parallel_loop3A_498 = tpu.vector_load %arg10[%parallel_loop3A_496, %parallel_loop3A_497] {strides = array<i32>} : memref<40x256xf32, #tpu.memory_space<vmem>>, vector<1x16xf32>,
          %parallel_loop3A_499 = vector.shape_cast %parallel_loop3A_498 : vector<1x16xf32> to vector<16xf32>
          %parallel_loop3A_500 = arith.mulf %parallel_loop3A_475, %parallel_loop3A_499 : vector<16xf32>
          %parallel_loop3A_501 = arith.index_cast %parallel_loop3A_358 : i32 to index
          %parallel_loop3A_502 = arith.constant 32 : index
          %parallel_loop3A_503 = tpu.vector_load %arg13[%parallel_loop3A_501, %parallel_loop3A_502] {strides = array<i32>} : memref<40x128xf32, #tpu.memory_space<vmem>>, vector<1x16xf32>,
          %parallel_loop3A_504 = vector.shape_cast %parallel_loop3A_503 : vector<1x16xf32> to vector<16xf32>
          %parallel_loop3A_505 = vector.shape_cast %parallel_loop3A_500 : vector<16xf32> to vector<1x16xf32>
          tpu.vector_store %arg13[%parallel_loop3A_501, %parallel_loop3A_502], %parallel_loop3A_505 {strides = array<i32>} : memref<40x128xf32, #tpu.memory_space<vmem>>, vector<1x16xf32>,
          %parallel_loop3A_506 = arith.index_cast %parallel_loop3A_358 : i32 to index
          %parallel_loop3A_507 = arith.constant 176 : index
          %parallel_loop3A_508 = tpu.vector_load %arg10[%parallel_loop3A_506, %parallel_loop3A_507] {strides = array<i32>} : memref<40x256xf32, #tpu.memory_space<vmem>>, vector<1x16xf32>,
          %parallel_loop3A_509 = vector.shape_cast %parallel_loop3A_508 : vector<1x16xf32> to vector<16xf32>
          %parallel_loop3A_510 = arith.mulf %parallel_loop3A_475, %parallel_loop3A_509 : vector<16xf32>
          %parallel_loop3A_511 = arith.index_cast %parallel_loop3A_358 : i32 to index
          %parallel_loop3A_512 = arith.constant 48 : index
          %parallel_loop3A_513 = tpu.vector_load %arg13[%parallel_loop3A_511, %parallel_loop3A_512] {strides = array<i32>} : memref<40x128xf32, #tpu.memory_space<vmem>>, vector<1x16xf32>,
          %parallel_loop3A_514 = vector.shape_cast %parallel_loop3A_513 : vector<1x16xf32> to vector<16xf32>
          %parallel_loop3A_515 = vector.shape_cast %parallel_loop3A_510 : vector<16xf32> to vector<1x16xf32>
          tpu.vector_store %arg13[%parallel_loop3A_511, %parallel_loop3A_512], %parallel_loop3A_515 {strides = array<i32>} : memref<40x128xf32, #tpu.memory_space<vmem>>, vector<1x16xf32>,
          %parallel_loop3A_516 = arith.index_cast %parallel_loop3A_358 : i32 to index
          %parallel_loop3A_517 = arith.constant 192 : index
          %parallel_loop3A_518 = tpu.vector_load %arg10[%parallel_loop3A_516, %parallel_loop3A_517] {strides = array<i32>} : memref<40x256xf32, #tpu.memory_space<vmem>>, vector<1x16xf32>,
          %parallel_loop3A_519 = vector.shape_cast %parallel_loop3A_518 : vector<1x16xf32> to vector<16xf32>
          %parallel_loop3A_520 = arith.mulf %parallel_loop3A_475, %parallel_loop3A_519 : vector<16xf32>
          %parallel_loop3A_521 = arith.index_cast %parallel_loop3A_358 : i32 to index
          %parallel_loop3A_522 = arith.constant 64 : index
          %parallel_loop3A_523 = tpu.vector_load %arg13[%parallel_loop3A_521, %parallel_loop3A_522] {strides = array<i32>} : memref<40x128xf32, #tpu.memory_space<vmem>>, vector<1x16xf32>,
          %parallel_loop3A_524 = vector.shape_cast %parallel_loop3A_523 : vector<1x16xf32> to vector<16xf32>
          %parallel_loop3A_525 = vector.shape_cast %parallel_loop3A_520 : vector<16xf32> to vector<1x16xf32>
          tpu.vector_store %arg13[%parallel_loop3A_521, %parallel_loop3A_522], %parallel_loop3A_525 {strides = array<i32>} : memref<40x128xf32, #tpu.memory_space<vmem>>, vector<1x16xf32>,
          %parallel_loop3A_526 = arith.index_cast %parallel_loop3A_358 : i32 to index
          %parallel_loop3A_527 = arith.constant 208 : index
          %parallel_loop3A_528 = tpu.vector_load %arg10[%parallel_loop3A_526, %parallel_loop3A_527] {strides = array<i32>} : memref<40x256xf32, #tpu.memory_space<vmem>>, vector<1x16xf32>,
          %parallel_loop3A_529 = vector.shape_cast %parallel_loop3A_528 : vector<1x16xf32> to vector<16xf32>
          %parallel_loop3A_530 = arith.mulf %parallel_loop3A_475, %parallel_loop3A_529 : vector<16xf32>
          %parallel_loop3A_531 = arith.index_cast %parallel_loop3A_358 : i32 to index
          %parallel_loop3A_532 = arith.constant 80 : index
          %parallel_loop3A_533 = tpu.vector_load %arg13[%parallel_loop3A_531, %parallel_loop3A_532] {strides = array<i32>} : memref<40x128xf32, #tpu.memory_space<vmem>>, vector<1x16xf32>,
          %parallel_loop3A_534 = vector.shape_cast %parallel_loop3A_533 : vector<1x16xf32> to vector<16xf32>
          %parallel_loop3A_535 = vector.shape_cast %parallel_loop3A_530 : vector<16xf32> to vector<1x16xf32>
          tpu.vector_store %arg13[%parallel_loop3A_531, %parallel_loop3A_532], %parallel_loop3A_535 {strides = array<i32>} : memref<40x128xf32, #tpu.memory_space<vmem>>, vector<1x16xf32>,
          %parallel_loop3A_536 = arith.index_cast %parallel_loop3A_358 : i32 to index
          %parallel_loop3A_537 = arith.constant 224 : index
          %parallel_loop3A_538 = tpu.vector_load %arg10[%parallel_loop3A_536, %parallel_loop3A_537] {strides = array<i32>} : memref<40x256xf32, #tpu.memory_space<vmem>>, vector<1x16xf32>,
          %parallel_loop3A_539 = vector.shape_cast %parallel_loop3A_538 : vector<1x16xf32> to vector<16xf32>
          %parallel_loop3A_540 = arith.mulf %parallel_loop3A_475, %parallel_loop3A_539 : vector<16xf32>
          %parallel_loop3A_541 = arith.index_cast %parallel_loop3A_358 : i32 to index
          %parallel_loop3A_542 = arith.constant 96 : index
          %parallel_loop3A_543 = tpu.vector_load %arg13[%parallel_loop3A_541, %parallel_loop3A_542] {strides = array<i32>} : memref<40x128xf32, #tpu.memory_space<vmem>>, vector<1x16xf32>,
          %parallel_loop3A_544 = vector.shape_cast %parallel_loop3A_543 : vector<1x16xf32> to vector<16xf32>
          %parallel_loop3A_545 = vector.shape_cast %parallel_loop3A_540 : vector<16xf32> to vector<1x16xf32>
          tpu.vector_store %arg13[%parallel_loop3A_541, %parallel_loop3A_542], %parallel_loop3A_545 {strides = array<i32>} : memref<40x128xf32, #tpu.memory_space<vmem>>, vector<1x16xf32>,
          %parallel_loop3A_546 = arith.index_cast %parallel_loop3A_358 : i32 to index
          %parallel_loop3A_547 = arith.constant 240 : index
          %parallel_loop3A_548 = tpu.vector_load %arg10[%parallel_loop3A_546, %parallel_loop3A_547] {strides = array<i32>} : memref<40x256xf32, #tpu.memory_space<vmem>>, vector<1x16xf32>,
          %parallel_loop3A_549 = vector.shape_cast %parallel_loop3A_548 : vector<1x16xf32> to vector<16xf32>
          %parallel_loop3A_550 = arith.mulf %parallel_loop3A_475, %parallel_loop3A_549 : vector<16xf32>
          %parallel_loop3A_551 = arith.index_cast %parallel_loop3A_358 : i32 to index
          %parallel_loop3A_552 = arith.constant 112 : index
          %parallel_loop3A_553 = tpu.vector_load %arg13[%parallel_loop3A_551, %parallel_loop3A_552] {strides = array<i32>} : memref<40x128xf32, #tpu.memory_space<vmem>>, vector<1x16xf32>,
          %parallel_loop3A_554 = vector.shape_cast %parallel_loop3A_553 : vector<1x16xf32> to vector<16xf32>
          %parallel_loop3A_555 = vector.shape_cast %parallel_loop3A_550 : vector<16xf32> to vector<1x16xf32>
          tpu.vector_store %arg13[%parallel_loop3A_551, %parallel_loop3A_552], %parallel_loop3A_555 {strides = array<i32>} : memref<40x128xf32, #tpu.memory_space<vmem>>, vector<1x16xf32>,
        } {sc.loop_unroll_factor = 2 : i64, sc.parallel_access}
        %mul3A_306 = arith.constant 2 : i32
        %mul3A_307 = arith.muli %mul3A_306, %scan3A_265 : i32
        %dma_start3A_308 = arith.constant 0 : i32
        %dma_start3A_309 = tpu.memref_slice %arg7[%mul3A_307, %dma_start3A_308] : memref<50x40xi32, #tpu.memory_space<vmem>> -> memref<1x40xi32, #tpu.memory_space<vmem>>
        %dma_start3A_310 = tpu.memref_squeeze %dma_start3A_309 : memref<1x40xi32, #tpu.memory_space<vmem>> -> memref<40xi32, #tpu.memory_space<vmem>>
        %dma_start3A_311 = arith.constant 0 : i32
        %dma_start3A_312 = arith.constant 0 : i32
        %dma_start3A_313 = tpu.memref_slice %arg14[%dma_start3A_311, %dma_start3A_312] : memref<10000x128xf32, #tpu.memory_space<vmem_shared>> -> memref<10000x128xf32, #tpu.memory_space<vmem_shared>>
        tpu.enqueue_indirect_dma source(%arg13 : memref<40x128xf32, #tpu.memory_space<vmem>>) target(%dma_start3A_313 : memref<10000x128xf32, #tpu.memory_space<vmem_shared>>) offsets(%dma_start3A_310 : memref<40xi32, #tpu.memory_space<vmem>>) semaphore(%arg17 : memref<!tpu.dma_semaphore, #tpu.memory_space<semaphore_mem>>) {add = true}
        %lt3A_314 = arith.constant 24 : i32
        %lt3A_315 = arith.cmpi slt, %scan3A_265, %lt3A_314 : i32
        %convert_element_type3A_316 = arith.extui %lt3A_315 : i1 to i32
        %cond3A_317 = arith.constant 0 : i32
        %cond3A_318 = arith.cmpi ne, %convert_element_type3A_316, %cond3A_317 : i32
        scf.if %cond3A_318 {
          %mul3A_358 = arith.constant 2 : i32
          %mul3A_359 = arith.muli %mul3A_358, %scan3A_265 : i32
          %add3A_360 = arith.constant 2 : i32
          %add3A_361 = arith.addi %mul3A_359, %add3A_360 : i32
          %dma_start3A_362 = arith.constant 0 : i32
          %dma_start3A_363 = tpu.memref_slice %arg7[%add3A_361, %dma_start3A_362] : memref<50x40xi32, #tpu.memory_space<vmem>> -> memref<1x40xi32, #tpu.memory_space<vmem>>
          %dma_start3A_364 = tpu.memref_squeeze %dma_start3A_363 : memref<1x40xi32, #tpu.memory_space<vmem>> -> memref<40xi32, #tpu.memory_space<vmem>>
          %dma_start3A_365 = arith.constant 0 : i32
          %dma_start3A_366 = arith.constant 0 : i32
          %dma_start3A_367 = tpu.memref_slice %arg2[%dma_start3A_365, %dma_start3A_366] : memref<10000x128xf32, #tpu.memory_space<hbm>> -> memref<10000x128xf32, #tpu.memory_space<hbm>>
          tpu.enqueue_indirect_dma source(%dma_start3A_367 : memref<10000x128xf32, #tpu.memory_space<hbm>>) target(%arg9 : memref<40x128xf32, #tpu.memory_space<vmem>>) offsets(%dma_start3A_364 : memref<40xi32, #tpu.memory_space<vmem>>) semaphore(%arg15 : memref<!tpu.dma_semaphore, #tpu.memory_space<semaphore_mem>>)
          %dma_start3A_368 = arith.constant 0 : i32
          %dma_start3A_369 = tpu.memref_slice %arg8[%add3A_361, %dma_start3A_368] : memref<50x40xi32, #tpu.memory_space<vmem>> -> memref<1x40xi32, #tpu.memory_space<vmem>>
          %dma_start3A_370 = tpu.memref_squeeze %dma_start3A_369 : memref<1x40xi32, #tpu.memory_space<vmem>> -> memref<40xi32, #tpu.memory_space<vmem>>
          %dma_start3A_371 = arith.constant 0 : i32
          %dma_start3A_372 = arith.constant 0 : i32
          %dma_start3A_373 = tpu.memref_slice %arg3[%dma_start3A_371, %dma_start3A_372] : memref<10000x256xf32, #tpu.memory_space<hbm>> -> memref<10000x256xf32, #tpu.memory_space<hbm>>
          tpu.enqueue_indirect_dma source(%dma_start3A_373 : memref<10000x256xf32, #tpu.memory_space<hbm>>) target(%arg10 : memref<40x256xf32, #tpu.memory_space<vmem>>) offsets(%dma_start3A_370 : memref<40xi32, #tpu.memory_space<vmem>>) semaphore(%arg15 : memref<!tpu.dma_semaphore, #tpu.memory_space<semaphore_mem>>)
        } else {
        }
        %dma_wait3A_319 = arith.constant 0 : i32
        %dma_wait3A_320 = arith.constant 0 : i32
        %dma_wait3A_321 = tpu.memref_slice %arg7[%dma_wait3A_319, %dma_wait3A_320] : memref<50x40xi32, #tpu.memory_space<vmem>> -> memref<1x40xi32, #tpu.memory_space<vmem>>
        %dma_wait3A_322 = tpu.memref_squeeze %dma_wait3A_321 : memref<1x40xi32, #tpu.memory_space<vmem>> -> memref<40xi32, #tpu.memory_space<vmem>>
        %dma_wait3A_323 = arith.constant 0 : i32
        %dma_wait3A_324 = arith.constant 0 : i32
        %dma_wait3A_325 = tpu.memref_slice %arg2[%dma_wait3A_323, %dma_wait3A_324] : memref<10000x128xf32, #tpu.memory_space<hbm>> -> memref<10000x128xf32, #tpu.memory_space<hbm>>
        tpu.wait_indirect_dma semaphore(%arg16 : memref<!tpu.dma_semaphore, #tpu.memory_space<semaphore_mem>>) src(%dma_wait3A_325 : memref<10000x128xf32, #tpu.memory_space<hbm>>) dst(%arg11 : memref<40x128xf32, #tpu.memory_space<vmem>>)
        %dma_wait3A_326 = arith.constant 0 : i32
        %dma_wait3A_327 = arith.constant 0 : i32
        %dma_wait3A_328 = tpu.memref_slice %arg8[%dma_wait3A_326, %dma_wait3A_327] : memref<50x40xi32, #tpu.memory_space<vmem>> -> memref<1x40xi32, #tpu.memory_space<vmem>>
        %dma_wait3A_329 = tpu.memref_squeeze %dma_wait3A_328 : memref<1x40xi32, #tpu.memory_space<vmem>> -> memref<40xi32, #tpu.memory_space<vmem>>
        %dma_wait3A_330 = arith.constant 0 : i32
        %dma_wait3A_331 = arith.constant 0 : i32
        %dma_wait3A_332 = tpu.memref_slice %arg3[%dma_wait3A_330, %dma_wait3A_331] : memref<10000x256xf32, #tpu.memory_space<hbm>> -> memref<10000x256xf32, #tpu.memory_space<hbm>>
        tpu.wait_indirect_dma semaphore(%arg16 : memref<!tpu.dma_semaphore, #tpu.memory_space<semaphore_mem>>) src(%dma_wait3A_332 : memref<10000x256xf32, #tpu.memory_space<hbm>>) dst(%arg12 : memref<40x256xf32, #tpu.memory_space<vmem>>)
        %dma_wait3A_333 = arith.constant 0 : i32
        %dma_wait3A_334 = arith.constant 0 : i32
        %dma_wait3A_335 = tpu.memref_slice %arg7[%dma_wait3A_333, %dma_wait3A_334] : memref<50x40xi32, #tpu.memory_space<vmem>> -> memref<1x40xi32, #tpu.memory_space<vmem>>
        %dma_wait3A_336 = tpu.memref_squeeze %dma_wait3A_335 : memref<1x40xi32, #tpu.memory_space<vmem>> -> memref<40xi32, #tpu.memory_space<vmem>>
        %dma_wait3A_337 = arith.constant 0 : i32
        %dma_wait3A_338 = arith.constant 0 : i32
        %dma_wait3A_339 = tpu.memref_slice %arg14[%dma_wait3A_337, %dma_wait3A_338] : memref<10000x128xf32, #tpu.memory_space<vmem_shared>> -> memref<10000x128xf32, #tpu.memory_space<vmem_shared>>
        tpu.wait_indirect_dma semaphore(%arg17 : memref<!tpu.dma_semaphore, #tpu.memory_space<semaphore_mem>>) src(%arg13 : memref<40x128xf32, #tpu.memory_space<vmem>>) dst(%dma_wait3A_339 : memref<10000x128xf32, #tpu.memory_space<vmem_shared>>)
        %mul3A_340 = arith.constant 2 : i32
        %mul3A_341 = arith.muli %mul3A_340, %scan3A_265 : i32
        %add3A_342 = arith.constant 1 : i32
        %add3A_343 = arith.addi %mul3A_341, %add3A_342 : i32
        %parallel_loop3A_344 = arith.constant 0 : i32
        %parallel_loop3A_345 = arith.constant 40 : i32
        %parallel_loop3A_346 = arith.constant 1 : i32
        scf.for %parallel_loop3A_358 = %parallel_loop3A_344 to %parallel_loop3A_345 step %parallel_loop3A_346  : i32 {
          %parallel_loop3A_359 = arith.constant 0.000000e+00 : f32
          %parallel_loop3A_360 = vector.broadcast %parallel_loop3A_359 : f32 to vector<16xf32>
          %parallel_loop3A_361 = arith.index_cast %parallel_loop3A_358 : i32 to index
          %parallel_loop3A_362 = arith.constant 0 : index
          %parallel_loop3A_363 = tpu.vector_load %arg11[%parallel_loop3A_361, %parallel_loop3A_362] {strides = array<i32>} : memref<40x128xf32, #tpu.memory_space<vmem>>, vector<1x16xf32>,
          %parallel_loop3A_364 = vector.shape_cast %parallel_loop3A_363 : vector<1x16xf32> to vector<16xf32>
          %parallel_loop3A_365 = arith.index_cast %parallel_loop3A_358 : i32 to index
          %parallel_loop3A_366 = arith.constant 0 : index
          %parallel_loop3A_367 = tpu.vector_load %arg12[%parallel_loop3A_365, %parallel_loop3A_366] {strides = array<i32>} : memref<40x256xf32, #tpu.memory_space<vmem>>, vector<1x16xf32>,
          %parallel_loop3A_368 = vector.shape_cast %parallel_loop3A_367 : vector<1x16xf32> to vector<16xf32>
          %parallel_loop3A_369 = arith.mulf %parallel_loop3A_364, %parallel_loop3A_368 : vector<16xf32>
          %parallel_loop3A_370 = arith.addf %parallel_loop3A_360, %parallel_loop3A_369 : vector<16xf32>
          %parallel_loop3A_371 = arith.index_cast %parallel_loop3A_358 : i32 to index
          %parallel_loop3A_372 = arith.constant 16 : index
          %parallel_loop3A_373 = tpu.vector_load %arg11[%parallel_loop3A_371, %parallel_loop3A_372] {strides = array<i32>} : memref<40x128xf32, #tpu.memory_space<vmem>>, vector<1x16xf32>,
          %parallel_loop3A_374 = vector.shape_cast %parallel_loop3A_373 : vector<1x16xf32> to vector<16xf32>
          %parallel_loop3A_375 = arith.index_cast %parallel_loop3A_358 : i32 to index
          %parallel_loop3A_376 = arith.constant 16 : index
          %parallel_loop3A_377 = tpu.vector_load %arg12[%parallel_loop3A_375, %parallel_loop3A_376] {strides = array<i32>} : memref<40x256xf32, #tpu.memory_space<vmem>>, vector<1x16xf32>,
          %parallel_loop3A_378 = vector.shape_cast %parallel_loop3A_377 : vector<1x16xf32> to vector<16xf32>
          %parallel_loop3A_379 = arith.mulf %parallel_loop3A_374, %parallel_loop3A_378 : vector<16xf32>
          %parallel_loop3A_380 = arith.addf %parallel_loop3A_370, %parallel_loop3A_379 : vector<16xf32>
          %parallel_loop3A_381 = arith.index_cast %parallel_loop3A_358 : i32 to index
          %parallel_loop3A_382 = arith.constant 32 : index
          %parallel_loop3A_383 = tpu.vector_load %arg11[%parallel_loop3A_381, %parallel_loop3A_382] {strides = array<i32>} : memref<40x128xf32, #tpu.memory_space<vmem>>, vector<1x16xf32>,
          %parallel_loop3A_384 = vector.shape_cast %parallel_loop3A_383 : vector<1x16xf32> to vector<16xf32>
          %parallel_loop3A_385 = arith.index_cast %parallel_loop3A_358 : i32 to index
          %parallel_loop3A_386 = arith.constant 32 : index
          %parallel_loop3A_387 = tpu.vector_load %arg12[%parallel_loop3A_385, %parallel_loop3A_386] {strides = array<i32>} : memref<40x256xf32, #tpu.memory_space<vmem>>, vector<1x16xf32>,
          %parallel_loop3A_388 = vector.shape_cast %parallel_loop3A_387 : vector<1x16xf32> to vector<16xf32>
          %parallel_loop3A_389 = arith.mulf %parallel_loop3A_384, %parallel_loop3A_388 : vector<16xf32>
          %parallel_loop3A_390 = arith.addf %parallel_loop3A_380, %parallel_loop3A_389 : vector<16xf32>
          %parallel_loop3A_391 = arith.index_cast %parallel_loop3A_358 : i32 to index
          %parallel_loop3A_392 = arith.constant 48 : index
          %parallel_loop3A_393 = tpu.vector_load %arg11[%parallel_loop3A_391, %parallel_loop3A_392] {strides = array<i32>} : memref<40x128xf32, #tpu.memory_space<vmem>>, vector<1x16xf32>,
          %parallel_loop3A_394 = vector.shape_cast %parallel_loop3A_393 : vector<1x16xf32> to vector<16xf32>
          %parallel_loop3A_395 = arith.index_cast %parallel_loop3A_358 : i32 to index
          %parallel_loop3A_396 = arith.constant 48 : index
          %parallel_loop3A_397 = tpu.vector_load %arg12[%parallel_loop3A_395, %parallel_loop3A_396] {strides = array<i32>} : memref<40x256xf32, #tpu.memory_space<vmem>>, vector<1x16xf32>,
          %parallel_loop3A_398 = vector.shape_cast %parallel_loop3A_397 : vector<1x16xf32> to vector<16xf32>
          %parallel_loop3A_399 = arith.mulf %parallel_loop3A_394, %parallel_loop3A_398 : vector<16xf32>
          %parallel_loop3A_400 = arith.addf %parallel_loop3A_390, %parallel_loop3A_399 : vector<16xf32>
          %parallel_loop3A_401 = arith.index_cast %parallel_loop3A_358 : i32 to index
          %parallel_loop3A_402 = arith.constant 64 : index
          %parallel_loop3A_403 = tpu.vector_load %arg11[%parallel_loop3A_401, %parallel_loop3A_402] {strides = array<i32>} : memref<40x128xf32, #tpu.memory_space<vmem>>, vector<1x16xf32>,
          %parallel_loop3A_404 = vector.shape_cast %parallel_loop3A_403 : vector<1x16xf32> to vector<16xf32>
          %parallel_loop3A_405 = arith.index_cast %parallel_loop3A_358 : i32 to index
          %parallel_loop3A_406 = arith.constant 64 : index
          %parallel_loop3A_407 = tpu.vector_load %arg12[%parallel_loop3A_405, %parallel_loop3A_406] {strides = array<i32>} : memref<40x256xf32, #tpu.memory_space<vmem>>, vector<1x16xf32>,
          %parallel_loop3A_408 = vector.shape_cast %parallel_loop3A_407 : vector<1x16xf32> to vector<16xf32>
          %parallel_loop3A_409 = arith.mulf %parallel_loop3A_404, %parallel_loop3A_408 : vector<16xf32>
          %parallel_loop3A_410 = arith.addf %parallel_loop3A_400, %parallel_loop3A_409 : vector<16xf32>
          %parallel_loop3A_411 = arith.index_cast %parallel_loop3A_358 : i32 to index
          %parallel_loop3A_412 = arith.constant 80 : index
          %parallel_loop3A_413 = tpu.vector_load %arg11[%parallel_loop3A_411, %parallel_loop3A_412] {strides = array<i32>} : memref<40x128xf32, #tpu.memory_space<vmem>>, vector<1x16xf32>,
          %parallel_loop3A_414 = vector.shape_cast %parallel_loop3A_413 : vector<1x16xf32> to vector<16xf32>
          %parallel_loop3A_415 = arith.index_cast %parallel_loop3A_358 : i32 to index
          %parallel_loop3A_416 = arith.constant 80 : index
          %parallel_loop3A_417 = tpu.vector_load %arg12[%parallel_loop3A_415, %parallel_loop3A_416] {strides = array<i32>} : memref<40x256xf32, #tpu.memory_space<vmem>>, vector<1x16xf32>,
          %parallel_loop3A_418 = vector.shape_cast %parallel_loop3A_417 : vector<1x16xf32> to vector<16xf32>
          %parallel_loop3A_419 = arith.mulf %parallel_loop3A_414, %parallel_loop3A_418 : vector<16xf32>
          %parallel_loop3A_420 = arith.addf %parallel_loop3A_410, %parallel_loop3A_419 : vector<16xf32>
          %parallel_loop3A_421 = arith.index_cast %parallel_loop3A_358 : i32 to index
          %parallel_loop3A_422 = arith.constant 96 : index
          %parallel_loop3A_423 = tpu.vector_load %arg11[%parallel_loop3A_421, %parallel_loop3A_422] {strides = array<i32>} : memref<40x128xf32, #tpu.memory_space<vmem>>, vector<1x16xf32>,
          %parallel_loop3A_424 = vector.shape_cast %parallel_loop3A_423 : vector<1x16xf32> to vector<16xf32>
          %parallel_loop3A_425 = arith.index_cast %parallel_loop3A_358 : i32 to index
          %parallel_loop3A_426 = arith.constant 96 : index
          %parallel_loop3A_427 = tpu.vector_load %arg12[%parallel_loop3A_425, %parallel_loop3A_426] {strides = array<i32>} : memref<40x256xf32, #tpu.memory_space<vmem>>, vector<1x16xf32>,
          %parallel_loop3A_428 = vector.shape_cast %parallel_loop3A_427 : vector<1x16xf32> to vector<16xf32>
          %parallel_loop3A_429 = arith.mulf %parallel_loop3A_424, %parallel_loop3A_428 : vector<16xf32>
          %parallel_loop3A_430 = arith.addf %parallel_loop3A_420, %parallel_loop3A_429 : vector<16xf32>
          %parallel_loop3A_431 = arith.index_cast %parallel_loop3A_358 : i32 to index
          %parallel_loop3A_432 = arith.constant 112 : index
          %parallel_loop3A_433 = tpu.vector_load %arg11[%parallel_loop3A_431, %parallel_loop3A_432] {strides = array<i32>} : memref<40x128xf32, #tpu.memory_space<vmem>>, vector<1x16xf32>,
          %parallel_loop3A_434 = vector.shape_cast %parallel_loop3A_433 : vector<1x16xf32> to vector<16xf32>
          %parallel_loop3A_435 = arith.index_cast %parallel_loop3A_358 : i32 to index
          %parallel_loop3A_436 = arith.constant 112 : index
          %parallel_loop3A_437 = tpu.vector_load %arg12[%parallel_loop3A_435, %parallel_loop3A_436] {strides = array<i32>} : memref<40x256xf32, #tpu.memory_space<vmem>>, vector<1x16xf32>,
          %parallel_loop3A_438 = vector.shape_cast %parallel_loop3A_437 : vector<1x16xf32> to vector<16xf32>
          %parallel_loop3A_439 = arith.mulf %parallel_loop3A_434, %parallel_loop3A_438 : vector<16xf32>
          %parallel_loop3A_440 = arith.addf %parallel_loop3A_430, %parallel_loop3A_439 : vector<16xf32>
          %parallel_loop3A_441 = arith.constant 1 : i32
          %parallel_loop3A_442 = vector.broadcast %parallel_loop3A_441 : i32 to vector<16xi32>
          %parallel_loop3A_443 = arith.xori %iota3A, %parallel_loop3A_442 : vector<16xi32>
          %parallel_loop3A_444 = vector.shape_cast %parallel_loop3A_443 : vector<16xi32> to vector<16x1xi32>
          %parallel_loop3A_445 = vector.shape_cast %parallel_loop3A_444 : vector<16x1xi32> to vector<16xi32>
          %parallel_loop3A_446 = tpu.dynamic_gather %parallel_loop3A_440[%parallel_loop3A_445] in [0] : vector<16xf32>, vector<16xi32> -> vector<16xf32>
          %parallel_loop3A_447 = arith.addf %parallel_loop3A_440, %parallel_loop3A_446 : vector<16xf32>
          %parallel_loop3A_448 = arith.constant 2 : i32
          %parallel_loop3A_449 = vector.broadcast %parallel_loop3A_448 : i32 to vector<16xi32>
          %parallel_loop3A_450 = arith.xori %iota3A, %parallel_loop3A_449 : vector<16xi32>
          %parallel_loop3A_451 = vector.shape_cast %parallel_loop3A_450 : vector<16xi32> to vector<16x1xi32>
          %parallel_loop3A_452 = vector.shape_cast %parallel_loop3A_451 : vector<16x1xi32> to vector<16xi32>
          %parallel_loop3A_453 = tpu.dynamic_gather %parallel_loop3A_447[%parallel_loop3A_452] in [0] : vector<16xf32>, vector<16xi32> -> vector<16xf32>
          %parallel_loop3A_454 = arith.addf %parallel_loop3A_447, %parallel_loop3A_453 : vector<16xf32>
          %parallel_loop3A_455 = arith.constant 4 : i32
          %parallel_loop3A_456 = vector.broadcast %parallel_loop3A_455 : i32 to vector<16xi32>
          %parallel_loop3A_457 = arith.xori %iota3A, %parallel_loop3A_456 : vector<16xi32>
          %parallel_loop3A_458 = vector.shape_cast %parallel_loop3A_457 : vector<16xi32> to vector<16x1xi32>
          %parallel_loop3A_459 = vector.shape_cast %parallel_loop3A_458 : vector<16x1xi32> to vector<16xi32>
          %parallel_loop3A_460 = tpu.dynamic_gather %parallel_loop3A_454[%parallel_loop3A_459] in [0] : vector<16xf32>, vector<16xi32> -> vector<16xf32>
          %parallel_loop3A_461 = arith.addf %parallel_loop3A_454, %parallel_loop3A_460 : vector<16xf32>
          %parallel_loop3A_462 = arith.constant 8 : i32
          %parallel_loop3A_463 = vector.broadcast %parallel_loop3A_462 : i32 to vector<16xi32>
          %parallel_loop3A_464 = arith.xori %iota3A, %parallel_loop3A_463 : vector<16xi32>
          %parallel_loop3A_465 = vector.shape_cast %parallel_loop3A_464 : vector<16xi32> to vector<16x1xi32>
          %parallel_loop3A_466 = vector.shape_cast %parallel_loop3A_465 : vector<16x1xi32> to vector<16xi32>
          %parallel_loop3A_467 = tpu.dynamic_gather %parallel_loop3A_461[%parallel_loop3A_466] in [0] : vector<16xf32>, vector<16xi32> -> vector<16xf32>
          %parallel_loop3A_468 = arith.addf %parallel_loop3A_461, %parallel_loop3A_467 : vector<16xf32>
          %parallel_loop3A_469 = arith.constant 0.000000e+00 : f32
          %parallel_loop3A_470 = vector.broadcast %parallel_loop3A_469 : f32 to vector<16xf32>
          %parallel_loop3A_471 = arith.cmpf oge, %parallel_loop3A_468, %parallel_loop3A_470 : vector<16xf32>
          %parallel_loop3A_472 = arith.constant 2.000000e-01 : f32
          %parallel_loop3A_473 = vector.broadcast %parallel_loop3A_472 : f32 to vector<16xf32>
          %parallel_loop3A_474 = arith.mulf %parallel_loop3A_468, %parallel_loop3A_473 : vector<16xf32>
          %parallel_loop3A_475 = arith.select %parallel_loop3A_471, %parallel_loop3A_468, %parallel_loop3A_474 : vector<16xi1>, vector<16xf32>
          %parallel_loop3A_476 = arith.index_cast %parallel_loop3A_358 : i32 to index
          %parallel_loop3A_477 = arith.constant 128 : index
          %parallel_loop3A_478 = tpu.vector_load %arg12[%parallel_loop3A_476, %parallel_loop3A_477] {strides = array<i32>} : memref<40x256xf32, #tpu.memory_space<vmem>>, vector<1x16xf32>,
          %parallel_loop3A_479 = vector.shape_cast %parallel_loop3A_478 : vector<1x16xf32> to vector<16xf32>
          %parallel_loop3A_480 = arith.mulf %parallel_loop3A_475, %parallel_loop3A_479 : vector<16xf32>
          %parallel_loop3A_481 = arith.index_cast %parallel_loop3A_358 : i32 to index
          %parallel_loop3A_482 = arith.constant 0 : index
          %parallel_loop3A_483 = tpu.vector_load %arg13[%parallel_loop3A_481, %parallel_loop3A_482] {strides = array<i32>} : memref<40x128xf32, #tpu.memory_space<vmem>>, vector<1x16xf32>,
          %parallel_loop3A_484 = vector.shape_cast %parallel_loop3A_483 : vector<1x16xf32> to vector<16xf32>
          %parallel_loop3A_485 = vector.shape_cast %parallel_loop3A_480 : vector<16xf32> to vector<1x16xf32>
          tpu.vector_store %arg13[%parallel_loop3A_481, %parallel_loop3A_482], %parallel_loop3A_485 {strides = array<i32>} : memref<40x128xf32, #tpu.memory_space<vmem>>, vector<1x16xf32>,
          %parallel_loop3A_486 = arith.index_cast %parallel_loop3A_358 : i32 to index
          %parallel_loop3A_487 = arith.constant 144 : index
          %parallel_loop3A_488 = tpu.vector_load %arg12[%parallel_loop3A_486, %parallel_loop3A_487] {strides = array<i32>} : memref<40x256xf32, #tpu.memory_space<vmem>>, vector<1x16xf32>,
          %parallel_loop3A_489 = vector.shape_cast %parallel_loop3A_488 : vector<1x16xf32> to vector<16xf32>
          %parallel_loop3A_490 = arith.mulf %parallel_loop3A_475, %parallel_loop3A_489 : vector<16xf32>
          %parallel_loop3A_491 = arith.index_cast %parallel_loop3A_358 : i32 to index
          %parallel_loop3A_492 = arith.constant 16 : index
          %parallel_loop3A_493 = tpu.vector_load %arg13[%parallel_loop3A_491, %parallel_loop3A_492] {strides = array<i32>} : memref<40x128xf32, #tpu.memory_space<vmem>>, vector<1x16xf32>,
          %parallel_loop3A_494 = vector.shape_cast %parallel_loop3A_493 : vector<1x16xf32> to vector<16xf32>
          %parallel_loop3A_495 = vector.shape_cast %parallel_loop3A_490 : vector<16xf32> to vector<1x16xf32>
          tpu.vector_store %arg13[%parallel_loop3A_491, %parallel_loop3A_492], %parallel_loop3A_495 {strides = array<i32>} : memref<40x128xf32, #tpu.memory_space<vmem>>, vector<1x16xf32>,
          %parallel_loop3A_496 = arith.index_cast %parallel_loop3A_358 : i32 to index
          %parallel_loop3A_497 = arith.constant 160 : index
          %parallel_loop3A_498 = tpu.vector_load %arg12[%parallel_loop3A_496, %parallel_loop3A_497] {strides = array<i32>} : memref<40x256xf32, #tpu.memory_space<vmem>>, vector<1x16xf32>,
          %parallel_loop3A_499 = vector.shape_cast %parallel_loop3A_498 : vector<1x16xf32> to vector<16xf32>
          %parallel_loop3A_500 = arith.mulf %parallel_loop3A_475, %parallel_loop3A_499 : vector<16xf32>
          %parallel_loop3A_501 = arith.index_cast %parallel_loop3A_358 : i32 to index
          %parallel_loop3A_502 = arith.constant 32 : index
          %parallel_loop3A_503 = tpu.vector_load %arg13[%parallel_loop3A_501, %parallel_loop3A_502] {strides = array<i32>} : memref<40x128xf32, #tpu.memory_space<vmem>>, vector<1x16xf32>,
          %parallel_loop3A_504 = vector.shape_cast %parallel_loop3A_503 : vector<1x16xf32> to vector<16xf32>
          %parallel_loop3A_505 = vector.shape_cast %parallel_loop3A_500 : vector<16xf32> to vector<1x16xf32>
          tpu.vector_store %arg13[%parallel_loop3A_501, %parallel_loop3A_502], %parallel_loop3A_505 {strides = array<i32>} : memref<40x128xf32, #tpu.memory_space<vmem>>, vector<1x16xf32>,
          %parallel_loop3A_506 = arith.index_cast %parallel_loop3A_358 : i32 to index
          %parallel_loop3A_507 = arith.constant 176 : index
          %parallel_loop3A_508 = tpu.vector_load %arg12[%parallel_loop3A_506, %parallel_loop3A_507] {strides = array<i32>} : memref<40x256xf32, #tpu.memory_space<vmem>>, vector<1x16xf32>,
          %parallel_loop3A_509 = vector.shape_cast %parallel_loop3A_508 : vector<1x16xf32> to vector<16xf32>
          %parallel_loop3A_510 = arith.mulf %parallel_loop3A_475, %parallel_loop3A_509 : vector<16xf32>
          %parallel_loop3A_511 = arith.index_cast %parallel_loop3A_358 : i32 to index
          %parallel_loop3A_512 = arith.constant 48 : index
          %parallel_loop3A_513 = tpu.vector_load %arg13[%parallel_loop3A_511, %parallel_loop3A_512] {strides = array<i32>} : memref<40x128xf32, #tpu.memory_space<vmem>>, vector<1x16xf32>,
          %parallel_loop3A_514 = vector.shape_cast %parallel_loop3A_513 : vector<1x16xf32> to vector<16xf32>
          %parallel_loop3A_515 = vector.shape_cast %parallel_loop3A_510 : vector<16xf32> to vector<1x16xf32>
          tpu.vector_store %arg13[%parallel_loop3A_511, %parallel_loop3A_512], %parallel_loop3A_515 {strides = array<i32>} : memref<40x128xf32, #tpu.memory_space<vmem>>, vector<1x16xf32>,
          %parallel_loop3A_516 = arith.index_cast %parallel_loop3A_358 : i32 to index
          %parallel_loop3A_517 = arith.constant 192 : index
          %parallel_loop3A_518 = tpu.vector_load %arg12[%parallel_loop3A_516, %parallel_loop3A_517] {strides = array<i32>} : memref<40x256xf32, #tpu.memory_space<vmem>>, vector<1x16xf32>,
          %parallel_loop3A_519 = vector.shape_cast %parallel_loop3A_518 : vector<1x16xf32> to vector<16xf32>
          %parallel_loop3A_520 = arith.mulf %parallel_loop3A_475, %parallel_loop3A_519 : vector<16xf32>
          %parallel_loop3A_521 = arith.index_cast %parallel_loop3A_358 : i32 to index
          %parallel_loop3A_522 = arith.constant 64 : index
          %parallel_loop3A_523 = tpu.vector_load %arg13[%parallel_loop3A_521, %parallel_loop3A_522] {strides = array<i32>} : memref<40x128xf32, #tpu.memory_space<vmem>>, vector<1x16xf32>,
          %parallel_loop3A_524 = vector.shape_cast %parallel_loop3A_523 : vector<1x16xf32> to vector<16xf32>
          %parallel_loop3A_525 = vector.shape_cast %parallel_loop3A_520 : vector<16xf32> to vector<1x16xf32>
          tpu.vector_store %arg13[%parallel_loop3A_521, %parallel_loop3A_522], %parallel_loop3A_525 {strides = array<i32>} : memref<40x128xf32, #tpu.memory_space<vmem>>, vector<1x16xf32>,
          %parallel_loop3A_526 = arith.index_cast %parallel_loop3A_358 : i32 to index
          %parallel_loop3A_527 = arith.constant 208 : index
          %parallel_loop3A_528 = tpu.vector_load %arg12[%parallel_loop3A_526, %parallel_loop3A_527] {strides = array<i32>} : memref<40x256xf32, #tpu.memory_space<vmem>>, vector<1x16xf32>,
          %parallel_loop3A_529 = vector.shape_cast %parallel_loop3A_528 : vector<1x16xf32> to vector<16xf32>
          %parallel_loop3A_530 = arith.mulf %parallel_loop3A_475, %parallel_loop3A_529 : vector<16xf32>
          %parallel_loop3A_531 = arith.index_cast %parallel_loop3A_358 : i32 to index
          %parallel_loop3A_532 = arith.constant 80 : index
          %parallel_loop3A_533 = tpu.vector_load %arg13[%parallel_loop3A_531, %parallel_loop3A_532] {strides = array<i32>} : memref<40x128xf32, #tpu.memory_space<vmem>>, vector<1x16xf32>,
          %parallel_loop3A_534 = vector.shape_cast %parallel_loop3A_533 : vector<1x16xf32> to vector<16xf32>
          %parallel_loop3A_535 = vector.shape_cast %parallel_loop3A_530 : vector<16xf32> to vector<1x16xf32>
          tpu.vector_store %arg13[%parallel_loop3A_531, %parallel_loop3A_532], %parallel_loop3A_535 {strides = array<i32>} : memref<40x128xf32, #tpu.memory_space<vmem>>, vector<1x16xf32>,
          %parallel_loop3A_536 = arith.index_cast %parallel_loop3A_358 : i32 to index
          %parallel_loop3A_537 = arith.constant 224 : index
          %parallel_loop3A_538 = tpu.vector_load %arg12[%parallel_loop3A_536, %parallel_loop3A_537] {strides = array<i32>} : memref<40x256xf32, #tpu.memory_space<vmem>>, vector<1x16xf32>,
          %parallel_loop3A_539 = vector.shape_cast %parallel_loop3A_538 : vector<1x16xf32> to vector<16xf32>
          %parallel_loop3A_540 = arith.mulf %parallel_loop3A_475, %parallel_loop3A_539 : vector<16xf32>
          %parallel_loop3A_541 = arith.index_cast %parallel_loop3A_358 : i32 to index
          %parallel_loop3A_542 = arith.constant 96 : index
          %parallel_loop3A_543 = tpu.vector_load %arg13[%parallel_loop3A_541, %parallel_loop3A_542] {strides = array<i32>} : memref<40x128xf32, #tpu.memory_space<vmem>>, vector<1x16xf32>,
          %parallel_loop3A_544 = vector.shape_cast %parallel_loop3A_543 : vector<1x16xf32> to vector<16xf32>
          %parallel_loop3A_545 = vector.shape_cast %parallel_loop3A_540 : vector<16xf32> to vector<1x16xf32>
          tpu.vector_store %arg13[%parallel_loop3A_541, %parallel_loop3A_542], %parallel_loop3A_545 {strides = array<i32>} : memref<40x128xf32, #tpu.memory_space<vmem>>, vector<1x16xf32>,
          %parallel_loop3A_546 = arith.index_cast %parallel_loop3A_358 : i32 to index
          %parallel_loop3A_547 = arith.constant 240 : index
          %parallel_loop3A_548 = tpu.vector_load %arg12[%parallel_loop3A_546, %parallel_loop3A_547] {strides = array<i32>} : memref<40x256xf32, #tpu.memory_space<vmem>>, vector<1x16xf32>,
          %parallel_loop3A_549 = vector.shape_cast %parallel_loop3A_548 : vector<1x16xf32> to vector<16xf32>
          %parallel_loop3A_550 = arith.mulf %parallel_loop3A_475, %parallel_loop3A_549 : vector<16xf32>
          %parallel_loop3A_551 = arith.index_cast %parallel_loop3A_358 : i32 to index
          %parallel_loop3A_552 = arith.constant 112 : index
          %parallel_loop3A_553 = tpu.vector_load %arg13[%parallel_loop3A_551, %parallel_loop3A_552] {strides = array<i32>} : memref<40x128xf32, #tpu.memory_space<vmem>>, vector<1x16xf32>,
          %parallel_loop3A_554 = vector.shape_cast %parallel_loop3A_553 : vector<1x16xf32> to vector<16xf32>
          %parallel_loop3A_555 = vector.shape_cast %parallel_loop3A_550 : vector<16xf32> to vector<1x16xf32>
          tpu.vector_store %arg13[%parallel_loop3A_551, %parallel_loop3A_552], %parallel_loop3A_555 {strides = array<i32>} : memref<40x128xf32, #tpu.memory_space<vmem>>, vector<1x16xf32>,
        } {sc.loop_unroll_factor = 2 : i64, sc.parallel_access}
        %mul3A_347 = arith.constant 2 : i32
        %mul3A_348 = arith.muli %mul3A_347, %scan3A_265 : i32
        %add3A_349 = arith.constant 1 : i32
        %add3A_350 = arith.addi %mul3A_348, %add3A_349 : i32
        %dma_start3A_351 = arith.constant 0 : i32
        %dma_start3A_352 = tpu.memref_slice %arg7[%add3A_350, %dma_start3A_351] : memref<50x40xi32, #tpu.memory_space<vmem>> -> memref<1x40xi32, #tpu.memory_space<vmem>>
        %dma_start3A_353 = tpu.memref_squeeze %dma_start3A_352 : memref<1x40xi32, #tpu.memory_space<vmem>> -> memref<40xi32, #tpu.memory_space<vmem>>
        %dma_start3A_354 = arith.constant 0 : i32
        %dma_start3A_355 = arith.constant 0 : i32
        %dma_start3A_356 = tpu.memref_slice %arg14[%dma_start3A_354, %dma_start3A_355] : memref<10000x128xf32, #tpu.memory_space<vmem_shared>> -> memref<10000x128xf32, #tpu.memory_space<vmem_shared>>
        tpu.enqueue_indirect_dma source(%arg13 : memref<40x128xf32, #tpu.memory_space<vmem>>) target(%dma_start3A_356 : memref<10000x128xf32, #tpu.memory_space<vmem_shared>>) offsets(%dma_start3A_353 : memref<40xi32, #tpu.memory_space<vmem>>) semaphore(%arg17 : memref<!tpu.dma_semaphore, #tpu.memory_space<semaphore_mem>>) {add = true}
        %scan3A_357 = arith.constant 1 : i32
        scf.yield %scan3A_357 : i32
      }
      %scan3A_264 = arith.constant 25 : i32
    }
    %scan3A_120 = arith.constant 5 : i32
    %dma_wait3A = arith.constant 0 : i32
    %dma_wait3A_121 = arith.constant 0 : i32
    %dma_wait3A_122 = tpu.memref_slice %arg7[%dma_wait3A, %dma_wait3A_121] : memref<50x40xi32, #tpu.memory_space<vmem>> -> memref<1x40xi32, #tpu.memory_space<vmem>>
    %dma_wait3A_123 = tpu.memref_squeeze %dma_wait3A_122 : memref<1x40xi32, #tpu.memory_space<vmem>> -> memref<40xi32, #tpu.memory_space<vmem>>
    %dma_wait3A_124 = arith.constant 0 : i32
    %dma_wait3A_125 = arith.constant 0 : i32
    %dma_wait3A_126 = tpu.memref_slice %arg14[%dma_wait3A_124, %dma_wait3A_125] : memref<10000x128xf32, #tpu.memory_space<vmem_shared>> -> memref<10000x128xf32, #tpu.memory_space<vmem_shared>>
    tpu.wait_indirect_dma semaphore(%arg17 : memref<!tpu.dma_semaphore, #tpu.memory_space<semaphore_mem>>) src(%arg13 : memref<40x128xf32, #tpu.memory_space<vmem>>) dst(%dma_wait3A_126 : memref<10000x128xf32, #tpu.memory_space<vmem_shared>>)
    %barrier3A_127 = arith.constant 0 : index
    tpu.barrier barrier_id(%barrier3A_127)
    %add3A_128 = arith.constant 0 : i32
    %add3A_129 = arith.addi %arg1, %add3A_128 : i32
    %lt3A_130 = arith.constant 250 : i32
    %lt3A_131 = arith.cmpi slt, %add3A_129, %lt3A_130 : i32
    %convert_element_type3A_132 = arith.extui %lt3A_131 : i1 to i32
    %cond3A_133 = arith.constant 0 : i32
    %cond3A_134 = arith.cmpi ne, %convert_element_type3A_132, %cond3A_133 : i32
    scf.if %cond3A_134 {
      %mul3A_240 = arith.constant 40 : i32
      %mul3A_241 = arith.muli %add3A_129, %mul3A_240 : i32
      %mul3A_242 = arith.constant 40 : i32
      %mul3A_243 = arith.muli %add3A_129, %mul3A_242 : i32
      "tpu.region"() ({
        %run_scoped3A = tpu.sem_alloc : memref<!tpu.dma_semaphore, #tpu.memory_space<semaphore_mem>>
        %dma_start3A = arith.constant 0 : i32
        %dma_start3A_244 = tpu.memref_slice %arg6[%arg0, %mul3A_243, %dma_start3A] : memref<2x10000x128xf32, #tpu.memory_space<hbm>> -> memref<1x40x128xf32, #tpu.memory_space<hbm>>
        %dma_start3A_245 = tpu.memref_squeeze %dma_start3A_244 : memref<1x40x128xf32, #tpu.memory_space<hbm>> -> memref<40x128xf32, #tpu.memory_space<hbm>>
        %dma_start3A_246 = arith.constant 0 : i32
        %dma_start3A_247 = tpu.memref_slice %arg14[%mul3A_241, %dma_start3A_246] : memref<10000x128xf32, #tpu.memory_space<vmem_shared>> -> memref<40x128xf32, #tpu.memory_space<vmem_shared>>
        tpu.enqueue_dma source(%dma_start3A_247 : memref<40x128xf32, #tpu.memory_space<vmem_shared>>) target(%dma_start3A_245 : memref<40x128xf32, #tpu.memory_space<hbm>>) target_semaphore(%run_scoped3A : memref<!tpu.dma_semaphore, #tpu.memory_space<semaphore_mem>>)
        %dma_wait3A_248 = arith.constant 0 : i32
        %dma_wait3A_249 = tpu.memref_slice %arg6[%arg0, %mul3A_243, %dma_wait3A_248] : memref<2x10000x128xf32, #tpu.memory_space<hbm>> -> memref<1x40x128xf32, #tpu.memory_space<hbm>>
        %dma_wait3A_250 = tpu.memref_squeeze %dma_wait3A_249 : memref<1x40x128xf32, #tpu.memory_space<hbm>> -> memref<40x128xf32, #tpu.memory_space<hbm>>
        %dma_wait3A_251 = arith.constant 0 : i32
        %dma_wait3A_252 = tpu.memref_slice %arg14[%mul3A_241, %dma_wait3A_251] : memref<10000x128xf32, #tpu.memory_space<vmem_shared>> -> memref<40x128xf32, #tpu.memory_space<vmem_shared>>
        tpu.wait_dma2 semaphore(%run_scoped3A : memref<!tpu.dma_semaphore, #tpu.memory_space<semaphore_mem>>) src(%dma_wait3A_252 : memref<40x128xf32, #tpu.memory_space<vmem_shared>>) dst(%dma_wait3A_250 : memref<40x128xf32, #tpu.memory_space<hbm>>)
        tpu.yield
      }) : () -> ()
    } else {
    }
    %add3A_135 = arith.constant 16 : i32
    %add3A_136 = arith.addi %arg1, %add3A_135 : i32
    %lt3A_137 = arith.constant 250 : i32
    %lt3A_138 = arith.cmpi slt, %add3A_136, %lt3A_137 : i32
    %convert_element_type3A_139 = arith.extui %lt3A_138 : i1 to i32
    %cond3A_140 = arith.constant 0 : i32
    %cond3A_141 = arith.cmpi ne, %convert_element_type3A_139, %cond3A_140 : i32
    scf.if %cond3A_141 {
      %mul3A_240 = arith.constant 40 : i32
      %mul3A_241 = arith.muli %add3A_136, %mul3A_240 : i32
      %mul3A_242 = arith.constant 40 : i32
      %mul3A_243 = arith.muli %add3A_136, %mul3A_242 : i32
      "tpu.region"() ({
        %run_scoped3A = tpu.sem_alloc : memref<!tpu.dma_semaphore, #tpu.memory_space<semaphore_mem>>
        %dma_start3A = arith.constant 0 : i32
        %dma_start3A_244 = tpu.memref_slice %arg6[%arg0, %mul3A_243, %dma_start3A] : memref<2x10000x128xf32, #tpu.memory_space<hbm>> -> memref<1x40x128xf32, #tpu.memory_space<hbm>>
        %dma_start3A_245 = tpu.memref_squeeze %dma_start3A_244 : memref<1x40x128xf32, #tpu.memory_space<hbm>> -> memref<40x128xf32, #tpu.memory_space<hbm>>
        %dma_start3A_246 = arith.constant 0 : i32
        %dma_start3A_247 = tpu.memref_slice %arg14[%mul3A_241, %dma_start3A_246] : memref<10000x128xf32, #tpu.memory_space<vmem_shared>> -> memref<40x128xf32, #tpu.memory_space<vmem_shared>>
        tpu.enqueue_dma source(%dma_start3A_247 : memref<40x128xf32, #tpu.memory_space<vmem_shared>>) target(%dma_start3A_245 : memref<40x128xf32, #tpu.memory_space<hbm>>) target_semaphore(%run_scoped3A : memref<!tpu.dma_semaphore, #tpu.memory_space<semaphore_mem>>)
        %dma_wait3A_248 = arith.constant 0 : i32
        %dma_wait3A_249 = tpu.memref_slice %arg6[%arg0, %mul3A_243, %dma_wait3A_248] : memref<2x10000x128xf32, #tpu.memory_space<hbm>> -> memref<1x40x128xf32, #tpu.memory_space<hbm>>
        %dma_wait3A_250 = tpu.memref_squeeze %dma_wait3A_249 : memref<1x40x128xf32, #tpu.memory_space<hbm>> -> memref<40x128xf32, #tpu.memory_space<hbm>>
        %dma_wait3A_251 = arith.constant 0 : i32
        %dma_wait3A_252 = tpu.memref_slice %arg14[%mul3A_241, %dma_wait3A_251] : memref<10000x128xf32, #tpu.memory_space<vmem_shared>> -> memref<40x128xf32, #tpu.memory_space<vmem_shared>>
        tpu.wait_dma2 semaphore(%run_scoped3A : memref<!tpu.dma_semaphore, #tpu.memory_space<semaphore_mem>>) src(%dma_wait3A_252 : memref<40x128xf32, #tpu.memory_space<vmem_shared>>) dst(%dma_wait3A_250 : memref<40x128xf32, #tpu.memory_space<hbm>>)
        tpu.yield
      }) : () -> ()
    } else {
    }
    %add3A_142 = arith.constant 32 : i32
    %add3A_143 = arith.addi %arg1, %add3A_142 : i32
    %lt3A_144 = arith.constant 250 : i32
    %lt3A_145 = arith.cmpi slt, %add3A_143, %lt3A_144 : i32
    %convert_element_type3A_146 = arith.extui %lt3A_145 : i1 to i32
    %cond3A_147 = arith.constant 0 : i32
    %cond3A_148 = arith.cmpi ne, %convert_element_type3A_146, %cond3A_147 : i32
    scf.if %cond3A_148 {
      %mul3A_240 = arith.constant 40 : i32
      %mul3A_241 = arith.muli %add3A_143, %mul3A_240 : i32
      %mul3A_242 = arith.constant 40 : i32
      %mul3A_243 = arith.muli %add3A_143, %mul3A_242 : i32
      "tpu.region"() ({
        %run_scoped3A = tpu.sem_alloc : memref<!tpu.dma_semaphore, #tpu.memory_space<semaphore_mem>>
        %dma_start3A = arith.constant 0 : i32
        %dma_start3A_244 = tpu.memref_slice %arg6[%arg0, %mul3A_243, %dma_start3A] : memref<2x10000x128xf32, #tpu.memory_space<hbm>> -> memref<1x40x128xf32, #tpu.memory_space<hbm>>
        %dma_start3A_245 = tpu.memref_squeeze %dma_start3A_244 : memref<1x40x128xf32, #tpu.memory_space<hbm>> -> memref<40x128xf32, #tpu.memory_space<hbm>>
        %dma_start3A_246 = arith.constant 0 : i32
        %dma_start3A_247 = tpu.memref_slice %arg14[%mul3A_241, %dma_start3A_246] : memref<10000x128xf32, #tpu.memory_space<vmem_shared>> -> memref<40x128xf32, #tpu.memory_space<vmem_shared>>
        tpu.enqueue_dma source(%dma_start3A_247 : memref<40x128xf32, #tpu.memory_space<vmem_shared>>) target(%dma_start3A_245 : memref<40x128xf32, #tpu.memory_space<hbm>>) target_semaphore(%run_scoped3A : memref<!tpu.dma_semaphore, #tpu.memory_space<semaphore_mem>>)
        %dma_wait3A_248 = arith.constant 0 : i32
        %dma_wait3A_249 = tpu.memref_slice %arg6[%arg0, %mul3A_243, %dma_wait3A_248] : memref<2x10000x128xf32, #tpu.memory_space<hbm>> -> memref<1x40x128xf32, #tpu.memory_space<hbm>>
        %dma_wait3A_250 = tpu.memref_squeeze %dma_wait3A_249 : memref<1x40x128xf32, #tpu.memory_space<hbm>> -> memref<40x128xf32, #tpu.memory_space<hbm>>
        %dma_wait3A_251 = arith.constant 0 : i32
        %dma_wait3A_252 = tpu.memref_slice %arg14[%mul3A_241, %dma_wait3A_251] : memref<10000x128xf32, #tpu.memory_space<vmem_shared>> -> memref<40x128xf32, #tpu.memory_space<vmem_shared>>
        tpu.wait_dma2 semaphore(%run_scoped3A : memref<!tpu.dma_semaphore, #tpu.memory_space<semaphore_mem>>) src(%dma_wait3A_252 : memref<40x128xf32, #tpu.memory_space<vmem_shared>>) dst(%dma_wait3A_250 : memref<40x128xf32, #tpu.memory_space<hbm>>)
        tpu.yield
      }) : () -> ()
    } else {
    }
    %add3A_149 = arith.constant 48 : i32
    %add3A_150 = arith.addi %arg1, %add3A_149 : i32
    %lt3A_151 = arith.constant 250 : i32
    %lt3A_152 = arith.cmpi slt, %add3A_150, %lt3A_151 : i32
    %convert_element_type3A_153 = arith.extui %lt3A_152 : i1 to i32
    %cond3A_154 = arith.constant 0 : i32
    %cond3A_155 = arith.cmpi ne, %convert_element_type3A_153, %cond3A_154 : i32
    scf.if %cond3A_155 {
      %mul3A_240 = arith.constant 40 : i32
      %mul3A_241 = arith.muli %add3A_150, %mul3A_240 : i32
      %mul3A_242 = arith.constant 40 : i32
      %mul3A_243 = arith.muli %add3A_150, %mul3A_242 : i32
      "tpu.region"() ({
        %run_scoped3A = tpu.sem_alloc : memref<!tpu.dma_semaphore, #tpu.memory_space<semaphore_mem>>
        %dma_start3A = arith.constant 0 : i32
        %dma_start3A_244 = tpu.memref_slice %arg6[%arg0, %mul3A_243, %dma_start3A] : memref<2x10000x128xf32, #tpu.memory_space<hbm>> -> memref<1x40x128xf32, #tpu.memory_space<hbm>>
        %dma_start3A_245 = tpu.memref_squeeze %dma_start3A_244 : memref<1x40x128xf32, #tpu.memory_space<hbm>> -> memref<40x128xf32, #tpu.memory_space<hbm>>
        %dma_start3A_246 = arith.constant 0 : i32
        %dma_start3A_247 = tpu.memref_slice %arg14[%mul3A_241, %dma_start3A_246] : memref<10000x128xf32, #tpu.memory_space<vmem_shared>> -> memref<40x128xf32, #tpu.memory_space<vmem_shared>>
        tpu.enqueue_dma source(%dma_start3A_247 : memref<40x128xf32, #tpu.memory_space<vmem_shared>>) target(%dma_start3A_245 : memref<40x128xf32, #tpu.memory_space<hbm>>) target_semaphore(%run_scoped3A : memref<!tpu.dma_semaphore, #tpu.memory_space<semaphore_mem>>)
        %dma_wait3A_248 = arith.constant 0 : i32
        %dma_wait3A_249 = tpu.memref_slice %arg6[%arg0, %mul3A_243, %dma_wait3A_248] : memref<2x10000x128xf32, #tpu.memory_space<hbm>> -> memref<1x40x128xf32, #tpu.memory_space<hbm>>
        %dma_wait3A_250 = tpu.memref_squeeze %dma_wait3A_249 : memref<1x40x128xf32, #tpu.memory_space<hbm>> -> memref<40x128xf32, #tpu.memory_space<hbm>>
        %dma_wait3A_251 = arith.constant 0 : i32
        %dma_wait3A_252 = tpu.memref_slice %arg14[%mul3A_241, %dma_wait3A_251] : memref<10000x128xf32, #tpu.memory_space<vmem_shared>> -> memref<40x128xf32, #tpu.memory_space<vmem_shared>>
        tpu.wait_dma2 semaphore(%run_scoped3A : memref<!tpu.dma_semaphore, #tpu.memory_space<semaphore_mem>>) src(%dma_wait3A_252 : memref<40x128xf32, #tpu.memory_space<vmem_shared>>) dst(%dma_wait3A_250 : memref<40x128xf32, #tpu.memory_space<hbm>>)
        tpu.yield
      }) : () -> ()
    } else {
    }
    %add3A_156 = arith.constant 64 : i32
    %add3A_157 = arith.addi %arg1, %add3A_156 : i32
    %lt3A_158 = arith.constant 250 : i32
    %lt3A_159 = arith.cmpi slt, %add3A_157, %lt3A_158 : i32
    %convert_element_type3A_160 = arith.extui %lt3A_159 : i1 to i32
    %cond3A_161 = arith.constant 0 : i32
    %cond3A_162 = arith.cmpi ne, %convert_element_type3A_160, %cond3A_161 : i32
    scf.if %cond3A_162 {
      %mul3A_240 = arith.constant 40 : i32
      %mul3A_241 = arith.muli %add3A_157, %mul3A_240 : i32
      %mul3A_242 = arith.constant 40 : i32
      %mul3A_243 = arith.muli %add3A_157, %mul3A_242 : i32
      "tpu.region"() ({
        %run_scoped3A = tpu.sem_alloc : memref<!tpu.dma_semaphore, #tpu.memory_space<semaphore_mem>>
        %dma_start3A = arith.constant 0 : i32
        %dma_start3A_244 = tpu.memref_slice %arg6[%arg0, %mul3A_243, %dma_start3A] : memref<2x10000x128xf32, #tpu.memory_space<hbm>> -> memref<1x40x128xf32, #tpu.memory_space<hbm>>
        %dma_start3A_245 = tpu.memref_squeeze %dma_start3A_244 : memref<1x40x128xf32, #tpu.memory_space<hbm>> -> memref<40x128xf32, #tpu.memory_space<hbm>>
        %dma_start3A_246 = arith.constant 0 : i32
        %dma_start3A_247 = tpu.memref_slice %arg14[%mul3A_241, %dma_start3A_246] : memref<10000x128xf32, #tpu.memory_space<vmem_shared>> -> memref<40x128xf32, #tpu.memory_space<vmem_shared>>
        tpu.enqueue_dma source(%dma_start3A_247 : memref<40x128xf32, #tpu.memory_space<vmem_shared>>) target(%dma_start3A_245 : memref<40x128xf32, #tpu.memory_space<hbm>>) target_semaphore(%run_scoped3A : memref<!tpu.dma_semaphore, #tpu.memory_space<semaphore_mem>>)
        %dma_wait3A_248 = arith.constant 0 : i32
        %dma_wait3A_249 = tpu.memref_slice %arg6[%arg0, %mul3A_243, %dma_wait3A_248] : memref<2x10000x128xf32, #tpu.memory_space<hbm>> -> memref<1x40x128xf32, #tpu.memory_space<hbm>>
        %dma_wait3A_250 = tpu.memref_squeeze %dma_wait3A_249 : memref<1x40x128xf32, #tpu.memory_space<hbm>> -> memref<40x128xf32, #tpu.memory_space<hbm>>
        %dma_wait3A_251 = arith.constant 0 : i32
        %dma_wait3A_252 = tpu.memref_slice %arg14[%mul3A_241, %dma_wait3A_251] : memref<10000x128xf32, #tpu.memory_space<vmem_shared>> -> memref<40x128xf32, #tpu.memory_space<vmem_shared>>
        tpu.wait_dma2 semaphore(%run_scoped3A : memref<!tpu.dma_semaphore, #tpu.memory_space<semaphore_mem>>) src(%dma_wait3A_252 : memref<40x128xf32, #tpu.memory_space<vmem_shared>>) dst(%dma_wait3A_250 : memref<40x128xf32, #tpu.memory_space<hbm>>)
        tpu.yield
      }) : () -> ()
    } else {
    }
    %add3A_163 = arith.constant 80 : i32
    %add3A_164 = arith.addi %arg1, %add3A_163 : i32
    %lt3A_165 = arith.constant 250 : i32
    %lt3A_166 = arith.cmpi slt, %add3A_164, %lt3A_165 : i32
    %convert_element_type3A_167 = arith.extui %lt3A_166 : i1 to i32
    %cond3A_168 = arith.constant 0 : i32
    %cond3A_169 = arith.cmpi ne, %convert_element_type3A_167, %cond3A_168 : i32
    scf.if %cond3A_169 {
      %mul3A_240 = arith.constant 40 : i32
      %mul3A_241 = arith.muli %add3A_164, %mul3A_240 : i32
      %mul3A_242 = arith.constant 40 : i32
      %mul3A_243 = arith.muli %add3A_164, %mul3A_242 : i32
      "tpu.region"() ({
        %run_scoped3A = tpu.sem_alloc : memref<!tpu.dma_semaphore, #tpu.memory_space<semaphore_mem>>
        %dma_start3A = arith.constant 0 : i32
        %dma_start3A_244 = tpu.memref_slice %arg6[%arg0, %mul3A_243, %dma_start3A] : memref<2x10000x128xf32, #tpu.memory_space<hbm>> -> memref<1x40x128xf32, #tpu.memory_space<hbm>>
        %dma_start3A_245 = tpu.memref_squeeze %dma_start3A_244 : memref<1x40x128xf32, #tpu.memory_space<hbm>> -> memref<40x128xf32, #tpu.memory_space<hbm>>
        %dma_start3A_246 = arith.constant 0 : i32
        %dma_start3A_247 = tpu.memref_slice %arg14[%mul3A_241, %dma_start3A_246] : memref<10000x128xf32, #tpu.memory_space<vmem_shared>> -> memref<40x128xf32, #tpu.memory_space<vmem_shared>>
        tpu.enqueue_dma source(%dma_start3A_247 : memref<40x128xf32, #tpu.memory_space<vmem_shared>>) target(%dma_start3A_245 : memref<40x128xf32, #tpu.memory_space<hbm>>) target_semaphore(%run_scoped3A : memref<!tpu.dma_semaphore, #tpu.memory_space<semaphore_mem>>)
        %dma_wait3A_248 = arith.constant 0 : i32
        %dma_wait3A_249 = tpu.memref_slice %arg6[%arg0, %mul3A_243, %dma_wait3A_248] : memref<2x10000x128xf32, #tpu.memory_space<hbm>> -> memref<1x40x128xf32, #tpu.memory_space<hbm>>
        %dma_wait3A_250 = tpu.memref_squeeze %dma_wait3A_249 : memref<1x40x128xf32, #tpu.memory_space<hbm>> -> memref<40x128xf32, #tpu.memory_space<hbm>>
        %dma_wait3A_251 = arith.constant 0 : i32
        %dma_wait3A_252 = tpu.memref_slice %arg14[%mul3A_241, %dma_wait3A_251] : memref<10000x128xf32, #tpu.memory_space<vmem_shared>> -> memref<40x128xf32, #tpu.memory_space<vmem_shared>>
        tpu.wait_dma2 semaphore(%run_scoped3A : memref<!tpu.dma_semaphore, #tpu.memory_space<semaphore_mem>>) src(%dma_wait3A_252 : memref<40x128xf32, #tpu.memory_space<vmem_shared>>) dst(%dma_wait3A_250 : memref<40x128xf32, #tpu.memory_space<hbm>>)
        tpu.yield
      }) : () -> ()
    } else {
    }
    %add3A_170 = arith.constant 96 : i32
    %add3A_171 = arith.addi %arg1, %add3A_170 : i32
    %lt3A_172 = arith.constant 250 : i32
    %lt3A_173 = arith.cmpi slt, %add3A_171, %lt3A_172 : i32
    %convert_element_type3A_174 = arith.extui %lt3A_173 : i1 to i32
    %cond3A_175 = arith.constant 0 : i32
    %cond3A_176 = arith.cmpi ne, %convert_element_type3A_174, %cond3A_175 : i32
    scf.if %cond3A_176 {
      %mul3A_240 = arith.constant 40 : i32
      %mul3A_241 = arith.muli %add3A_171, %mul3A_240 : i32
      %mul3A_242 = arith.constant 40 : i32
      %mul3A_243 = arith.muli %add3A_171, %mul3A_242 : i32
      "tpu.region"() ({
        %run_scoped3A = tpu.sem_alloc : memref<!tpu.dma_semaphore, #tpu.memory_space<semaphore_mem>>
        %dma_start3A = arith.constant 0 : i32
        %dma_start3A_244 = tpu.memref_slice %arg6[%arg0, %mul3A_243, %dma_start3A] : memref<2x10000x128xf32, #tpu.memory_space<hbm>> -> memref<1x40x128xf32, #tpu.memory_space<hbm>>
        %dma_start3A_245 = tpu.memref_squeeze %dma_start3A_244 : memref<1x40x128xf32, #tpu.memory_space<hbm>> -> memref<40x128xf32, #tpu.memory_space<hbm>>
        %dma_start3A_246 = arith.constant 0 : i32
        %dma_start3A_247 = tpu.memref_slice %arg14[%mul3A_241, %dma_start3A_246] : memref<10000x128xf32, #tpu.memory_space<vmem_shared>> -> memref<40x128xf32, #tpu.memory_space<vmem_shared>>
        tpu.enqueue_dma source(%dma_start3A_247 : memref<40x128xf32, #tpu.memory_space<vmem_shared>>) target(%dma_start3A_245 : memref<40x128xf32, #tpu.memory_space<hbm>>) target_semaphore(%run_scoped3A : memref<!tpu.dma_semaphore, #tpu.memory_space<semaphore_mem>>)
        %dma_wait3A_248 = arith.constant 0 : i32
        %dma_wait3A_249 = tpu.memref_slice %arg6[%arg0, %mul3A_243, %dma_wait3A_248] : memref<2x10000x128xf32, #tpu.memory_space<hbm>> -> memref<1x40x128xf32, #tpu.memory_space<hbm>>
        %dma_wait3A_250 = tpu.memref_squeeze %dma_wait3A_249 : memref<1x40x128xf32, #tpu.memory_space<hbm>> -> memref<40x128xf32, #tpu.memory_space<hbm>>
        %dma_wait3A_251 = arith.constant 0 : i32
        %dma_wait3A_252 = tpu.memref_slice %arg14[%mul3A_241, %dma_wait3A_251] : memref<10000x128xf32, #tpu.memory_space<vmem_shared>> -> memref<40x128xf32, #tpu.memory_space<vmem_shared>>
        tpu.wait_dma2 semaphore(%run_scoped3A : memref<!tpu.dma_semaphore, #tpu.memory_space<semaphore_mem>>) src(%dma_wait3A_252 : memref<40x128xf32, #tpu.memory_space<vmem_shared>>) dst(%dma_wait3A_250 : memref<40x128xf32, #tpu.memory_space<hbm>>)
        tpu.yield
      }) : () -> ()
    } else {
    }
    %add3A_177 = arith.constant 112 : i32
    %add3A_178 = arith.addi %arg1, %add3A_177 : i32
    %lt3A_179 = arith.constant 250 : i32
    %lt3A_180 = arith.cmpi slt, %add3A_178, %lt3A_179 : i32
    %convert_element_type3A_181 = arith.extui %lt3A_180 : i1 to i32
    %cond3A_182 = arith.constant 0 : i32
    %cond3A_183 = arith.cmpi ne, %convert_element_type3A_181, %cond3A_182 : i32
    scf.if %cond3A_183 {
      %mul3A_240 = arith.constant 40 : i32
      %mul3A_241 = arith.muli %add3A_178, %mul3A_240 : i32
      %mul3A_242 = arith.constant 40 : i32
      %mul3A_243 = arith.muli %add3A_178, %mul3A_242 : i32
      "tpu.region"() ({
        %run_scoped3A = tpu.sem_alloc : memref<!tpu.dma_semaphore, #tpu.memory_space<semaphore_mem>>
        %dma_start3A = arith.constant 0 : i32
        %dma_start3A_244 = tpu.memref_slice %arg6[%arg0, %mul3A_243, %dma_start3A] : memref<2x10000x128xf32, #tpu.memory_space<hbm>> -> memref<1x40x128xf32, #tpu.memory_space<hbm>>
        %dma_start3A_245 = tpu.memref_squeeze %dma_start3A_244 : memref<1x40x128xf32, #tpu.memory_space<hbm>> -> memref<40x128xf32, #tpu.memory_space<hbm>>
        %dma_start3A_246 = arith.constant 0 : i32
        %dma_start3A_247 = tpu.memref_slice %arg14[%mul3A_241, %dma_start3A_246] : memref<10000x128xf32, #tpu.memory_space<vmem_shared>> -> memref<40x128xf32, #tpu.memory_space<vmem_shared>>
        tpu.enqueue_dma source(%dma_start3A_247 : memref<40x128xf32, #tpu.memory_space<vmem_shared>>) target(%dma_start3A_245 : memref<40x128xf32, #tpu.memory_space<hbm>>) target_semaphore(%run_scoped3A : memref<!tpu.dma_semaphore, #tpu.memory_space<semaphore_mem>>)
        %dma_wait3A_248 = arith.constant 0 : i32
        %dma_wait3A_249 = tpu.memref_slice %arg6[%arg0, %mul3A_243, %dma_wait3A_248] : memref<2x10000x128xf32, #tpu.memory_space<hbm>> -> memref<1x40x128xf32, #tpu.memory_space<hbm>>
        %dma_wait3A_250 = tpu.memref_squeeze %dma_wait3A_249 : memref<1x40x128xf32, #tpu.memory_space<hbm>> -> memref<40x128xf32, #tpu.memory_space<hbm>>
        %dma_wait3A_251 = arith.constant 0 : i32
        %dma_wait3A_252 = tpu.memref_slice %arg14[%mul3A_241, %dma_wait3A_251] : memref<10000x128xf32, #tpu.memory_space<vmem_shared>> -> memref<40x128xf32, #tpu.memory_space<vmem_shared>>
        tpu.wait_dma2 semaphore(%run_scoped3A : memref<!tpu.dma_semaphore, #tpu.memory_space<semaphore_mem>>) src(%dma_wait3A_252 : memref<40x128xf32, #tpu.memory_space<vmem_shared>>) dst(%dma_wait3A_250 : memref<40x128xf32, #tpu.memory_space<hbm>>)
        tpu.yield
      }) : () -> ()
    } else {
    }
    %add3A_184 = arith.constant 128 : i32
    %add3A_185 = arith.addi %arg1, %add3A_184 : i32
    %lt3A_186 = arith.constant 250 : i32
    %lt3A_187 = arith.cmpi slt, %add3A_185, %lt3A_186 : i32
    %convert_element_type3A_188 = arith.extui %lt3A_187 : i1 to i32
    %cond3A_189 = arith.constant 0 : i32
    %cond3A_190 = arith.cmpi ne, %convert_element_type3A_188, %cond3A_189 : i32
    scf.if %cond3A_190 {
      %mul3A_240 = arith.constant 40 : i32
      %mul3A_241 = arith.muli %add3A_185, %mul3A_240 : i32
      %mul3A_242 = arith.constant 40 : i32
      %mul3A_243 = arith.muli %add3A_185, %mul3A_242 : i32
      "tpu.region"() ({
        %run_scoped3A = tpu.sem_alloc : memref<!tpu.dma_semaphore, #tpu.memory_space<semaphore_mem>>
        %dma_start3A = arith.constant 0 : i32
        %dma_start3A_244 = tpu.memref_slice %arg6[%arg0, %mul3A_243, %dma_start3A] : memref<2x10000x128xf32, #tpu.memory_space<hbm>> -> memref<1x40x128xf32, #tpu.memory_space<hbm>>
        %dma_start3A_245 = tpu.memref_squeeze %dma_start3A_244 : memref<1x40x128xf32, #tpu.memory_space<hbm>> -> memref<40x128xf32, #tpu.memory_space<hbm>>
        %dma_start3A_246 = arith.constant 0 : i32
        %dma_start3A_247 = tpu.memref_slice %arg14[%mul3A_241, %dma_start3A_246] : memref<10000x128xf32, #tpu.memory_space<vmem_shared>> -> memref<40x128xf32, #tpu.memory_space<vmem_shared>>
        tpu.enqueue_dma source(%dma_start3A_247 : memref<40x128xf32, #tpu.memory_space<vmem_shared>>) target(%dma_start3A_245 : memref<40x128xf32, #tpu.memory_space<hbm>>) target_semaphore(%run_scoped3A : memref<!tpu.dma_semaphore, #tpu.memory_space<semaphore_mem>>)
        %dma_wait3A_248 = arith.constant 0 : i32
        %dma_wait3A_249 = tpu.memref_slice %arg6[%arg0, %mul3A_243, %dma_wait3A_248] : memref<2x10000x128xf32, #tpu.memory_space<hbm>> -> memref<1x40x128xf32, #tpu.memory_space<hbm>>
        %dma_wait3A_250 = tpu.memref_squeeze %dma_wait3A_249 : memref<1x40x128xf32, #tpu.memory_space<hbm>> -> memref<40x128xf32, #tpu.memory_space<hbm>>
        %dma_wait3A_251 = arith.constant 0 : i32
        %dma_wait3A_252 = tpu.memref_slice %arg14[%mul3A_241, %dma_wait3A_251] : memref<10000x128xf32, #tpu.memory_space<vmem_shared>> -> memref<40x128xf32, #tpu.memory_space<vmem_shared>>
        tpu.wait_dma2 semaphore(%run_scoped3A : memref<!tpu.dma_semaphore, #tpu.memory_space<semaphore_mem>>) src(%dma_wait3A_252 : memref<40x128xf32, #tpu.memory_space<vmem_shared>>) dst(%dma_wait3A_250 : memref<40x128xf32, #tpu.memory_space<hbm>>)
        tpu.yield
      }) : () -> ()
    } else {
    }
    %add3A_191 = arith.constant 144 : i32
    %add3A_192 = arith.addi %arg1, %add3A_191 : i32
    %lt3A_193 = arith.constant 250 : i32
    %lt3A_194 = arith.cmpi slt, %add3A_192, %lt3A_193 : i32
    %convert_element_type3A_195 = arith.extui %lt3A_194 : i1 to i32
    %cond3A_196 = arith.constant 0 : i32
    %cond3A_197 = arith.cmpi ne, %convert_element_type3A_195, %cond3A_196 : i32
    scf.if %cond3A_197 {
      %mul3A_240 = arith.constant 40 : i32
      %mul3A_241 = arith.muli %add3A_192, %mul3A_240 : i32
      %mul3A_242 = arith.constant 40 : i32
      %mul3A_243 = arith.muli %add3A_192, %mul3A_242 : i32
      "tpu.region"() ({
        %run_scoped3A = tpu.sem_alloc : memref<!tpu.dma_semaphore, #tpu.memory_space<semaphore_mem>>
        %dma_start3A = arith.constant 0 : i32
        %dma_start3A_244 = tpu.memref_slice %arg6[%arg0, %mul3A_243, %dma_start3A] : memref<2x10000x128xf32, #tpu.memory_space<hbm>> -> memref<1x40x128xf32, #tpu.memory_space<hbm>>
        %dma_start3A_245 = tpu.memref_squeeze %dma_start3A_244 : memref<1x40x128xf32, #tpu.memory_space<hbm>> -> memref<40x128xf32, #tpu.memory_space<hbm>>
        %dma_start3A_246 = arith.constant 0 : i32
        %dma_start3A_247 = tpu.memref_slice %arg14[%mul3A_241, %dma_start3A_246] : memref<10000x128xf32, #tpu.memory_space<vmem_shared>> -> memref<40x128xf32, #tpu.memory_space<vmem_shared>>
        tpu.enqueue_dma source(%dma_start3A_247 : memref<40x128xf32, #tpu.memory_space<vmem_shared>>) target(%dma_start3A_245 : memref<40x128xf32, #tpu.memory_space<hbm>>) target_semaphore(%run_scoped3A : memref<!tpu.dma_semaphore, #tpu.memory_space<semaphore_mem>>)
        %dma_wait3A_248 = arith.constant 0 : i32
        %dma_wait3A_249 = tpu.memref_slice %arg6[%arg0, %mul3A_243, %dma_wait3A_248] : memref<2x10000x128xf32, #tpu.memory_space<hbm>> -> memref<1x40x128xf32, #tpu.memory_space<hbm>>
        %dma_wait3A_250 = tpu.memref_squeeze %dma_wait3A_249 : memref<1x40x128xf32, #tpu.memory_space<hbm>> -> memref<40x128xf32, #tpu.memory_space<hbm>>
        %dma_wait3A_251 = arith.constant 0 : i32
        %dma_wait3A_252 = tpu.memref_slice %arg14[%mul3A_241, %dma_wait3A_251] : memref<10000x128xf32, #tpu.memory_space<vmem_shared>> -> memref<40x128xf32, #tpu.memory_space<vmem_shared>>
        tpu.wait_dma2 semaphore(%run_scoped3A : memref<!tpu.dma_semaphore, #tpu.memory_space<semaphore_mem>>) src(%dma_wait3A_252 : memref<40x128xf32, #tpu.memory_space<vmem_shared>>) dst(%dma_wait3A_250 : memref<40x128xf32, #tpu.memory_space<hbm>>)
        tpu.yield
      }) : () -> ()
    } else {
    }
    %add3A_198 = arith.constant 160 : i32
    %add3A_199 = arith.addi %arg1, %add3A_198 : i32
    %lt3A_200 = arith.constant 250 : i32
    %lt3A_201 = arith.cmpi slt, %add3A_199, %lt3A_200 : i32
    %convert_element_type3A_202 = arith.extui %lt3A_201 : i1 to i32
    %cond3A_203 = arith.constant 0 : i32
    %cond3A_204 = arith.cmpi ne, %convert_element_type3A_202, %cond3A_203 : i32
    scf.if %cond3A_204 {
      %mul3A_240 = arith.constant 40 : i32
      %mul3A_241 = arith.muli %add3A_199, %mul3A_240 : i32
      %mul3A_242 = arith.constant 40 : i32
      %mul3A_243 = arith.muli %add3A_199, %mul3A_242 : i32
      "tpu.region"() ({
        %run_scoped3A = tpu.sem_alloc : memref<!tpu.dma_semaphore, #tpu.memory_space<semaphore_mem>>
        %dma_start3A = arith.constant 0 : i32
        %dma_start3A_244 = tpu.memref_slice %arg6[%arg0, %mul3A_243, %dma_start3A] : memref<2x10000x128xf32, #tpu.memory_space<hbm>> -> memref<1x40x128xf32, #tpu.memory_space<hbm>>
        %dma_start3A_245 = tpu.memref_squeeze %dma_start3A_244 : memref<1x40x128xf32, #tpu.memory_space<hbm>> -> memref<40x128xf32, #tpu.memory_space<hbm>>
        %dma_start3A_246 = arith.constant 0 : i32
        %dma_start3A_247 = tpu.memref_slice %arg14[%mul3A_241, %dma_start3A_246] : memref<10000x128xf32, #tpu.memory_space<vmem_shared>> -> memref<40x128xf32, #tpu.memory_space<vmem_shared>>
        tpu.enqueue_dma source(%dma_start3A_247 : memref<40x128xf32, #tpu.memory_space<vmem_shared>>) target(%dma_start3A_245 : memref<40x128xf32, #tpu.memory_space<hbm>>) target_semaphore(%run_scoped3A : memref<!tpu.dma_semaphore, #tpu.memory_space<semaphore_mem>>)
        %dma_wait3A_248 = arith.constant 0 : i32
        %dma_wait3A_249 = tpu.memref_slice %arg6[%arg0, %mul3A_243, %dma_wait3A_248] : memref<2x10000x128xf32, #tpu.memory_space<hbm>> -> memref<1x40x128xf32, #tpu.memory_space<hbm>>
        %dma_wait3A_250 = tpu.memref_squeeze %dma_wait3A_249 : memref<1x40x128xf32, #tpu.memory_space<hbm>> -> memref<40x128xf32, #tpu.memory_space<hbm>>
        %dma_wait3A_251 = arith.constant 0 : i32
        %dma_wait3A_252 = tpu.memref_slice %arg14[%mul3A_241, %dma_wait3A_251] : memref<10000x128xf32, #tpu.memory_space<vmem_shared>> -> memref<40x128xf32, #tpu.memory_space<vmem_shared>>
        tpu.wait_dma2 semaphore(%run_scoped3A : memref<!tpu.dma_semaphore, #tpu.memory_space<semaphore_mem>>) src(%dma_wait3A_252 : memref<40x128xf32, #tpu.memory_space<vmem_shared>>) dst(%dma_wait3A_250 : memref<40x128xf32, #tpu.memory_space<hbm>>)
        tpu.yield
      }) : () -> ()
    } else {
    }
    %add3A_205 = arith.constant 176 : i32
    %add3A_206 = arith.addi %arg1, %add3A_205 : i32
    %lt3A_207 = arith.constant 250 : i32
    %lt3A_208 = arith.cmpi slt, %add3A_206, %lt3A_207 : i32
    %convert_element_type3A_209 = arith.extui %lt3A_208 : i1 to i32
    %cond3A_210 = arith.constant 0 : i32
    %cond3A_211 = arith.cmpi ne, %convert_element_type3A_209, %cond3A_210 : i32
    scf.if %cond3A_211 {
      %mul3A_240 = arith.constant 40 : i32
      %mul3A_241 = arith.muli %add3A_206, %mul3A_240 : i32
      %mul3A_242 = arith.constant 40 : i32
      %mul3A_243 = arith.muli %add3A_206, %mul3A_242 : i32
      "tpu.region"() ({
        %run_scoped3A = tpu.sem_alloc : memref<!tpu.dma_semaphore, #tpu.memory_space<semaphore_mem>>
        %dma_start3A = arith.constant 0 : i32
        %dma_start3A_244 = tpu.memref_slice %arg6[%arg0, %mul3A_243, %dma_start3A] : memref<2x10000x128xf32, #tpu.memory_space<hbm>> -> memref<1x40x128xf32, #tpu.memory_space<hbm>>
        %dma_start3A_245 = tpu.memref_squeeze %dma_start3A_244 : memref<1x40x128xf32, #tpu.memory_space<hbm>> -> memref<40x128xf32, #tpu.memory_space<hbm>>
        %dma_start3A_246 = arith.constant 0 : i32
        %dma_start3A_247 = tpu.memref_slice %arg14[%mul3A_241, %dma_start3A_246] : memref<10000x128xf32, #tpu.memory_space<vmem_shared>> -> memref<40x128xf32, #tpu.memory_space<vmem_shared>>
        tpu.enqueue_dma source(%dma_start3A_247 : memref<40x128xf32, #tpu.memory_space<vmem_shared>>) target(%dma_start3A_245 : memref<40x128xf32, #tpu.memory_space<hbm>>) target_semaphore(%run_scoped3A : memref<!tpu.dma_semaphore, #tpu.memory_space<semaphore_mem>>)
        %dma_wait3A_248 = arith.constant 0 : i32
        %dma_wait3A_249 = tpu.memref_slice %arg6[%arg0, %mul3A_243, %dma_wait3A_248] : memref<2x10000x128xf32, #tpu.memory_space<hbm>> -> memref<1x40x128xf32, #tpu.memory_space<hbm>>
        %dma_wait3A_250 = tpu.memref_squeeze %dma_wait3A_249 : memref<1x40x128xf32, #tpu.memory_space<hbm>> -> memref<40x128xf32, #tpu.memory_space<hbm>>
        %dma_wait3A_251 = arith.constant 0 : i32
        %dma_wait3A_252 = tpu.memref_slice %arg14[%mul3A_241, %dma_wait3A_251] : memref<10000x128xf32, #tpu.memory_space<vmem_shared>> -> memref<40x128xf32, #tpu.memory_space<vmem_shared>>
        tpu.wait_dma2 semaphore(%run_scoped3A : memref<!tpu.dma_semaphore, #tpu.memory_space<semaphore_mem>>) src(%dma_wait3A_252 : memref<40x128xf32, #tpu.memory_space<vmem_shared>>) dst(%dma_wait3A_250 : memref<40x128xf32, #tpu.memory_space<hbm>>)
        tpu.yield
      }) : () -> ()
    } else {
    }
    %add3A_212 = arith.constant 192 : i32
    %add3A_213 = arith.addi %arg1, %add3A_212 : i32
    %lt3A_214 = arith.constant 250 : i32
    %lt3A_215 = arith.cmpi slt, %add3A_213, %lt3A_214 : i32
    %convert_element_type3A_216 = arith.extui %lt3A_215 : i1 to i32
    %cond3A_217 = arith.constant 0 : i32
    %cond3A_218 = arith.cmpi ne, %convert_element_type3A_216, %cond3A_217 : i32
    scf.if %cond3A_218 {
      %mul3A_240 = arith.constant 40 : i32
      %mul3A_241 = arith.muli %add3A_213, %mul3A_240 : i32
      %mul3A_242 = arith.constant 40 : i32
      %mul3A_243 = arith.muli %add3A_213, %mul3A_242 : i32
      "tpu.region"() ({
        %run_scoped3A = tpu.sem_alloc : memref<!tpu.dma_semaphore, #tpu.memory_space<semaphore_mem>>
        %dma_start3A = arith.constant 0 : i32
        %dma_start3A_244 = tpu.memref_slice %arg6[%arg0, %mul3A_243, %dma_start3A] : memref<2x10000x128xf32, #tpu.memory_space<hbm>> -> memref<1x40x128xf32, #tpu.memory_space<hbm>>
        %dma_start3A_245 = tpu.memref_squeeze %dma_start3A_244 : memref<1x40x128xf32, #tpu.memory_space<hbm>> -> memref<40x128xf32, #tpu.memory_space<hbm>>
        %dma_start3A_246 = arith.constant 0 : i32
        %dma_start3A_247 = tpu.memref_slice %arg14[%mul3A_241, %dma_start3A_246] : memref<10000x128xf32, #tpu.memory_space<vmem_shared>> -> memref<40x128xf32, #tpu.memory_space<vmem_shared>>
        tpu.enqueue_dma source(%dma_start3A_247 : memref<40x128xf32, #tpu.memory_space<vmem_shared>>) target(%dma_start3A_245 : memref<40x128xf32, #tpu.memory_space<hbm>>) target_semaphore(%run_scoped3A : memref<!tpu.dma_semaphore, #tpu.memory_space<semaphore_mem>>)
        %dma_wait3A_248 = arith.constant 0 : i32
        %dma_wait3A_249 = tpu.memref_slice %arg6[%arg0, %mul3A_243, %dma_wait3A_248] : memref<2x10000x128xf32, #tpu.memory_space<hbm>> -> memref<1x40x128xf32, #tpu.memory_space<hbm>>
        %dma_wait3A_250 = tpu.memref_squeeze %dma_wait3A_249 : memref<1x40x128xf32, #tpu.memory_space<hbm>> -> memref<40x128xf32, #tpu.memory_space<hbm>>
        %dma_wait3A_251 = arith.constant 0 : i32
        %dma_wait3A_252 = tpu.memref_slice %arg14[%mul3A_241, %dma_wait3A_251] : memref<10000x128xf32, #tpu.memory_space<vmem_shared>> -> memref<40x128xf32, #tpu.memory_space<vmem_shared>>
        tpu.wait_dma2 semaphore(%run_scoped3A : memref<!tpu.dma_semaphore, #tpu.memory_space<semaphore_mem>>) src(%dma_wait3A_252 : memref<40x128xf32, #tpu.memory_space<vmem_shared>>) dst(%dma_wait3A_250 : memref<40x128xf32, #tpu.memory_space<hbm>>)
        tpu.yield
      }) : () -> ()
    } else {
    }
    %add3A_219 = arith.constant 208 : i32
    %add3A_220 = arith.addi %arg1, %add3A_219 : i32
    %lt3A_221 = arith.constant 250 : i32
    %lt3A_222 = arith.cmpi slt, %add3A_220, %lt3A_221 : i32
    %convert_element_type3A_223 = arith.extui %lt3A_222 : i1 to i32
    %cond3A_224 = arith.constant 0 : i32
    %cond3A_225 = arith.cmpi ne, %convert_element_type3A_223, %cond3A_224 : i32
    scf.if %cond3A_225 {
      %mul3A_240 = arith.constant 40 : i32
      %mul3A_241 = arith.muli %add3A_220, %mul3A_240 : i32
      %mul3A_242 = arith.constant 40 : i32
      %mul3A_243 = arith.muli %add3A_220, %mul3A_242 : i32
      "tpu.region"() ({
        %run_scoped3A = tpu.sem_alloc : memref<!tpu.dma_semaphore, #tpu.memory_space<semaphore_mem>>
        %dma_start3A = arith.constant 0 : i32
        %dma_start3A_244 = tpu.memref_slice %arg6[%arg0, %mul3A_243, %dma_start3A] : memref<2x10000x128xf32, #tpu.memory_space<hbm>> -> memref<1x40x128xf32, #tpu.memory_space<hbm>>
        %dma_start3A_245 = tpu.memref_squeeze %dma_start3A_244 : memref<1x40x128xf32, #tpu.memory_space<hbm>> -> memref<40x128xf32, #tpu.memory_space<hbm>>
        %dma_start3A_246 = arith.constant 0 : i32
        %dma_start3A_247 = tpu.memref_slice %arg14[%mul3A_241, %dma_start3A_246] : memref<10000x128xf32, #tpu.memory_space<vmem_shared>> -> memref<40x128xf32, #tpu.memory_space<vmem_shared>>
        tpu.enqueue_dma source(%dma_start3A_247 : memref<40x128xf32, #tpu.memory_space<vmem_shared>>) target(%dma_start3A_245 : memref<40x128xf32, #tpu.memory_space<hbm>>) target_semaphore(%run_scoped3A : memref<!tpu.dma_semaphore, #tpu.memory_space<semaphore_mem>>)
        %dma_wait3A_248 = arith.constant 0 : i32
        %dma_wait3A_249 = tpu.memref_slice %arg6[%arg0, %mul3A_243, %dma_wait3A_248] : memref<2x10000x128xf32, #tpu.memory_space<hbm>> -> memref<1x40x128xf32, #tpu.memory_space<hbm>>
        %dma_wait3A_250 = tpu.memref_squeeze %dma_wait3A_249 : memref<1x40x128xf32, #tpu.memory_space<hbm>> -> memref<40x128xf32, #tpu.memory_space<hbm>>
        %dma_wait3A_251 = arith.constant 0 : i32
        %dma_wait3A_252 = tpu.memref_slice %arg14[%mul3A_241, %dma_wait3A_251] : memref<10000x128xf32, #tpu.memory_space<vmem_shared>> -> memref<40x128xf32, #tpu.memory_space<vmem_shared>>
        tpu.wait_dma2 semaphore(%run_scoped3A : memref<!tpu.dma_semaphore, #tpu.memory_space<semaphore_mem>>) src(%dma_wait3A_252 : memref<40x128xf32, #tpu.memory_space<vmem_shared>>) dst(%dma_wait3A_250 : memref<40x128xf32, #tpu.memory_space<hbm>>)
        tpu.yield
      }) : () -> ()
    } else {
    }
    %add3A_226 = arith.constant 224 : i32
    %add3A_227 = arith.addi %arg1, %add3A_226 : i32
    %lt3A_228 = arith.constant 250 : i32
    %lt3A_229 = arith.cmpi slt, %add3A_227, %lt3A_228 : i32
    %convert_element_type3A_230 = arith.extui %lt3A_229 : i1 to i32
    %cond3A_231 = arith.constant 0 : i32
    %cond3A_232 = arith.cmpi ne, %convert_element_type3A_230, %cond3A_231 : i32
    scf.if %cond3A_232 {
      %mul3A_240 = arith.constant 40 : i32
      %mul3A_241 = arith.muli %add3A_227, %mul3A_240 : i32
      %mul3A_242 = arith.constant 40 : i32
      %mul3A_243 = arith.muli %add3A_227, %mul3A_242 : i32
      "tpu.region"() ({
        %run_scoped3A = tpu.sem_alloc : memref<!tpu.dma_semaphore, #tpu.memory_space<semaphore_mem>>
        %dma_start3A = arith.constant 0 : i32
        %dma_start3A_244 = tpu.memref_slice %arg6[%arg0, %mul3A_243, %dma_start3A] : memref<2x10000x128xf32, #tpu.memory_space<hbm>> -> memref<1x40x128xf32, #tpu.memory_space<hbm>>
        %dma_start3A_245 = tpu.memref_squeeze %dma_start3A_244 : memref<1x40x128xf32, #tpu.memory_space<hbm>> -> memref<40x128xf32, #tpu.memory_space<hbm>>
        %dma_start3A_246 = arith.constant 0 : i32
        %dma_start3A_247 = tpu.memref_slice %arg14[%mul3A_241, %dma_start3A_246] : memref<10000x128xf32, #tpu.memory_space<vmem_shared>> -> memref<40x128xf32, #tpu.memory_space<vmem_shared>>
        tpu.enqueue_dma source(%dma_start3A_247 : memref<40x128xf32, #tpu.memory_space<vmem_shared>>) target(%dma_start3A_245 : memref<40x128xf32, #tpu.memory_space<hbm>>) target_semaphore(%run_scoped3A : memref<!tpu.dma_semaphore, #tpu.memory_space<semaphore_mem>>)
        %dma_wait3A_248 = arith.constant 0 : i32
        %dma_wait3A_249 = tpu.memref_slice %arg6[%arg0, %mul3A_243, %dma_wait3A_248] : memref<2x10000x128xf32, #tpu.memory_space<hbm>> -> memref<1x40x128xf32, #tpu.memory_space<hbm>>
        %dma_wait3A_250 = tpu.memref_squeeze %dma_wait3A_249 : memref<1x40x128xf32, #tpu.memory_space<hbm>> -> memref<40x128xf32, #tpu.memory_space<hbm>>
        %dma_wait3A_251 = arith.constant 0 : i32
        %dma_wait3A_252 = tpu.memref_slice %arg14[%mul3A_241, %dma_wait3A_251] : memref<10000x128xf32, #tpu.memory_space<vmem_shared>> -> memref<40x128xf32, #tpu.memory_space<vmem_shared>>
        tpu.wait_dma2 semaphore(%run_scoped3A : memref<!tpu.dma_semaphore, #tpu.memory_space<semaphore_mem>>) src(%dma_wait3A_252 : memref<40x128xf32, #tpu.memory_space<vmem_shared>>) dst(%dma_wait3A_250 : memref<40x128xf32, #tpu.memory_space<hbm>>)
        tpu.yield
      }) : () -> ()
    } else {
    }
    %add3A_233 = arith.constant 240 : i32
    %add3A_234 = arith.addi %arg1, %add3A_233 : i32
    %lt3A_235 = arith.constant 250 : i32
    %lt3A_236 = arith.cmpi slt, %add3A_234, %lt3A_235 : i32
    %convert_element_type3A_237 = arith.extui %lt3A_236 : i1 to i32
    %cond3A_238 = arith.constant 0 : i32
    %cond3A_239 = arith.cmpi ne, %convert_element_type3A_237, %cond3A_238 : i32
    scf.if %cond3A_239 {
      %mul3A_240 = arith.constant 40 : i32
      %mul3A_241 = arith.muli %add3A_234, %mul3A_240 : i32
      %mul3A_242 = arith.constant 40 : i32
      %mul3A_243 = arith.muli %add3A_234, %mul3A_242 : i32
      "tpu.region"() ({
        %run_scoped3A = tpu.sem_alloc : memref<!tpu.dma_semaphore, #tpu.memory_space<semaphore_mem>>
        %dma_start3A = arith.constant 0 : i32
        %dma_start3A_244 = tpu.memref_slice %arg6[%arg0, %mul3A_243, %dma_start3A] : memref<2x10000x128xf32, #tpu.memory_space<hbm>> -> memref<1x40x128xf32, #tpu.memory_space<hbm>>
        %dma_start3A_245 = tpu.memref_squeeze %dma_start3A_244 : memref<1x40x128xf32, #tpu.memory_space<hbm>> -> memref<40x128xf32, #tpu.memory_space<hbm>>
        %dma_start3A_246 = arith.constant 0 : i32
        %dma_start3A_247 = tpu.memref_slice %arg14[%mul3A_241, %dma_start3A_246] : memref<10000x128xf32, #tpu.memory_space<vmem_shared>> -> memref<40x128xf32, #tpu.memory_space<vmem_shared>>
        tpu.enqueue_dma source(%dma_start3A_247 : memref<40x128xf32, #tpu.memory_space<vmem_shared>>) target(%dma_start3A_245 : memref<40x128xf32, #tpu.memory_space<hbm>>) target_semaphore(%run_scoped3A : memref<!tpu.dma_semaphore, #tpu.memory_space<semaphore_mem>>)
        %dma_wait3A_248 = arith.constant 0 : i32
        %dma_wait3A_249 = tpu.memref_slice %arg6[%arg0, %mul3A_243, %dma_wait3A_248] : memref<2x10000x128xf32, #tpu.memory_space<hbm>> -> memref<1x40x128xf32, #tpu.memory_space<hbm>>
        %dma_wait3A_250 = tpu.memref_squeeze %dma_wait3A_249 : memref<1x40x128xf32, #tpu.memory_space<hbm>> -> memref<40x128xf32, #tpu.memory_space<hbm>>
        %dma_wait3A_251 = arith.constant 0 : i32
        %dma_wait3A_252 = tpu.memref_slice %arg14[%mul3A_241, %dma_wait3A_251] : memref<10000x128xf32, #tpu.memory_space<vmem_shared>> -> memref<40x128xf32, #tpu.memory_space<vmem_shared>>
        tpu.wait_dma2 semaphore(%run_scoped3A : memref<!tpu.dma_semaphore, #tpu.memory_space<semaphore_mem>>) src(%dma_wait3A_252 : memref<40x128xf32, #tpu.memory_space<vmem_shared>>) dst(%dma_wait3A_250 : memref<40x128xf32, #tpu.memory_space<hbm>>)
        tpu.yield
      }) : () -> ()
    } else {
    }
    return
  }
}

module attributes {stable_mosaic.version = 14 : i64} {
  func.func @_combine_body(%arg0: i32, %arg1: memref<2x1000x128xf32, #tpu.memory_space<vmem>>, %arg2: memref<1000x128xf32, #tpu.memory_space<vmem>>) attributes {dimension_semantics = [#tpu.dimension_semantics<arbitrary>], iteration_bounds = array<i64: 10>, scalar_prefetch = 0 : i64, scratch_operands = 0 : i64, tpu.core_type = #tpu.core_type<tc>, window_params = [{transform_indices = @transform_0, window_bounds = array<i64: 2, 1000, 128>}, {transform_indices = @transform_1, window_bounds = array<i64: 1000, 128>}]} {
    %get3A = arith.constant 0 : index
    %get3A_0 = arith.constant 0 : index
    %get3A_1 = arith.constant 0 : index
    %get3A_2 = vector.load %arg1[%get3A, %get3A_0, %get3A_1] : memref<2x1000x128xf32, #tpu.memory_space<vmem>>, vector<2x1000x128xf32>
    %reduce_sum3A = arith.constant dense<0.000000e+00> : vector<1000x128xf32>
    %reduce_sum3A_3 = vector.multi_reduction <add>, %get3A_2, %reduce_sum3A [0] : vector<2x1000x128xf32> to vector<1000x128xf32>
    %swap3A = arith.constant 0 : index
    %swap3A_4 = arith.constant 0 : index
    %swap3A_5 = vector.load %arg2[%swap3A, %swap3A_4] : memref<1000x128xf32, #tpu.memory_space<vmem>>, vector<1000x128xf32>
    tpu.vector_store %arg2[%swap3A, %swap3A_4], %reduce_sum3A_3 {strides = array<i32>} : memref<1000x128xf32, #tpu.memory_space<vmem>>, vector<1000x128xf32>,
    return
  }
  func.func @transform_0(%arg0: i32) -> (i32, i32, i32) {
    %c0_i32 = arith.constant 0 : i32
    %c0_i32_0 = arith.constant 0 : i32
    %c0_i32_1 = arith.constant 0 : i32
    return %c0_i32, %arg0, %c0_i32_0 : i32, i32, i32
  }
  func.func @transform_1(%arg0: i32) -> (i32, i32) {
    %c0_i32 = arith.constant 0 : i32
    %c0_i32_0 = arith.constant 0 : i32
    return %arg0, %c0_i32 : i32, i32
  }
}

module attributes {stable_mosaic.version = 14 : i64} {
  func.func @_proj_body(%arg0: i32, %arg1: memref<1000x128xf32, #tpu.memory_space<vmem>>, %arg2: memref<128x128xf32, #tpu.memory_space<vmem>>, %arg3: memref<128x128xf32, #tpu.memory_space<vmem>>, %arg4: memref<128x128xf32, #tpu.memory_space<vmem>>, %arg5: memref<1000x128xf32, #tpu.memory_space<vmem>>, %arg6: memref<1000x256xf32, #tpu.memory_space<vmem>>) attributes {dimension_semantics = [#tpu.dimension_semantics<arbitrary>], iteration_bounds = array<i64: 10>, scalar_prefetch = 0 : i64, scratch_operands = 0 : i64, tpu.core_type = #tpu.core_type<tc>, window_params = [{transform_indices = @transform_0, window_bounds = array<i64: 1000, 128>}, {pipeline_mode = #tpu.pipeline_mode<synchronous>, transform_indices = @transform_1, window_bounds = array<i64: 128, 128>}, {pipeline_mode = #tpu.pipeline_mode<synchronous>, transform_indices = @transform_2, window_bounds = array<i64: 128, 128>}, {pipeline_mode = #tpu.pipeline_mode<synchronous>, transform_indices = @transform_3, window_bounds = array<i64: 128, 128>}, {transform_indices = @transform_4, window_bounds = array<i64: 1000, 128>}, {transform_indices = @transform_5, window_bounds = array<i64: 1000, 256>}]} {
    %get3A = arith.constant 0 : index
    %get3A_0 = arith.constant 0 : index
    %get3A_1 = vector.load %arg1[%get3A, %get3A_0] : memref<1000x128xf32, #tpu.memory_space<vmem>>, vector<1000x128xf32>
    %get3A_2 = arith.constant 0 : index
    %get3A_3 = arith.constant 0 : index
    %get3A_4 = vector.load %arg2[%get3A_2, %get3A_3] : memref<128x128xf32, #tpu.memory_space<vmem>>, vector<128x128xf32>
    %dot_general3A = arith.constant dense<0.000000e+00> : vector<1000x128xf32>
    %dot_general3A_5 = tpu.matmul %get3A_1, %get3A_4, %dot_general3A {dimension_numbers = #tpu.dot_dimension_numbers<[1], [0], [0], [1], [0, 0, 1, 1], [], []>, transpose_lhs_hint = false} : vector<1000x128xf32>, vector<128x128xf32>, vector<1000x128xf32> -> vector<1000x128xf32>
    %swap3A = arith.constant 0 : index
    %swap3A_6 = arith.constant 0 : index
    %swap3A_7 = vector.load %arg5[%swap3A, %swap3A_6] : memref<1000x128xf32, #tpu.memory_space<vmem>>, vector<1000x128xf32>
    tpu.vector_store %arg5[%swap3A, %swap3A_6], %dot_general3A_5 {strides = array<i32>} : memref<1000x128xf32, #tpu.memory_space<vmem>>, vector<1000x128xf32>,
    %get3A_8 = arith.constant 0 : index
    %get3A_9 = arith.constant 0 : index
    %get3A_10 = vector.load %arg3[%get3A_8, %get3A_9] : memref<128x128xf32, #tpu.memory_space<vmem>>, vector<128x128xf32>
    %dot_general3A_11 = arith.constant dense<0.000000e+00> : vector<1000x128xf32>
    %dot_general3A_12 = tpu.matmul %get3A_1, %get3A_10, %dot_general3A_11 {dimension_numbers = #tpu.dot_dimension_numbers<[1], [0], [0], [1], [0, 0, 1, 1], [], []>, transpose_lhs_hint = false} : vector<1000x128xf32>, vector<128x128xf32>, vector<1000x128xf32> -> vector<1000x128xf32>
    %swap3A_13 = arith.constant 0 : index
    %swap3A_14 = arith.constant 0 : index
    %swap3A_15 = vector.load %arg6[%swap3A_13, %swap3A_14] : memref<1000x256xf32, #tpu.memory_space<vmem>>, vector<1000x128xf32>
    tpu.vector_store %arg6[%swap3A_13, %swap3A_14], %dot_general3A_12 {strides = array<i32>} : memref<1000x256xf32, #tpu.memory_space<vmem>>, vector<1000x128xf32>,
    %get3A_16 = arith.constant 0 : index
    %get3A_17 = arith.constant 0 : index
    %get3A_18 = vector.load %arg4[%get3A_16, %get3A_17] : memref<128x128xf32, #tpu.memory_space<vmem>>, vector<128x128xf32>
    %dot_general3A_19 = arith.constant dense<0.000000e+00> : vector<1000x128xf32>
    %dot_general3A_20 = tpu.matmul %get3A_1, %get3A_18, %dot_general3A_19 {dimension_numbers = #tpu.dot_dimension_numbers<[1], [0], [0], [1], [0, 0, 1, 1], [], []>, transpose_lhs_hint = false} : vector<1000x128xf32>, vector<128x128xf32>, vector<1000x128xf32> -> vector<1000x128xf32>
    %swap3A_21 = arith.constant 0 : index
    %swap3A_22 = arith.constant 128 : index
    %swap3A_23 = vector.load %arg6[%swap3A_21, %swap3A_22] : memref<1000x256xf32, #tpu.memory_space<vmem>>, vector<1000x128xf32>
    tpu.vector_store %arg6[%swap3A_21, %swap3A_22], %dot_general3A_20 {strides = array<i32>} : memref<1000x256xf32, #tpu.memory_space<vmem>>, vector<1000x128xf32>,
    return
  }
  func.func @transform_0(%arg0: i32) -> (i32, i32) {
    %c0_i32 = arith.constant 0 : i32
    %c0_i32_0 = arith.constant 0 : i32
    return %arg0, %c0_i32 : i32, i32
  }
  func.func @transform_1(%arg0: i32) -> (i32, i32) {
    %c0_i32 = arith.constant 0 : i32
    %c0_i32_0 = arith.constant 0 : i32
    %c0_i32_1 = arith.constant 0 : i32
    return %c0_i32, %c0_i32_0 : i32, i32
  }
  func.func @transform_2(%arg0: i32) -> (i32, i32) {
    %c0_i32 = arith.constant 0 : i32
    %c0_i32_0 = arith.constant 0 : i32
    %c0_i32_1 = arith.constant 0 : i32
    return %c0_i32, %c0_i32_0 : i32, i32
  }
  func.func @transform_3(%arg0: i32) -> (i32, i32) {
    %c0_i32 = arith.constant 0 : i32
    %c0_i32_0 = arith.constant 0 : i32
    %c0_i32_1 = arith.constant 0 : i32
    return %c0_i32, %c0_i32_0 : i32, i32
  }
  func.func @transform_4(%arg0: i32) -> (i32, i32) {
    %c0_i32 = arith.constant 0 : i32
    %c0_i32_0 = arith.constant 0 : i32
    return %arg0, %c0_i32 : i32, i32
  }
  func.func @transform_5(%arg0: i32) -> (i32, i32) {
    %c0_i32 = arith.constant 0 : i32
    %c0_i32_0 = arith.constant 0 : i32
    return %arg0, %c0_i32 : i32, i32
  }
}

</mosaic_0001>

<sc_bundles>
// kernel: kernel.5.cloned.1.call-start
scs
__scs_entry_jumppad:
0x0: {  	(pc) =	sbr.rel $0x88, $3  }
0x1: {  	(tag) =	ssettag $0x0;
	lr =	simm.s32 $0x1  }
0x2: {  	[smem:$0x3F9C] =	sst lr;
	_ =	strace $0xD0000000  }
0x3: {  	_ = 	snop  }
0x4: {  	_ = 	snop  }
0x5: {  	_ = 	snop  }
0x6: {  	_ = 	snop  }
0x7: {  	_ = 	snop  }
__scs_overlays_trampoline_lowered:
0x8: {  	[smem:$0x3FAB] =	sst s0  }
0x9: {  	[smem:$0x3FAC] =	sst s1  }
0xa: {  	[smem:$0x3FAD] =	sst s2  }
0xb: {  	[smem:$0x3FAE] =	sst s3  }
0xc: {  	[smem:$0x3FAF] =	sst s4  }
0xd: {  	[smem:$0x3FB0] =	sst s5  }
0xe: {  	[smem:$0x3FB1] =	sst s6  }
0xf: {  	[smem:$0x3FB2] =	sst s7  }
0x10: {  	[smem:$0x3FB3] =	sst s8  }
0x11: {  	[smem:$0x3FB4] =	sst s9;
	s0 =	simm.s32 @!p0 $0x0  }
0x12: {  	s1 =	sld [smem:$0x3F9A];
	s0 =	simm.s32 @p0 $0x1  }
0x13: {  	[smem:$0x3FB5] =	sst s0;
	s0 =	simm.s32 @!p1 $0x0  }
0x14: {  	s2 =	sld [smem:$0x3F99];
	s0 =	simm.s32 @p1 $0x1  }
0x15: {  	[smem:$0x3FB6] =	sst s0;
	s0 =	simm.s32 @!p2 $0x0  }
0x16: {  	s3 =	sld [smem:$0x3FDB];
	s0 =	simm.s32 @p2 $0x1  }
0x17: {  	s4 =	simm.s32 $0x1BF5;
	[smem:$0x3FB8] =	sst s0  }
0x18: {  	s0 =	sld [smem:$0x3F9B];
	_ =	swait.ge [sflag:s4], $0x0  }
0x19: {  	s7 =	sld [smem:$0x3F9C]  }
0x1a: {  	s8 =	sadd.s32 $0xFFFFE003, lr  }
0x1b: {  	s9 =	sadd.s32 $0xFFFFFEF7, lr;
	s5 =	simm.s32 $0xFFFFFFFF;
	p2 =	slt.u32 s8, $0xFFFFF086  }
0x1c: {  	p1 =	slt.u32 s9, $0xF7A;
	s5 =	simm.s32 @!p2 $0x0  }
0x1d: {  	s5 =	simm.s32 @p1 $0x1;
	p0 =	seq.s32 s7, s2  }
0x1e: {  	s7 =	smul.u32 @!p0 $0xF7A, s2;
	p2 =	seq.s32 @!p0 s5, $0x0  }
0x1f: {  	s9 =	smul.u32 $0xF7A, s1;
	s8 =	simm.s32 @!p0 $0x1BF5;
	p2 =	por !p2, p0  }
0x20: {  	[sflag:s8] =	ssyncset.s32 @!p0 $0xFFFFF086;
	s6 =	sadd.s32 @!p0 s3, s7;
	s7 =	simm.s32 @!p0 $0x108  }
0x21: {  	s3 =	sadd.s32 s3, s9;
	s6 =	sadd.s32 @!p0 $0x88, s6;
	s7 =	simm.s32 @p2 $0x1082  }
0x22: {  	[simem:s7], [sflag:s8] =	dma.local @!p0 [hbm:s6], $0xF7A  }
0x23: {  	s9 =	sor.u32 $0xD0000000, s2;
	s6 =	simm.s32 $0x108;
	_ =	swait.ge @!p0 [sflag:s8], $0x0  }
0x24: {  	s3 =	sadd.s32 $0x88, s3;
	s6 =	simm.s32 @!p1 $0x1082;
	[sflag:s4] =	ssyncset.s32 $0xFFFFF086  }
0x25: {  	[simem:s6], [sflag:s4] =	dma.local [hbm:s3], $0xF7A  }
0x26: {  	[smem:$0x3F9C] =	sst s1;
	(tag) =	ssettag s2;
	_ =	strace s9  }
0x27: {  	s1 =	sld [smem:$0x3FAC]  }
0x28: {  	s2 =	sld [smem:$0x3FAD]  }
0x29: {  	s4 =	sld [smem:$0x3FAF]  }
0x2a: {  	p0 =	seq.s32 s5, $0x0;
	s5 =	sld [smem:$0x3FB0]  }
0x2b: {  	s6 =	sld [smem:$0x3FB1]  }
0x2c: {  	s7 =	sld [smem:$0x3FB2]  }
0x2d: {  	s3 =	simm.s32 $0x108;
	s8 =	sld [smem:$0x3FB3]  }
0x2e: {  	s3 =	simm.s32 @!p0 $0x1082;
	s9 =	sld [smem:$0x3FB4]  }
0x2f: {  	lr =	sadd.s32 s0, s3;
	s0 =	sld [smem:$0x3FAB]  }
0x30: {  	s3 =	sld [smem:$0x3FAE]  }
0x31: {  	[smem:$0x3FB7] =	sst s10  }
0x32: {  	s10 =	sld [smem:$0x3FB5];
	_ =	sdelay $0x3  }
0x33: {  	p0 =	seq.s32 s10, $0x1;
	s10 =	sld [smem:$0x3FB7];
	_ =	sdelay $0x3  }
0x34: {  	[smem:$0x3FB7] =	sst s10  }
0x35: {  	s10 =	sld [smem:$0x3FB6];
	_ =	sdelay $0x3  }
0x36: {  	p1 =	seq.s32 s10, $0x1;
	s10 =	sld [smem:$0x3FB7];
	_ =	sdelay $0x3  }
0x37: {  	[smem:$0x3FB7] =	sst s10  }
0x38: {  	s10 =	sld [smem:$0x3FB8]  }
0x39: {  	_ = 	snop;
	(pc) =	sbr.ind lr, $3  }
0x3a: {  	_ = 	snop  }
0x3b: {  	_ = 	snop  }
0x3c: {  	p2 =	seq.s32 s10, $0x1;
	s10 =	sld [smem:$0x3FB7]  }
0x3d: {  	_ =	shalt  }
0x3e: {  	_ =	shalt  }
0x3f: {  	_ =	shalt  }
0x40: {  	_ =	shalt  }
0x41: {  	_ =	shalt  }
0x42: {  	_ =	shalt  }
0x43: {  	_ =	shalt  }
0x44: {  	_ =	shalt  }
0x45: {  	_ =	shalt  }
0x46: {  	_ =	shalt  }
0x47: {  	_ =	shalt  }
0x48: {  	_ =	shalt  }
0x49: {  	_ =	shalt  }
0x4a: {  	_ =	shalt  }
0x4b: {  	_ =	shalt  }
0x4c: {  	_ =	shalt  }
0x4d: {  	_ =	shalt  }
0x4e: {  	_ =	shalt  }
0x4f: {  	_ =	shalt  }
0x50: {  	_ =	shalt  }
0x51: {  	_ =	shalt  }
0x52: {  	_ =	shalt  }
0x53: {  	_ =	shalt  }
0x54: {  	_ =	shalt  }
0x55: {  	_ =	shalt  }
0x56: {  	_ =	shalt  }
0x57: {  	_ =	shalt  }
0x58: {  	_ =	shalt  }
0x59: {  	_ =	shalt  }
0x5a: {  	_ =	shalt  }
0x5b: {  	_ =	shalt  }
0x5c: {  	_ =	shalt  }
0x5d: {  	_ =	shalt  }
0x5e: {  	_ =	shalt  }
0x5f: {  	_ =	shalt  }
0x60: {  	_ =	shalt  }
0x61: {  	_ =	shalt  }
0x62: {  	_ =	shalt  }
0x63: {  	_ =	shalt  }
0x64: {  	_ =	shalt  }
0x65: {  	_ =	shalt  }
0x66: {  	_ =	shalt  }
0x67: {  	_ =	shalt  }
0x68: {  	_ =	shalt  }
0x69: {  	_ =	shalt  }
0x6a: {  	_ =	shalt  }
0x6b: {  	_ =	shalt  }
0x6c: {  	_ =	shalt  }
0x6d: {  	_ =	shalt  }
0x6e: {  	_ =	shalt  }
0x6f: {  	_ =	shalt  }
0x70: {  	_ =	shalt  }
0x71: {  	_ =	shalt  }
0x72: {  	_ =	shalt  }
0x73: {  	_ =	shalt  }
0x74: {  	_ =	shalt  }
0x75: {  	_ =	shalt  }
0x76: {  	_ =	shalt  }
0x77: {  	_ =	shalt  }
0x78: {  	_ =	shalt  }
0x79: {  	_ =	shalt  }
0x7a: {  	_ =	shalt  }
0x7b: {  	_ =	shalt  }
0x7c: {  	_ =	shalt  }
0x7d: {  	_ =	shalt  }
0x7e: {  	_ =	shalt  }
0x7f: {  	_ =	shalt  }
0x80: {  	_ =	shalt  }
0x81: {  	_ =	shalt  }
0x82: {  	_ =	shalt  }
0x83: {  	_ =	shalt  }
0x84: {  	_ =	shalt  }
0x85: {  	_ =	shalt  }
0x86: {  	_ =	shalt  }
0x87: {  	_ =	shalt  }
.Lfunc_end0:
.L_simem_size_0:
called_computation_lowered:
.L_overlay_start_0:
0x88: {  	s2 =	sld [smem:$0x3FD9]  }
0x89: {  	s3 =	sld [smem:$0x3FFE];
	_ =	sdelay $0x1  }
0x8a: {  	s1 =	srdreg.scid  }
0x8b: {  	s0 =	sand.u32 $0x1, s1  }
0x8c: {  	s17 =	sshll.u32 s0, $0xA;
	s2 =	sadd.s32 s3, s2  }
0x8d: {  	s2 =	sadd.s32 s2, s17  }
0x8e: {  	[smem:$0x3FC3] =	sst s2  }
0x8f: {  	_ = 	snop  }
0x90: {  	s2 =	sld [smem:$0x3FD0];
	(tm) =	ssettm $0x1  }
0x91: {  	s18 =	sld [smem:$0x3FFB];
	_ =	sdelay $0x3  }
0x92: {  	_ =	strace s18  }
0x93: {  	s3 =	sld [smem:$0x3FFC];
	_ =	sdelay $0x3  }
0x94: {  	_ =	strace s3  }
0x95: {  	s3 =	sld [smem:$0x3FFD];
	_ =	sdelay $0x3  }
0x96: {  	_ =	strace s3  }
0x97: {  	_ =	strace $0x8FFFFFFF  }
0x98: {  	s19 =	sld [smem:$0x3FDB];
	_ =	sdelay $0x1  }
0x99: {  	s4 =	simm.s32 $_scs_section_size  }
0x9a: {  	s5 =	simm.s32 $_size__tile_overlayer_lowered;
	s6 =	simm.s32 $_tile_overlayer_lowered  }
0x9b: {  	s22 =	simm.s32 $0x1BFF;
	s21 =	sshll.u32 s6, $0x1;
	s3 =	sadd.s32 s4, s19  }
0x9c: {  	s7 =	simm.s32 $0x0;
	s20 =	sshll.u32 s5, $0x1;
	s5 =	sadd.s32 s21, s3  }
0x9d: {  	[timem:s7], [sflag:s22] =	dma.local [hbm:s5], s20  }
0x9e: {  	_ =	swait.ge [sflag:s22], s20  }
0x9f: {  	s4 =	ssub.s32 $0x0, s20;
	[sflag:s22] =	ssyncset.done $0x0  }
0xa0: {  	[sflag:s22] =	ssyncadd.s32 s4;
	_ =	sdelay $0x1  }
0xa1: {  	s23 =	simm.s32 $0x1B8B  }
0xa2: {  	_ =	swait.ge [sflag:s23], $0x1  }
0xa3: {  	[sflag:s23] =	ssyncset.done $0x0  }
0xa4: {  	s25 =	simm.s32 $0x1B8E;
	s24 =	sld [smem:$0x3FFE];
	[sflag:s23] =	ssyncadd.s32 $0xFFFFFFFF  }
0xa5: {  	s26 =	simm.s32 $execute0_lowered;
	[smem:$0x3FD2] =	sst s25  }
0xa6: {  	s5 =	sshll.u32 s26, $0x1;
	_ =	strace $0x80000046;
	[dreg:$0x1] =	wrdreg $0xFFFFFFFF  }
0xa7: {  	s28 =	simm.s32 $_size_execute0_lowered;
	s3 =	sadd.s32 s3, s5;
	[dreg:$0x0] =	wrdreg $0x0  }
0xa8: {  	s5 =	sshll.u32 s28, $0x1;
	[dreg:$0x2] =	wrdreg s3  }
0xa9: {  	[dreg:$0x3] =	wrdreg s5  }
0xaa: {  	[dreg:$0x4] =	wrdreg $0xC0  }
0xab: {  	_ =	task [dreg:s7], $0x5FFFF  }
0xac: {  	[dreg:$0x1] =	wrdreg $0xFFFFFFFF  }
0xad: {  	[dreg:$0x0] =	wrdreg $0x60  }
0xae: {  	[dreg:$0x2] =	wrdreg s2  }
0xaf: {  	[dreg:$0x3] =	wrdreg s24  }
0xb0: {  	[dreg:$0x4] =	wrdreg $0xC4000  }
0xb1: {  	[dreg:$0x5] =	wrdreg $0x9  }
0xb2: {  	_ =	task.clear_ibuf [dreg:s7], $0x6FFFF;
	_ =	strace $0x90000046  }
0xb3: {  	s29 =	simm.s32 $0x9;
	_ =	strace $0x80000048  }
0xb4: {  	_ =	swait.ge [sflag:s29], $0x1  }
0xb5: {  	[sflag:s29] =	ssyncadd.s32 $0xFFFFFFFF  }
0xb6: {  	_ =	strace $0x90000048  }
0xb7: {  	_ =	sfence  }
0xb8: {  	s30 =	sld [smem:$0x0];
	_ =	sdelay $0x2  }
0xb9: {  	s31 =	sshll.u32 s1, $0xD;
	s1 =	sshrl.u32 s1, $0x2  }
0xba: {  	s3 =	sand.u32 $0x4000, s31;
	s1 =	sadd.s32 s1, s30  }
0xbb: {  	s0 =	sor.u32 s3, s0;
	s1 =	sshll.u32 s1, $0x11  }
0xbc: {  	s0 =	sor.u32 s1, s0  }
0xbd: {  	s0 =	sadd.s32 $0x8F2B, s0  }
0xbe: {  	[sflag:s0] =	ssyncadd.remote.s32 $0x1  }
0xbf: {  	_ =	sfence.sel $0xFFFF  }
0xc0: {  	[dreg:$0x0] =	wrdreg $0xFFFFFFFF;
	(pc) =	sbr.abs _section_cstart, $3  }
0xc1: {  	[dreg:$0x1] =	wrdreg $0xFFFFFFFF  }
0xc2: {  	_ =	task.clear_ibuf [dreg:s7], $0x2FFFF;
	_ =	strace $0x9FFFFFFF  }
0xc3: {  	(tm) =	ssettm $0x7FFFFFFF  }
tec
execute0_lowered:
.L_overlay_start_1:
0x0: {  	(tag) =	ssettag $0x1  }
0x1: {  	s0 =	srdreg.scid;
	s5 =	stileid.u32  }
0x2: {  	s2 =	sand.u32 $0x1, s0;
	s4 =	smul.u32 $0x1400, s5  }
0x3: {  	s18 =	sor.u32 $0x10, s5;
	s16 =	smul.u32 $0x138800, s2  }
0x4: {  	s17 =	sor.u32 $0x20, s5;
	s7 =	smul.u32 $0x1400, s18  }
0x5: {  	s1 =	simm.s32 $0x0;
	s11 =	sor.u32 $0x30, s5;
	s9 =	smul.u32 $0x1400, s17  }
0x6: {  	[smem:$0x7FF] =	sst s1;
	s12 =	sor.u32 $0x40, s5;
	s15 =	smul.u32 $0x1400, s11  }
0x7: {  	s28 =	sshll.u32 s5, $0x1;
	s13 =	sor.u32 $0x50, s5;
	s19 =	smul.u32 $0x1400, s12  }
0x8: {  	s14 =	sor.u32 $0x60, s5;
	s10 =	sor.u32 $0x70, s5;
	s20 =	smul.u32 $0x1400, s13  }
0x9: {  	s8 =	sor.u32 $0x80, s5;
	s6 =	sor.u32 $0x90, s5;
	s21 =	smul.u32 $0x1400, s14  }
0xa: {  	s30 =	sor.u32 $0xA0, s5;
	s0 =	ssub.s32 $0x2, s2;
	s22 =	smul.u32 $0x1400, s10  }
0xb: {  	s29 =	sor.u32 s2, s28;
	[smem:$0x7F0] =	sst s6;
	s26 =	smul.u32 $0x1400, s6  }
0xc: {  	[smem:$0x7F1] =	sst s30;
	s2 =	sor.u32 $0xF0, s5;
	s18 =	smul.u32 $0x5000, s18  }
0xd: {  	s3 =	sshrl.u32 s0, $0x1;
	[smem:$0x7F4] =	sst s29;
	s29 =	smul.u32 $0x1400, s30  }
0xe: {  	[smem:$0x7F3] =	sst s2;
	s0 =	ssub.s32 s0, s3;
	s23 =	sadd.s32 s4, s16  }
0xf: {  	s4 =	smul.u32 $0x1400, s8;
	s24 =	sadd.s32 s16, s7;
	s25 =	sadd.s32 s16, s9  }
0x10: {  	s28 =	sadd.s32 s16, s15;
	s19 =	sadd.s32 s16, s19;
	s20 =	sadd.s32 s16, s20  }
0x11: {  	s15 =	sor.u32 $0xC0, s5;
	s21 =	sadd.s32 s16, s21;
	s9 =	sor.u32 $0xD0, s5  }
0x12: {  	s22 =	sadd.s32 s16, s22;
	s7 =	sor.u32 $0xE0, s5;
	s31 =	smul.u32 $0x1400, s15  }
0x13: {  	s26 =	sadd.s32 s16, s26;
	[smem:$0x7F6] =	sst s0;
	s3 =	smul.u32 $0x1400, s9  }
0x14: {  	s0 =	sor.u32 $0xB0, s5;
	s6 =	smul.u32 $0x1400, s7;
	s29 =	sadd.s32 s16, s29  }
0x15: {  	s24 =	sshrl.u32 s24, $0x3;
	s25 =	sshrl.u32 s25, $0x3;
	s30 =	smul.u32 $0x1400, s0  }
0x16: {  	s26 =	sshrl.u32 s26, $0x3;
	[smem:$0x7F2] =	sst s0;
	s0 =	smul.u32 $0x1400, s2  }
0x17: {  	s4 =	sadd.s32 s16, s4;
	s31 =	sadd.s32 s16, s31;
	s3 =	sadd.s32 s16, s3  }
0x18: {  	s2 =	sadd.s32 s16, s6;
	s6 =	sadd.s32 s16, s0;
	s0 =	rddreg [dreg:$0x1]  }
0x19: {  	s30 =	sadd.s32 s16, s30;
	s16 =	sshrl.u32 s23, $0x3;
	s23 =	sadd.s32 $0x95400, s0  }
0x1a: {  	s4 =	sshrl.u32 s4, $0x3;
	s3 =	sshrl.u32 s3, $0x3;
	s16 =	sadd.s32 s23, s16  }
0x1b: {  	s2 =	sshrl.u32 s2, $0x3;
	s25 =	sadd.s32 s23, s25;
	[dreg:$0x4] =	wrdreg s16  }
0x1c: {  	s4 =	sadd.s32 s23, s4;
	s3 =	sadd.s32 s23, s3;
	[dreg:$0x6] =	wrdreg s25  }
0x1d: {  	s2 =	sadd.s32 s23, s2;
	s16 =	sadd.s32 s23, s24;
	[dreg:$0xc] =	wrdreg s4  }
0x1e: {  	s24 =	sshrl.u32 s28, $0x3;
	s25 =	sshrl.u32 s19, $0x3;
	[dreg:$0x11] =	wrdreg s3  }
0x1f: {  	s28 =	sshrl.u32 s20, $0x3;
	s4 =	sadd.s32 s23, s26;
	[dreg:$0x12] =	wrdreg s2  }
0x20: {  	s19 =	sshrl.u32 s6, $0x3;
	s26 =	sshrl.u32 s18, $0x2;
	[dreg:$0x5] =	wrdreg s16  }
0x21: {  	s6 =	smul.u32 $0x5000, s14;
	s16 =	sadd.s32 s23, s24;
	[dreg:$0xd] =	wrdreg s4  }
0x22: {  	s18 =	smul.u32 $0x5000, s10;
	s20 =	sadd.s32 s23, s28;
	[dreg:$0x7] =	wrdreg s16  }
0x23: {  	s24 =	sshrl.u32 s21, $0x3;
	s2 =	sadd.s32 s23, s19;
	[dreg:$0x9] =	wrdreg s20  }
0x24: {  	s28 =	sshrl.u32 s29, $0x3;
	s16 =	sadd.s32 s23, s25;
	[dreg:$0x13] =	wrdreg s2  }
0x25: {  	s29 =	sshrl.u32 s30, $0x3;
	s4 =	sadd.s32 s23, s28;
	[dreg:$0x8] =	wrdreg s16  }
0x26: {  	s25 =	sshrl.u32 s22, $0x3;
	s30 =	sadd.s32 s23, s29;
	[dreg:$0xe] =	wrdreg s4  }
0x27: {  	s20 =	smul.u32 $0x5000, s5;
	s16 =	sadd.s32 s23, s24;
	[dreg:$0xf] =	wrdreg s30  }
0x28: {  	s22 =	smul.u32 $0x5000, s17;
	[dreg:$0xa] =	wrdreg s16;
	s16 =	sadd.s32 s23, s25  }
0x29: {  	s21 =	sadd.s32 $0x47200, s0;
	s28 =	smul.u32 $0x5000, s12;
	[dreg:$0xb] =	wrdreg s16  }
0x2a: {  	s30 =	smul.u32 $0x5000, s13;
	s16 =	sshrl.u32 s31, $0x3;
	s31 =	rddreg [dreg:$0x0]  }
0x2b: {  	s24 =	sshrl.u32 s20, $0x2;
	s4 =	sadd.s32 s23, s16;
	s16 =	rddreg [dreg:$0x2]  }
0x2c: {  	s25 =	smul.u32 $0x5000, s11;
	s23 =	sadd.s32 $0x24200, s0;
	[dreg:$0x10] =	wrdreg s4  }
0x2d: {  	s0 =	sadd.s32 $0x1200, s0;
	_ =	strace $0x80000047;
	[dreg:$0x14] =	wrdreg s23  }
0x2e: {  	s29 =	sshrl.u32 s22, $0x2;
	s11 =	sadd.s32 s24, s16;
	[dreg:$0x15] =	wrdreg s0  }
0x2f: {  	s17 =	sshrl.u32 s28, $0x2;
	s12 =	sadd.s32 s26, s16;
	[dreg:$0x16] =	wrdreg s11  }
0x30: {  	s2 =	sshrl.u32 s25, $0x2;
	s13 =	sadd.s32 s29, s16;
	[dreg:$0x17] =	wrdreg s12  }
0x31: {  	s20 =	smul.u32 $0x5000, s8;
	s14 =	sadd.s32 s2, s16;
	[dreg:$0x18] =	wrdreg s13  }
0x32: {  	s19 =	sshrl.u32 s30, $0x2;
	s10 =	sadd.s32 s17, s16;
	[dreg:$0x19] =	wrdreg s14  }
0x33: {  	s22 =	sshrl.u32 s6, $0x2;
	s8 =	sadd.s32 s19, s16;
	[dreg:$0x1a] =	wrdreg s10  }
0x34: {  	s17 =	sadd.s32 s22, s16;
	[dreg:$0x1b] =	wrdreg s8  }
0x35: {  	[dreg:$0x1c] =	wrdreg s17  }
0x36: {  	s6 =	smul.u32 $0x5000, s9;
	s23 =	sld [smem:$0x7F0]  }
0x37: {  	s30 =	smul.u32 $0x5000, s15;
	s25 =	sld [smem:$0x7F1]  }
0x38: {  	s24 =	sshrl.u32 s18, $0x2;
	s26 =	sshrl.u32 s20, $0x2;
	s28 =	sld [smem:$0x7F2]  }
0x39: {  	s18 =	sadd.s32 s24, s16;
	s24 =	sshrl.u32 s30, $0x2;
	s30 =	sld [smem:$0x7F6]  }
0x3a: {  	s19 =	sadd.s32 s26, s16;
	[dreg:$0x1d] =	wrdreg s18  }
0x3b: {  	v0 =	vimm.s32 $0xEFCDAB89;
	v1 =	vimm.s32 $0x67452301;
	v4 =	vimm.s32 $0xDCFE98BA;
	s26 =	sshrl.u32 s6, $0x2;
	s20 =	sadd.s32 s24, s16;
	[dreg:$0x1e] =	wrdreg s19  }
0x3c: {  	v5 =	vimm.s32 $0x54761032;
	v2 =	vunpack.c.l.s4.s8 v0;
	v1 =	vunpack.c.l.s4.s8 v1;
	s6 =	sadd.s32 s26, s16;
	[smem:$0x7FA] =	sst s20;
	s2 =	smul.u32 $0x5000, s23  }
0x3d: {  	v3 =	vlaneseq.u32;
	v6 =	vimm.s32 $0xBA98FEDC;
	v7 =	vimm.s32 $0x32107654;
	[smem:$0x7FB] =	sst s6;
	s4 =	smul.u32 $0x5000, s25  }
0x3e: {  	v4 =	vunpack.c.l.s4.s8 v4;
	v2 =	vunpack.c.0.s8.s32 v2;
	v1 =	vunpack.c.0.s8.s32 v1;
	s3 =	smul.u32 $0x5000, s28;
	s25 =	sld [smem:$0x7F3]  }
0x3f: {  	vm0 =	vmmov $0xffff;
	v5 =	vunpack.c.l.s4.s8 v5;
	v6 =	vunpack.c.l.s4.s8 v6;
	s23 =	smul.u32 $0x5000, s7;
	s29 =	sshrl.u32 s2, $0x2;
	s4 =	sshrl.u32 s4, $0x2  }
0x40: {  	v8 =	vcombine.low v1, v2;
	v1 =	vunpack.c.0.s8.s32 v4;
	v2 =	vunpack.c.l.s4.s8 v7;
	s22 =	sshrl.u32 s3, $0x2;
	s15 =	sadd.s32 s29, s16;
	s29 =	sld [smem:$0x7F4]  }
0x41: {  	v4 =	vunpack.c.0.s8.s32 v5;
	v5 =	vunpack.c.0.s8.s32 v6;
	v6 =	vimm.s32 $0xFEDCBA98;
	s9 =	sadd.s32 s4, s16;
	s2 =	smul.u32 $0x5000, s25;
	[dreg:$0x1f] =	wrdreg s15  }
0x42: {  	v7 =	vimm.s32 $0x76543210;
	v6 =	vunpack.c.l.s4.s8 v6;
	v2 =	vunpack.c.0.s8.s32 v2;
	s3 =	sshrl.u32 s23, $0x2;
	s7 =	sadd.s32 s22, s16;
	[smem:$0x7F8] =	sst s9  }
0x43: {  	v0 =	vimm.f32 $0.0e+00;
	v9 =	vcombine.low v4, v1;
	v4 =	vunpack.c.l.s4.s8 v7;
	s22 =	sadd.s32 s3, s16;
	[smem:$0x7F9] =	sst s7;
	s28 =	sshrl.u32 s2, $0x2  }
0x44: {  	v1 =	vand.u32 $0x7, v3;
	v7 =	vcombine.low v2, v5;
	v5 =	vunpack.c.0.s8.s32 v6;
	[smem:$0x7FC] =	sst s22;
	s16 =	sadd.s32 s28, s16;
	s0 =	smul.u32 $0x8C00, s29  }
0x45: {  	p0 =	sgt.u32 s5, $0x9;
	v2 =	vshrl.u32 v3, $0x3;
	v10 =	vunpack.c.0.s8.s32 v4;
	v3 =	vor.u32 $0x8, v3;
	s5 =	simm.s32 $0x0;
	[smem:$0x7FD] =	sst s16  }
0x46: {  	v4 =	vand.u32 $0xF, v8;
	v2 =	vmul.u32 $0x8, v2;
	v8 =	vand.u32 $0xF, v5;
	s23 =	simm.s32 $0x28;
	[smem:$0x7F5] =	sst s0;
	s0 =	smax.u32 s30, $0x1  }
0x47: {  	v5 =	vand.u32 $0xF, v9;
	v6 =	vand.u32 $0xF, v7;
	v7 =	vcombine.low v8, v10;
	s2 =	simm.s32 $0x2;
	[smem:$0x7F7] =	sst s0;
	s0 =	simm.s32 $0x1  }
.LBB2_1:
0x48: {  	[smem:$0x7EF] =	sst s5;
	s4 =	simm.s32 $0x0;
	s5 =	simm.s32 $0x200  }
.LBB2_2:
0x49: {  	p1 =	sne.s32 s5, $0x4E00;
	[tilespmem:s4+$0xB070] =	vst v0  }
0x4a: {  	[tilespmem:s4+$0xB000] =	vst v0  }
0x4b: {  	[tilespmem:s4+$0xB010] =	vst v0  }
.Ltmp0:
0x4c: {  	[tilespmem:s4+$0xB020] =	vst v0;
	(pc) =	sbr.rel @p1 .LBB2_2-.Ltmp0, $4  }
0x4d: {  	[tilespmem:s4+$0xB030] =	vst v0  }
0x4e: {  	[tilespmem:s4+$0xB040] =	vst v0  }
0x4f: {  	[tilespmem:s4+$0xB050] =	vst v0  }
0x50: {  	[tilespmem:s4+$0xB060] =	vst v0;
	s4 =	sshra.s32 s5, $0x2;
	s5 =	sadd.s32 $0x200, s5  }
0x51: {  	[tilespmem:s4+$0xB070] =	vst v0  }
0x52: {  	[tilespmem:s4+$0xB000] =	vst v0  }
0x53: {  	[tilespmem:s4+$0xB010] =	vst v0  }
0x54: {  	[tilespmem:s4+$0xB020] =	vst v0  }
0x55: {  	[tilespmem:s4+$0xB030] =	vst v0  }
0x56: {  	[tilespmem:s4+$0xB040] =	vst v0  }
0x57: {  	[tilespmem:s4+$0xB050] =	vst v0  }
0x58: {  	[tilespmem:s4+$0xB060] =	vst v0;
	s3 =	simm.s32 $0xB000;
	s30 =	simm.s32 $0x4  }
0x59: {  	[spmem:s11] =	stream.linear.scatter [tilespmem:s3], [sflag:$0x4], $0x1400, $0x38;
	[tilespmem:$0x1FC80] =	vst v63  }
0x5a: {  	_ =	swait.ge [sflag:s30], $0x1400  }
0x5b: {  	[sflag:s30] =	ssyncset.done $0x0  }
0x5c: {  	[sflag:s30] =	ssyncadd.s32 $0xFFFFEC00  }
0x5d: {  	[spmem:s12] =	stream.linear.scatter [tilespmem:s3], [sflag:$0x4], $0x1400, $0x38;
	[tilespmem:$0x1FC80] =	vst v63  }
0x5e: {  	_ =	swait.ge [sflag:s30], $0x1400  }
0x5f: {  	[sflag:s30] =	ssyncset.done $0x0  }
0x60: {  	[sflag:s30] =	ssyncadd.s32 $0xFFFFEC00  }
0x61: {  	[spmem:s13] =	stream.linear.scatter [tilespmem:s3], [sflag:$0x4], $0x1400, $0x38;
	[tilespmem:$0x1FC80] =	vst v63  }
0x62: {  	_ =	swait.ge [sflag:s30], $0x1400  }
0x63: {  	[sflag:s30] =	ssyncset.done $0x0  }
0x64: {  	[sflag:s30] =	ssyncadd.s32 $0xFFFFEC00  }
0x65: {  	[spmem:s14] =	stream.linear.scatter [tilespmem:s3], [sflag:$0x4], $0x1400, $0x38;
	[tilespmem:$0x1FC80] =	vst v63  }
0x66: {  	_ =	swait.ge [sflag:s30], $0x1400  }
0x67: {  	[sflag:s30] =	ssyncset.done $0x0  }
0x68: {  	[sflag:s30] =	ssyncadd.s32 $0xFFFFEC00  }
0x69: {  	[spmem:s10] =	stream.linear.scatter [tilespmem:s3], [sflag:$0x4], $0x1400, $0x38;
	[tilespmem:$0x1FC80] =	vst v63  }
0x6a: {  	_ =	swait.ge [sflag:s30], $0x1400  }
0x6b: {  	[sflag:s30] =	ssyncset.done $0x0  }
0x6c: {  	[sflag:s30] =	ssyncadd.s32 $0xFFFFEC00  }
0x6d: {  	[spmem:s8] =	stream.linear.scatter [tilespmem:s3], [sflag:$0x4], $0x1400, $0x38;
	[tilespmem:$0x1FC80] =	vst v63  }
0x6e: {  	_ =	swait.ge [sflag:s30], $0x1400  }
0x6f: {  	[sflag:s30] =	ssyncset.done $0x0  }
0x70: {  	[sflag:s30] =	ssyncadd.s32 $0xFFFFEC00  }
0x71: {  	[spmem:s17] =	stream.linear.scatter [tilespmem:s3], [sflag:$0x4], $0x1400, $0x38;
	[tilespmem:$0x1FC80] =	vst v63  }
0x72: {  	_ =	swait.ge [sflag:s30], $0x1400  }
0x73: {  	[sflag:s30] =	ssyncset.done $0x0  }
0x74: {  	[sflag:s30] =	ssyncadd.s32 $0xFFFFEC00  }
0x75: {  	[spmem:s18] =	stream.linear.scatter [tilespmem:s3], [sflag:$0x4], $0x1400, $0x38;
	[tilespmem:$0x1FC80] =	vst v63  }
0x76: {  	_ =	swait.ge [sflag:s30], $0x1400  }
0x77: {  	[sflag:s30] =	ssyncset.done $0x0  }
0x78: {  	[sflag:s30] =	ssyncadd.s32 $0xFFFFEC00  }
0x79: {  	[spmem:s19] =	stream.linear.scatter [tilespmem:s3], [sflag:$0x4], $0x1400, $0x38;
	[tilespmem:$0x1FC80] =	vst v63  }
0x7a: {  	_ =	swait.ge [sflag:s30], $0x1400  }
0x7b: {  	[sflag:s30] =	ssyncset.done $0x0  }
0x7c: {  	[sflag:s30] =	ssyncadd.s32 $0xFFFFEC00  }
0x7d: {  	[spmem:s15] =	stream.linear.scatter [tilespmem:s3], [sflag:$0x4], $0x1400, $0x38;
	[tilespmem:$0x1FC80] =	vst v63  }
0x7e: {  	_ =	swait.ge [sflag:s30], $0x1400  }
0x7f: {  	[sflag:s30] =	ssyncset.done $0x0  }
0x80: {  	[sflag:s30] =	ssyncadd.s32 $0xFFFFEC00  }
0x81: {  	[spmem:s9] =	stream.linear.scatter [tilespmem:s3], [sflag:$0x4], $0x1400, $0x38;
	[tilespmem:$0x1FC80] =	vst v63  }
0x82: {  	_ =	swait.ge [sflag:s30], $0x1400  }
0x83: {  	[sflag:s30] =	ssyncset.done $0x0  }
0x84: {  	[sflag:s30] =	ssyncadd.s32 $0xFFFFEC00  }
0x85: {  	[spmem:s7] =	stream.linear.scatter [tilespmem:s3], [sflag:$0x4], $0x1400, $0x38;
	[tilespmem:$0x1FC80] =	vst v63  }
0x86: {  	_ =	swait.ge [sflag:s30], $0x1400  }
0x87: {  	[sflag:s30] =	ssyncset.done $0x0  }
0x88: {  	[sflag:s30] =	ssyncadd.s32 $0xFFFFEC00  }
0x89: {  	[spmem:s20] =	stream.linear.scatter [tilespmem:s3], [sflag:$0x4], $0x1400, $0x38;
	[tilespmem:$0x1FC80] =	vst v63  }
0x8a: {  	_ =	swait.ge [sflag:s30], $0x1400  }
0x8b: {  	[sflag:s30] =	ssyncset.done $0x0  }
0x8c: {  	[sflag:s30] =	ssyncadd.s32 $0xFFFFEC00  }
0x8d: {  	[spmem:s6] =	stream.linear.scatter [tilespmem:s3], [sflag:$0x4], $0x1400, $0x38;
	[tilespmem:$0x1FC80] =	vst v63  }
0x8e: {  	_ =	swait.ge [sflag:s30], $0x1400  }
0x8f: {  	[sflag:s30] =	ssyncset.done $0x0  }
0x90: {  	[sflag:s30] =	ssyncadd.s32 $0xFFFFEC00  }
0x91: {  	[spmem:s22] =	stream.linear.scatter [tilespmem:s3], [sflag:$0x4], $0x1400, $0x38;
	[tilespmem:$0x1FC80] =	vst v63  }
0x92: {  	_ =	swait.ge [sflag:s30], $0x1400  }
0x93: {  	[sflag:s30] =	ssyncset.done $0x0  }
0x94: {  	s4 =	simm.s32 @!p0 $0xB000;
	[sflag:s30] =	ssyncadd.s32 $0xFFFFEC00  }
0x95: {  	[spmem:s16] =	stream.linear.scatter @!p0 [tilespmem:s4], [sflag:$0x4], $0x1400, $0x38;
	[tilespmem:$0x1FC80] =	vst v63  }
0x96: {  	s4 =	simm.s32 @!p0 $0x4  }
0x97: {  	_ =	swait.ge @!p0 [sflag:s4], $0x1400  }
0x98: {  	[sflag:s4] =	ssyncset.done @!p0 $0x0  }
0x99: {  	[sflag:s4] =	ssyncadd.s32 @!p0 $0xFFFFEC00  }
0x9a: {  	s3 =	simm.s32 $0x0;
	[bflag:$0x0] =	sbarrier.arrive $0xFFFF  }
.LBB2_4:
0x9b: {  	p1 =	seq.s32 s3, $0x0  }
0x9c: {  	[smem:$0x7EE] =	sst s3;
	s5 =	simm.s32 @!p1 $0x3  }
0x9d: {  	_ =	swait.ge @!p1 [sflag:s5], $0x1400  }
0x9e: {  	s16 =	sld [smem:$0x7F5]  }
0x9f: {  	s4 =	smul.u32 $0x1C00, s3;
	_ =	sdelay $0x1  }
0xa0: {  	s6 =	simm.s32 $0x0;
	s4 =	sadd.s32 s16, s4  }
0xa1: {  	[sflag:s5] =	ssyncset.done @!p1 $0x0;
	s17 =	rddreg [dreg:$0x14];
	s4 =	sshrl.u32 s4, $0x3  }
0xa2: {  	s19 =	simm.s32 $0x4;
	[sflag:s5] =	ssyncadd.s32 @!p1 $0xFFFFEC00;
	s18 =	sadd.s32 s17, s4  }
0xa3: {  	[tilespmem:s6], [sflag:$0x4] =	stream.linear.gather [hbm4b:s18+s6], $0x1900, $0x38;
	[tilespmem:$0x1FC80] =	vst v63  }
0xa4: {  	_ =	swait.ge [sflag:s19], $0x1900  }
0xa5: {  	[sflag:s19] =	ssyncset.done $0x0;
	s20 =	rddreg [dreg:$0x15]  }
0xa6: {  	s22 =	simm.s32 $0x1C00;
	[sflag:s19] =	ssyncadd.s32 $0xFFFFE700;
	s4 =	sadd.s32 s20, s4  }
0xa7: {  	[tilespmem:s22], [sflag:$0x4] =	stream.linear.gather [hbm4b:s4+s6], $0x1900, $0x38;
	[tilespmem:$0x1FC80] =	vst v63  }
0xa8: {  	_ =	swait.ge [sflag:s19], $0x1900  }
0xa9: {  	[sflag:s19] =	ssyncset.done $0x0  }
0xaa: {  	s24 =	simm.s32 $0x3800;
	[sflag:s19] =	ssyncadd.s32 $0xFFFFE700  }
0xab: {  	[tilespmem:s24], [sflag:$0x1] =	stream.indirect.gather [hbm4b:s31+s23], $0x80, s6, s23, $0xb8;
	[tilespmem:$0x1FC80] =	vst v63  }
0xac: {  	v8 =	vld [tilespmem:$0x1C00];
	_ =	sdelay $0x4  }
0xad: {  	v9 =	vshll.u32 v8, $0x1  }
0xae: {  	v8 =	vand.u32 $0x7, v8;
	v9 =	vand.u32 $0xFFFFFFF0, v9  }
0xaf: {  	v8 =	vor.u32 v8, v9  }
0xb0: {  	v9 =	vperm.xlane v8, v1;
	_ =	sdelay $0x1  }
0xb1: {  	v8 =	vperm.xlane v8, v3;
	v9 =	vadd.s32 v2, v9;
	_ =	sdelay $0x1  }
0xb2: {  	v8 =	vadd.s32 v2, v8;
	_ =	sdelay $0x1  }
0xb3: {  	s25 =	simm.s32 $0x4C00  }
0xb4: {  	[tilespmem:s25], [sflag:$0x1] =	stream.indirect_vreg.gather [hbm4b:s21+s6], $0x80, v9, vm0, $0xb8;
	[tilespmem:$0x1FC80] =	vst v63  }
0xb5: {  	s26 =	simm.s32 $0x5400  }
0xb6: {  	[tilespmem:s26], [sflag:$0x1] =	stream.indirect_vreg.gather [hbm4b:s21+s6], $0x80, v8, vm0, $0xb8;
	[tilespmem:$0x1FC80] =	vst v63  }
0xb7: {  	v8 =	vld [tilespmem:$0x1C10];
	_ =	sdelay $0x4  }
0xb8: {  	v62 =	vshll.u32 v8, $0x1  }
0xb9: {  	v8 =	vand.u32 $0x7, v8;
	v9 =	vand.u32 $0xFFFFFFF0, v62  }
0xba: {  	v8 =	vor.u32 v8, v9  }
0xbb: {  	v9 =	vperm.xlane v8, v1;
	_ =	sdelay $0x1  }
0xbc: {  	v8 =	vperm.xlane v8, v3;
	v9 =	vadd.s32 v2, v9;
	_ =	sdelay $0x1  }
0xbd: {  	v8 =	vadd.s32 v2, v8;
	_ =	sdelay $0x1  }
0xbe: {  	s28 =	simm.s32 $0x5C00  }
0xbf: {  	[tilespmem:s28], [sflag:$0x1] =	stream.indirect_vreg.gather [hbm4b:s21+s6], $0x80, v9, vm0, $0xb8;
	[tilespmem:$0x1FC80] =	vst v63  }
0xc0: {  	s29 =	simm.s32 $0x6400  }
0xc1: {  	[tilespmem:s29], [sflag:$0x1] =	stream.indirect_vreg.gather [hbm4b:s21+s6], $0x80, v8, vm0, $0xb8;
	[tilespmem:$0x1FC80] =	vst v63  }
0xc2: {  	v8 =	vld.msk [tilespmem:$0x1C20], $0xff;
	_ =	sdelay $0x4  }
0xc3: {  	v63 =	vshll.u32 v8, $0x1  }
0xc4: {  	v8 =	vand.u32 $0x7, v8;
	v9 =	vand.u32 $0xFFFFFFF0, v63  }
0xc5: {  	v8 =	vor.u32 v8, v9  }
0xc6: {  	v8 =	vperm.xlane v8, v1;
	_ =	sdelay $0x1  }
0xc7: {  	v8 =	vadd.s32 v2, v8;
	_ =	sdelay $0x3  }
0xc8: {  	s30 =	simm.s32 $0x6C00;
	s7 =	simm.s32 $0x0;
	p1 =	por $0x0, $0x0  }
0xc9: {  	[tilespmem:s30], [sflag:$0x1] =	stream.indirect_vreg.gather [hbm4b:s21+s6], $0x80, v8, vm0, $0xb8;
	[tilespmem:$0x1FC80] =	vst v63  }
.LBB2_5:
0xca: {  	s4 =	sshll.u32 s7, $0x8  }
0xcb: {  	s5 =	simm.s32 $0x7400;
	s8 =	sor.u32 $0x80, s4  }
0xcc: {  	[tilespmem:s5], [sflag:$0x2] =	stream.indirect.gather [hbm4b:s31+s23], $0x80, s8, s23, $0xb8;
	[tilespmem:$0x1FC80] =	vst v63  }
0xcd: {  	v8 =	vld [tilespmem:s4+$0x1C80];
	_ =	sdelay $0x4  }
0xce: {  	v9 =	vshll.u32 v8, $0x1  }
0xcf: {  	v8 =	vand.u32 $0x7, v8;
	v9 =	vand.u32 $0xFFFFFFF0, v9  }
0xd0: {  	v8 =	vor.u32 v8, v9  }
0xd1: {  	v9 =	vperm.xlane v8, v1;
	_ =	sdelay $0x1  }
0xd2: {  	v8 =	vperm.xlane v8, v3;
	v9 =	vadd.s32 v2, v9;
	_ =	sdelay $0x1  }
0xd3: {  	v8 =	vadd.s32 v2, v8;
	_ =	sdelay $0x1  }
0xd4: {  	s20 =	simm.s32 $0x8800  }
0xd5: {  	[tilespmem:s20], [sflag:$0x2] =	stream.indirect_vreg.gather [hbm4b:s21+s1], $0x80, v9, vm0, $0xb8;
	[tilespmem:$0x1FC80] =	vst v63  }
0xd6: {  	s22 =	simm.s32 $0x9000  }
0xd7: {  	[tilespmem:s22], [sflag:$0x2] =	stream.indirect_vreg.gather [hbm4b:s21+s1], $0x80, v8, vm0, $0xb8;
	[tilespmem:$0x1FC80] =	vst v63  }
0xd8: {  	v8 =	vld [tilespmem:s4+$0x1C90];
	_ =	sdelay $0x4  }
0xd9: {  	v9 =	vshll.u32 v8, $0x1  }
0xda: {  	v8 =	vand.u32 $0x7, v8;
	v9 =	vand.u32 $0xFFFFFFF0, v9  }
0xdb: {  	v8 =	vor.u32 v8, v9  }
0xdc: {  	v9 =	vperm.xlane v8, v1;
	_ =	sdelay $0x1  }
0xdd: {  	v8 =	vperm.xlane v8, v3;
	v9 =	vadd.s32 v2, v9;
	_ =	sdelay $0x1  }
0xde: {  	v8 =	vadd.s32 v2, v8;
	_ =	sdelay $0x1  }
0xdf: {  	s23 =	simm.s32 $0x9800  }
0xe0: {  	[tilespmem:s23], [sflag:$0x2] =	stream.indirect_vreg.gather [hbm4b:s21+s1], $0x80, v9, vm0, $0xb8;
	[tilespmem:$0x1FC80] =	vst v63  }
0xe1: {  	s24 =	simm.s32 $0xA000  }
0xe2: {  	[tilespmem:s24], [sflag:$0x2] =	stream.indirect_vreg.gather [hbm4b:s21+s1], $0x80, v8, vm0, $0xb8;
	[tilespmem:$0x1FC80] =	vst v63  }
0xe3: {  	v8 =	vld.msk [tilespmem:s4+$0x1CA0], $0xff;
	_ =	sdelay $0x4  }
0xe4: {  	v9 =	vshll.u32 v8, $0x1  }
0xe5: {  	v8 =	vand.u32 $0x7, v8;
	v9 =	vand.u32 $0xFFFFFFF0, v9  }
0xe6: {  	v8 =	vor.u32 v8, v9  }
0xe7: {  	v8 =	vperm.xlane v8, v1;
	_ =	sdelay $0x1  }
0xe8: {  	v8 =	vadd.s32 v2, v8;
	_ =	sdelay $0x3  }
0xe9: {  	s25 =	simm.s32 $0xA800  }
0xea: {  	[tilespmem:s25], [sflag:$0x2] =	stream.indirect_vreg.gather [hbm4b:s21+s1], $0x80, v8, vm0, $0xb8;
	[tilespmem:$0x1FC80] =	vst v63  }
0xeb: {  	_ =	swait.ge [sflag:s0], $0x1400  }
0xec: {  	[sflag:s0] =	ssyncset.done $0x0  }
0xed: {  	[sflag:s0] =	ssyncadd.s32 $0xFFFFEC00  }
0xee: {  	_ =	swait.ge [sflag:s0], $0x2800  }
0xef: {  	[sflag:s0] =	ssyncset.done $0x0  }
0xf0: {  	s5 =	simm.s32 @p1 $0x3;
	[sflag:s0] =	ssyncadd.s32 $0xFFFFD800  }
0xf1: {  	s9 =	simm.s32 $0x0;
	s10 =	simm.s32 $0x80;
	_ =	swait.ge @p1 [sflag:s5], $0x1400  }
0xf2: {  	s6 =	simm.s32 $0x3880;
	s26 =	sand.u32 $0x3800, s9;
	[sflag:s5] =	ssyncset.done @p1 $0x0  }
0xf3: {  	s10 =	sand.u32 $0x380, s10;
	s12 =	sadd.s32 $0x4C00, s26;
	[sflag:s5] =	ssyncadd.s32 @p1 $0xFFFFEC00  }
0xf4: {  	s5 =	sor.u32 s10, s12;
	v8 =	vld [tilespmem:s6+$0x0]  }
0xf5: {  	v9 =	vld [tilespmem:s5+$0x0]  }
0xf6: {  	v10 =	vld [tilespmem:s6+$0x10]  }
0xf7: {  	v11 =	vld [tilespmem:s5+$0x10]  }
0xf8: {  	v12 =	vld [tilespmem:s6+$0x20]  }
0xf9: {  	v13 =	vld [tilespmem:s5+$0x20]  }
0xfa: {  	v14 =	vld [tilespmem:s6+$0x30];
	v8 =	vmul.f32 v9, v8  }
0xfb: {  	v9 =	vld [tilespmem:s5+$0x30]  }
0xfc: {  	v15 =	vld [tilespmem:s5+$0x40];
	v10 =	vmul.f32 v11, v10;
	v8 =	vadd.f32 $0.0e+00, v8  }
0xfd: {  	v11 =	vld [tilespmem:s6+$0x40]  }
0xfe: {  	v8 =	vadd.f32 v10, v8;
	v10 =	vmul.f32 v13, v12;
	v12 =	vld [tilespmem:s6+$0x50]  }
0xff: {  	v13 =	vld [tilespmem:s5+$0x50]  }
0x100: {  	v9 =	vmul.f32 v9, v14;
	v14 =	vld [tilespmem:s5+$0x60];
	v8 =	vadd.f32 v10, v8  }
0x101: {  	v10 =	vld [tilespmem:s6+$0x60]  }
0x102: {  	v16 =	vld [tilespmem:s6+$0x70];
	v8 =	vadd.f32 v9, v8;
	v9 =	vmul.f32 v15, v11  }
0x103: {  	v11 =	vld [tilespmem:s5+$0x70]  }
0x104: {  	v8 =	vadd.f32 v9, v8;
	v9 =	vmul.f32 v13, v12;
	_ =	sdelay $0x1  }
0x105: {  	v8 =	vadd.f32 v9, v8;
	v9 =	vmul.f32 v14, v10;
	_ =	sdelay $0x1  }
0x106: {  	v8 =	vadd.f32 v9, v8;
	v9 =	vmul.f32 v11, v16;
	_ =	sdelay $0x1  }
0x107: {  	v8 =	vadd.f32 v9, v8;
	_ =	sdelay $0x1  }
0x108: {  	v9 =	vperm.xlane v8, v4;
	_ =	sdelay $0x1  }
0x109: {  	v8 =	vadd.f32 v8, v9  }
0x10a: {  	s9 =	sand.u32 $0x300, s9  }
0x10b: {  	s24 =	sor.u32 s9, s12;
	v17 =	vld [tilespmem:s6+$0xFFFFFFB0];
	v10 =	vperm.xlane v8, v5  }
0x10c: {  	v18 =	vld [tilespmem:s24+$0x40]  }
0x10d: {  	v19 =	vld [tilespmem:s6+$0xFFFFFFC0];
	v8 =	vadd.f32 v8, v10  }
0x10e: {  	v20 =	vld [tilespmem:s5+$0x400]  }
0x10f: {  	v21 =	vld [tilespmem:s24+$0x50];
	v11 =	vperm.xlane v8, v6  }
0x110: {  	v22 =	vld [tilespmem:s6+$0xFFFFFFD0]  }
0x111: {  	v23 =	vld [tilespmem:s24+$0x60];
	v8 =	vadd.f32 v8, v11  }
0x112: {  	v24 =	vld [tilespmem:s6+$0xFFFFFFE0]  }
0x113: {  	s11 =	simm.s32 $0x3980;
	v25 =	vld [tilespmem:s6+$0xFFFFFFF0];
	v11 =	vperm.xlane v8, v7  }
0x114: {  	v26 =	vld [tilespmem:s11+$0x30]  }
0x115: {  	v27 =	vld [tilespmem:s11+$0x0];
	v8 =	vadd.f32 v8, v11  }
0x116: {  	v29 =	vld [tilespmem:s11+$0x10]  }
0x117: {  	v12 =	vld [tilespmem:s6+$0xFFFFFF80];
	v11 =	vmul.f32 $2.000000030e-01, v8  }
0x118: {  	v9 =	vld [tilespmem:s24+$0x0];
	vm1 =	vge.f32 v8, $0.0e+00  }
0x119: {  	v13 =	vld [tilespmem:s24+$0x10];
	v11 =	vsel vm1, v8, v11  }
0x11a: {  	v10 =	vld [tilespmem:s6+$0xFFFFFF90];
	v20 =	vmul.f32 v11, v20  }
0x11b: {  	s13 =	simm.s32 $0xB080;
	s12 =	simm.s32 $0x200;
	v15 =	vld [tilespmem:s6+$0xFFFFFFA0]  }
0x11c: {  	s14 =	simm.s32 $0x180;
	s9 =	sand.u32 $0x3800, s12;
	v14 =	vld [tilespmem:s24+$0x20];
	[tilespmem:s13+$0x0] =	vst v20  }
0x11d: {  	s16 =	sand.u32 $0x380, s14;
	s15 =	sadd.s32 $0x4C00, s9;
	v9 =	vmul.f32 v9, v12;
	v20 =	vld [tilespmem:s5+$0x410]  }
0x11e: {  	s9 =	sor.u32 s16, s15;
	v16 =	vld [tilespmem:s24+$0x30]  }
0x11f: {  	v28 =	vld [tilespmem:s9+$0x0];
	v9 =	vadd.f32 $0.0e+00, v9;
	v10 =	vmul.f32 v13, v10  }
0x120: {  	v12 =	vld [tilespmem:s9+$0x10]  }
0x121: {  	v30 =	vld [tilespmem:s11+$0x20];
	v9 =	vadd.f32 v10, v9;
	v10 =	vmul.f32 v14, v15  }
0x122: {  	v13 =	vld [tilespmem:s9+$0x20];
	v20 =	vmul.f32 v11, v20  }
0x123: {  	v9 =	vadd.f32 v10, v9;
	v10 =	vmul.f32 v16, v17;
	v16 =	vld [tilespmem:s9+$0x40]  }
0x124: {  	v17 =	vld [tilespmem:s9+$0x50];
	[tilespmem:s13+$0x10] =	vst v20;
	v20 =	vmul.f32 v28, v27  }
0x125: {  	v12 =	vmul.f32 v12, v29;
	v27 =	vld [tilespmem:s9+$0x30]  }
0x126: {  	v9 =	vadd.f32 v10, v9;
	v10 =	vmul.f32 v18, v19;
	v18 =	vld [tilespmem:s11+$0x60];
	v15 =	vadd.f32 $0.0e+00, v20  }
0x127: {  	v20 =	vld [tilespmem:s11+$0x40]  }
0x128: {  	v13 =	vmul.f32 v13, v30;
	v19 =	vld [tilespmem:s9+$0x60];
	v12 =	vadd.f32 v12, v15  }
0x129: {  	v15 =	vld [tilespmem:s11+$0x50]  }
0x12a: {  	v14 =	vld [tilespmem:s5+$0x420];
	v12 =	vadd.f32 v13, v12;
	v13 =	vmul.f32 v27, v26  }
0x12b: {  	v8 =	vld [tilespmem:s24+$0x70];
	v9 =	vadd.f32 v10, v9;
	v10 =	vmul.f32 v21, v22  }
0x12c: {  	v21 =	vld [tilespmem:s11+$0x70];
	v12 =	vadd.f32 v13, v12;
	v13 =	vmul.f32 v16, v20  }
0x12d: {  	v9 =	vadd.f32 v10, v9;
	v10 =	vmul.f32 v23, v24;
	v16 =	vld [tilespmem:s9+$0x70]  }
0x12e: {  	v12 =	vadd.f32 v13, v12;
	v13 =	vmul.f32 v17, v15  }
0x12f: {  	v9 =	vadd.f32 v10, v9;
	v10 =	vmul.f32 v14, v11  }
0x130: {  	v8 =	vmul.f32 v8, v25;
	v12 =	vadd.f32 v13, v12;
	v13 =	vmul.f32 v19, v18  }
0x131: {  	[tilespmem:s13+$0x20] =	vst v10  }
0x132: {  	v8 =	vadd.f32 v8, v9;
	v9 =	vld [tilespmem:s5+$0x430];
	v10 =	vadd.f32 v13, v12;
	v12 =	vmul.f32 v16, v21;
	_ =	sdelay $0x1  }
0x133: {  	v13 =	vperm.xlane v8, v4;
	v10 =	vadd.f32 v12, v10;
	_ =	sdelay $0x1  }
0x134: {  	s18 =	simm.s32 $0x3A80;
	v55 =	vld [tilespmem:s11+$0xFFFFFFE0];
	v8 =	vadd.f32 v8, v13;
	v13 =	vperm.xlane v10, v4  }
0x135: {  	v57 =	vld [tilespmem:s18+$0x30];
	v9 =	vmul.f32 v9, v11  }
0x136: {  	s17 =	simm.s32 $0x100;
	v31 =	vld [tilespmem:s18+$0x0];
	v10 =	vadd.f32 v10, v13  }
0x137: {  	s20 =	simm.s32 $0x400;
	s10 =	sand.u32 $0x300, s17;
	v33 =	vld [tilespmem:s18+$0x10];
	[tilespmem:s13+$0x30] =	vst v9;
	v15 =	vperm.xlane v8, v5  }
0x138: {  	s17 =	sor.u32 s10, s15;
	s15 =	simm.s32 $0x280;
	s6 =	sand.u32 $0x3800, s20;
	v9 =	vld [tilespmem:s5+$0x440];
	v13 =	vperm.xlane v10, v5  }
0x139: {  	v34 =	vld [tilespmem:s18+$0x20];
	s23 =	sand.u32 $0x380, s15;
	s22 =	sadd.s32 $0x4C00, s6;
	v8 =	vadd.f32 v8, v15  }
0x13a: {  	v56 =	vld [tilespmem:s17+$0x70];
	s6 =	sor.u32 s23, s22;
	v10 =	vadd.f32 v10, v13  }
0x13b: {  	v32 =	vld [tilespmem:s6+$0x0];
	v18 =	vperm.xlane v8, v6  }
0x13c: {  	v58 =	vld [tilespmem:s6+$0x30];
	v13 =	vperm.xlane v10, v6  }
0x13d: {  	v23 =	vld [tilespmem:s17+$0x40];
	v9 =	vmul.f32 v9, v11;
	v8 =	vadd.f32 v8, v18  }
0x13e: {  	v24 =	vld [tilespmem:s11+$0xFFFFFFC0];
	v10 =	vadd.f32 v10, v13  }
0x13f: {  	v14 =	vld [tilespmem:s17+$0x0];
	[tilespmem:s13+$0x40] =	vst v9;
	v22 =	vperm.xlane v8, v7  }
0x140: {  	v9 =	vld [tilespmem:s5+$0x450];
	v13 =	vperm.xlane v10, v7  }
0x141: {  	v26 =	vld [tilespmem:s11+$0xFFFFFFD0];
	v8 =	vadd.f32 v8, v22  }
0x142: {  	v27 =	vld [tilespmem:s9+$0x400];
	v10 =	vadd.f32 v10, v13  }
0x143: {  	v20 =	vld [tilespmem:s11+$0xFFFFFFA0];
	v25 =	vmul.f32 $2.000000030e-01, v8  }
0x144: {  	v17 =	vld [tilespmem:s17+$0x10];
	vm1 =	vge.f32 v8, $0.0e+00;
	v13 =	vmul.f32 $2.000000030e-01, v10  }
0x145: {  	v16 =	vld [tilespmem:s11+$0xFFFFFF80];
	v9 =	vmul.f32 v9, v11;
	v8 =	vsel vm1, v8, v25;
	vm1 =	vge.f32 v10, $0.0e+00  }
0x146: {  	v19 =	vld [tilespmem:s17+$0x20];
	v13 =	vsel vm1, v10, v13  }
0x147: {  	v15 =	vld [tilespmem:s11+$0xFFFFFF90];
	[tilespmem:s13+$0x50] =	vst v9;
	v9 =	vmul.f32 v13, v27  }
0x148: {  	s19 =	simm.s32 $0xB180;
	v21 =	vld [tilespmem:s11+$0xFFFFFFB0]  }
0x149: {  	v12 =	vld [tilespmem:s24+$0x400];
	[tilespmem:s19+$0x0] =	vst v9  }
0x14a: {  	v14 =	vmul.f32 v14, v16;
	v9 =	vld [tilespmem:s9+$0x410]  }
0x14b: {  	v18 =	vld [tilespmem:s17+$0x30]  }
0x14c: {  	v16 =	vld [tilespmem:s6+$0x10];
	v14 =	vadd.f32 $0.0e+00, v14;
	v15 =	vmul.f32 v17, v15  }
0x14d: {  	v17 =	vld [tilespmem:s6+$0x20]  }
0x14e: {  	v14 =	vadd.f32 v15, v14;
	v15 =	vmul.f32 v19, v20;
	v20 =	vld [tilespmem:s18+$0x40]  }
0x14f: {  	v22 =	vld [tilespmem:s17+$0x50];
	v9 =	vmul.f32 v13, v9  }
0x150: {  	v14 =	vadd.f32 v15, v14;
	v15 =	vmul.f32 v18, v21;
	v18 =	vld [tilespmem:s6+$0x40]  }
0x151: {  	v21 =	vld [tilespmem:s6+$0x50];
	[tilespmem:s19+$0x10] =	vst v9;
	v9 =	vmul.f32 v32, v31  }
0x152: {  	v14 =	vadd.f32 v15, v14;
	v15 =	vmul.f32 v23, v24;
	v23 =	vld [tilespmem:s18+$0x60]  }
0x153: {  	v16 =	vmul.f32 v16, v33;
	v25 =	vld [tilespmem:s17+$0x60];
	v12 =	vmul.f32 v8, v12;
	v9 =	vadd.f32 $0.0e+00, v9  }
0x154: {  	v14 =	vadd.f32 v15, v14;
	v15 =	vmul.f32 v22, v26;
	v22 =	vld [tilespmem:s6+$0x60]  }
0x155: {  	[tilespmem:s13+$0xFFFFFF80] =	vst v12;
	v12 =	vld [tilespmem:s11+$0xFFFFFFF0];
	v9 =	vadd.f32 v16, v9;
	v16 =	vmul.f32 v17, v34  }
0x156: {  	v17 =	vld [tilespmem:s18+$0x50]  }
0x157: {  	v19 =	vld [tilespmem:s9+$0x420];
	v9 =	vadd.f32 v16, v9;
	v16 =	vmul.f32 v58, v57  }
0x158: {  	v10 =	vld [tilespmem:s24+$0x410]  }
0x159: {  	v24 =	vld [tilespmem:s18+$0x70];
	v9 =	vadd.f32 v16, v9;
	v16 =	vmul.f32 v18, v20  }
0x15a: {  	v14 =	vadd.f32 v15, v14;
	v15 =	vmul.f32 v25, v55;
	v18 =	vld [tilespmem:s6+$0x70]  }
0x15b: {  	v9 =	vadd.f32 v16, v9;
	v16 =	vmul.f32 v21, v17  }
0x15c: {  	v59 =	vld [tilespmem:s18+$0xFFFFFFC0];
	v14 =	vadd.f32 v15, v14;
	v12 =	vmul.f32 v56, v12;
	v15 =	vmul.f32 v19, v13  }
0x15d: {  	s26 =	simm.s32 $0x3B80;
	v38 =	vld [tilespmem:s18+$0xFFFFFFF0];
	v10 =	vmul.f32 v8, v10;
	v9 =	vadd.f32 v16, v9;
	v16 =	vmul.f32 v22, v23  }
0x15e: {  	v39 =	vld [tilespmem:s26+$0x30];
	[tilespmem:s19+$0x20] =	vst v15  }
0x15f: {  	v12 =	vadd.f32 v12, v14;
	[tilespmem:s13+$0xFFFFFF90] =	vst v10;
	v10 =	vld [tilespmem:s9+$0x430];
	v15 =	vmul.f32 v18, v24;
	v9 =	vadd.f32 v16, v9  }
0x160: {  	v41 =	vld [tilespmem:s26+$0x70]  }
0x161: {  	s25 =	simm.s32 $0x200;
	v47 =	vld [tilespmem:s26+$0xFFFFFFC0];
	v16 =	vperm.xlane v12, v4;
	v9 =	vadd.f32 v15, v9  }
0x162: {  	s15 =	sand.u32 $0x300, s25;
	v27 =	vld [tilespmem:s5+$0x460]  }
0x163: {  	v49 =	vld [tilespmem:s26+$0xFFFFFFD0];
	s20 =	sor.u32 s15, s22;
	v12 =	vadd.f32 v12, v16;
	v19 =	vperm.xlane v9, v4  }
0x164: {  	v60 =	vld [tilespmem:s20+$0x50];
	v10 =	vmul.f32 v10, v13  }
0x165: {  	v62 =	vld [tilespmem:s20+$0x60];
	v20 =	vperm.xlane v12, v5;
	v9 =	vadd.f32 v9, v19  }
0x166: {  	v63 =	vld [tilespmem:s6+$0x400];
	[tilespmem:s19+$0x30] =	vst v10  }
0x167: {  	v14 =	vmul.f32 v27, v11;
	v10 =	vld [tilespmem:s9+$0x440];
	v12 =	vadd.f32 v12, v20;
	v20 =	vperm.xlane v9, v5  }
0x168: {  	v36 =	vld [tilespmem:s20+$0x70]  }
0x169: {  	v25 =	vld [tilespmem:s20+$0x30];
	[tilespmem:s13+$0x60] =	vst v14;
	v23 =	vperm.xlane v12, v6;
	v9 =	vadd.f32 v9, v20  }
0x16a: {  	v14 =	vld [tilespmem:s5+$0x470]  }
0x16b: {  	v17 =	vld [tilespmem:s17+$0x400];
	v12 =	vadd.f32 v12, v23;
	v26 =	vperm.xlane v9, v6  }
0x16c: {  	v21 =	vld [tilespmem:s20+$0x10];
	v10 =	vmul.f32 v10, v13  }
0x16d: {  	v22 =	vld [tilespmem:s18+$0xFFFFFF90];
	v27 =	vperm.xlane v12, v7;
	v9 =	vadd.f32 v9, v26  }
0x16e: {  	v15 =	vld [tilespmem:s20+$0x0];
	[tilespmem:s19+$0x40] =	vst v10  }
0x16f: {  	v10 =	vld [tilespmem:s9+$0x450];
	v12 =	vadd.f32 v12, v27;
	v27 =	vperm.xlane v9, v7  }
0x170: {  	v16 =	vld [tilespmem:s18+$0xFFFFFF80]  }
0x171: {  	v18 =	vld [tilespmem:s24+$0x420];
	v27 =	vadd.f32 v9, v27  }
0x172: {  	v24 =	vld [tilespmem:s18+$0xFFFFFFA0];
	v61 =	vmul.f32 $2.000000030e-01, v12  }
0x173: {  	v19 =	vld [tilespmem:s20+$0x20];
	vm1 =	vge.f32 v12, $0.0e+00;
	v37 =	vmul.f32 $2.000000030e-01, v27  }
0x174: {  	v20 =	vld [tilespmem:s18+$0xFFFFFFB0];
	v10 =	vmul.f32 v10, v13;
	v9 =	vsel vm1, v12, v61;
	vm1 =	vge.f32 v27, $0.0e+00  }
0x175: {  	v15 =	vmul.f32 v15, v16;
	v23 =	vld [tilespmem:s20+$0x40];
	v16 =	vsel vm1, v27, v37  }
0x176: {  	v26 =	vld [tilespmem:s18+$0xFFFFFFD0];
	[tilespmem:s19+$0x50] =	vst v10;
	v10 =	vmul.f32 v16, v63  }
0x177: {  	s10 =	simm.s32 $0xB280;
	s11 =	simm.s32 $0x600;
	v21 =	vmul.f32 v21, v22;
	v15 =	vadd.f32 $0.0e+00, v15;
	v12 =	vld [tilespmem:s18+$0xFFFFFFE0]  }
0x178: {  	s14 =	simm.s32 $0x380;
	s5 =	sand.u32 $0x3800, s11;
	v22 =	vld [tilespmem:s9+$0x460];
	[tilespmem:s10+$0x0] =	vst v10  }
0x179: {  	s15 =	sand.u32 $0x380, s14;
	s18 =	sadd.s32 $0x4C00, s5;
	v10 =	vadd.f32 v21, v15;
	v15 =	vmul.f32 v19, v24;
	v19 =	vld [tilespmem:s6+$0x410]  }
0x17a: {  	s5 =	sor.u32 s15, s18;
	v21 =	vld [tilespmem:s26+$0x0]  }
0x17b: {  	v10 =	vadd.f32 v15, v10;
	v15 =	vmul.f32 v25, v20;
	v20 =	vld [tilespmem:s5+$0x0]  }
0x17c: {  	v24 =	vld [tilespmem:s26+$0x10]  }
0x17d: {  	v10 =	vadd.f32 v15, v10;
	v15 =	vmul.f32 v23, v59;
	v23 =	vld [tilespmem:s5+$0x10]  }
0x17e: {  	v25 =	vld [tilespmem:s26+$0x20];
	v19 =	vmul.f32 v16, v19  }
0x17f: {  	v10 =	vadd.f32 v15, v10;
	v15 =	vmul.f32 v60, v26;
	v26 =	vld [tilespmem:s5+$0x20]  }
0x180: {  	[tilespmem:s10+$0x10] =	vst v19;
	v19 =	vmul.f32 v20, v21;
	v20 =	vld [tilespmem:s5+$0x30]  }
0x181: {  	v12 =	vmul.f32 v62, v12;
	v10 =	vadd.f32 v15, v10;
	v15 =	vld [tilespmem:s6+$0x420]  }
0x182: {  	v21 =	vmul.f32 v23, v24;
	v23 =	vld [tilespmem:s26+$0x40];
	v19 =	vadd.f32 $0.0e+00, v19  }
0x183: {  	v24 =	vld [tilespmem:s5+$0x40];
	v10 =	vadd.f32 v12, v10;
	v12 =	vmul.f32 v36, v38  }
0x184: {  	v19 =	vadd.f32 v21, v19;
	v21 =	vmul.f32 v26, v25;
	v25 =	vld [tilespmem:s26+$0x50]  }
0x185: {  	v10 =	vadd.f32 v12, v10;
	v12 =	vld [tilespmem:s5+$0x50]  }
0x186: {  	v40 =	vld [tilespmem:s5+$0x60];
	v20 =	vmul.f32 v20, v39;
	v19 =	vadd.f32 v21, v19  }
0x187: {  	v18 =	vmul.f32 v18, v8;
	v21 =	vld [tilespmem:s26+$0x60]  }
0x188: {  	v35 =	vld [tilespmem:s26+$0xFFFFFFE0];
	v17 =	vmul.f32 v9, v17;
	v19 =	vadd.f32 v20, v19;
	v20 =	vmul.f32 v24, v23  }
0x189: {  	s16 =	simm.s32 $0x300;
	[tilespmem:s13+$0xFFFFFFA0] =	vst v18;
	v18 =	vmul.f32 v22, v13;
	v22 =	vld [tilespmem:s5+$0x70];
	v26 =	vperm.xlane v10, v4  }
0x18a: {  	s15 =	sand.u32 $0x300, s16;
	v52 =	vld [tilespmem:s5+$0x400];
	v15 =	vmul.f32 v15, v16;
	v12 =	vmul.f32 v12, v25;
	v19 =	vadd.f32 v20, v19  }
0x18b: {  	s25 =	sor.u32 s15, s18;
	[tilespmem:s19+$0xFFFFFF80] =	vst v17;
	v17 =	vld [tilespmem:s20+$0x400];
	v10 =	vadd.f32 v10, v26  }
0x18c: {  	v43 =	vld [tilespmem:s25+$0x30];
	[tilespmem:s10+$0x20] =	vst v15;
	v15 =	vmul.f32 v40, v21;
	v12 =	vadd.f32 v12, v19  }
0x18d: {  	v45 =	vld [tilespmem:s25+$0x40];
	v24 =	vperm.xlane v10, v5  }
0x18e: {  	v19 =	vld [tilespmem:s6+$0x430];
	v12 =	vadd.f32 v15, v12;
	v15 =	vmul.f32 v22, v41  }
0x18f: {  	v48 =	vld [tilespmem:s25+$0x50];
	v10 =	vadd.f32 v10, v24  }
0x190: {  	s18 =	simm.s32 $0x3C80;
	v51 =	vld [tilespmem:s25+$0x60];
	v12 =	vadd.f32 v15, v12  }
0x191: {  	v54 =	vld [tilespmem:s18+$0x20];
	v24 =	vperm.xlane v10, v6  }
0x192: {  	v27 =	vld [tilespmem:s17+$0x410];
	v26 =	vperm.xlane v12, v4  }
0x193: {  	v56 =	vld [tilespmem:s18+$0x40];
	v10 =	vadd.f32 v10, v24;
	v19 =	vmul.f32 v19, v16  }
0x194: {  	v58 =	vld [tilespmem:s18+$0x50];
	v12 =	vadd.f32 v12, v26  }
0x195: {  	v37 =	vld [tilespmem:s26+$0xFFFFFFF0];
	v42 =	vperm.xlane v10, v7;
	[tilespmem:s10+$0x30] =	vst v19  }
0x196: {  	v19 =	vld [tilespmem:s6+$0x440];
	v44 =	vperm.xlane v12, v5  }
0x197: {  	v62 =	vld [tilespmem:s18+$0xFFFFFF90];
	[tilespmem:s19+$0x60] =	vst v18;
	v27 =	vmul.f32 v9, v27;
	v10 =	vadd.f32 v10, v42  }
0x198: {  	v18 =	vld [tilespmem:s9+$0x470];
	v12 =	vadd.f32 v12, v44  }
0x199: {  	[tilespmem:s19+$0xFFFFFF90] =	vst v27;
	v27 =	vld [tilespmem:s26+$0xFFFFFFA0];
	v46 =	vmul.f32 $2.000000030e-01, v10  }
0x19a: {  	v60 =	vld [tilespmem:s18+$0x70];
	vm1 =	vge.f32 v10, $0.0e+00;
	v50 =	vperm.xlane v12, v6  }
0x19b: {  	v20 =	vld [tilespmem:s17+$0x420];
	v10 =	vsel vm1, v10, v46;
	v19 =	vmul.f32 v19, v16  }
0x19c: {  	v21 =	vld [tilespmem:s25+$0x0];
	v17 =	vmul.f32 v10, v17;
	v12 =	vadd.f32 v12, v50  }
0x19d: {  	v22 =	vld [tilespmem:s26+$0xFFFFFF80];
	[tilespmem:s10+$0x40] =	vst v19  }
0x19e: {  	[tilespmem:s10+$0xFFFFFF80] =	vst v17;
	v17 =	vld [tilespmem:s6+$0x450];
	v33 =	vperm.xlane v12, v7  }
0x19f: {  	v19 =	vld [tilespmem:s20+$0x410]  }
0x1a0: {  	v25 =	vld [tilespmem:s25+$0x10];
	v20 =	vmul.f32 v20, v9;
	v12 =	vadd.f32 v12, v33  }
0x1a1: {  	v15 =	vld [tilespmem:s26+$0xFFFFFF90]  }
0x1a2: {  	v36 =	vld [tilespmem:s25+$0x70];
	[tilespmem:s19+$0xFFFFFFA0] =	vst v20;
	v20 =	vmul.f32 $2.000000030e-01, v12  }
0x1a3: {  	v24 =	vld [tilespmem:s25+$0x20];
	v17 =	vmul.f32 v17, v16;
	vm1 =	vge.f32 v12, $0.0e+00  }
0x1a4: {  	v38 =	vld [tilespmem:s25+$0x400];
	v21 =	vmul.f32 v21, v22;
	v39 =	vmul.f32 v10, v19;
	v19 =	vsel vm1, v12, v20  }
0x1a5: {  	v26 =	vld [tilespmem:s26+$0xFFFFFFB0];
	[tilespmem:s10+$0x50] =	vst v17;
	v17 =	vmul.f32 v19, v52  }
0x1a6: {  	s22 =	simm.s32 $0xB380;
	s11 =	simm.s32 $0x800;
	v23 =	vld [tilespmem:s24+$0x430];
	v15 =	vmul.f32 v25, v15;
	v20 =	vadd.f32 $0.0e+00, v21  }
0x1a7: {  	s14 =	simm.s32 $0x480;
	s12 =	sand.u32 $0x3800, s11;
	v40 =	vld [tilespmem:s18+$0xFFFFFFF0];
	[tilespmem:s22+$0x0] =	vst v17  }
0x1a8: {  	s12 =	sadd.s32 $0x4C00, s12;
	s15 =	sand.u32 $0x380, s14;
	v15 =	vadd.f32 v15, v20;
	v17 =	vmul.f32 v24, v27;
	v20 =	vld [tilespmem:s5+$0x410]  }
0x1a9: {  	s26 =	sor.u32 s15, s12;
	v24 =	vld [tilespmem:s18+$0x0]  }
0x1aa: {  	v15 =	vadd.f32 v17, v15;
	v17 =	vmul.f32 v43, v26;
	v26 =	vld [tilespmem:s26+$0x0]  }
0x1ab: {  	v53 =	vld [tilespmem:s26+$0x10]  }
0x1ac: {  	v27 =	vld [tilespmem:s18+$0x10];
	v15 =	vadd.f32 v17, v15;
	v17 =	vmul.f32 v45, v47  }
0x1ad: {  	v25 =	vld [tilespmem:s18+$0x30];
	v20 =	vmul.f32 v19, v20  }
0x1ae: {  	v55 =	vld [tilespmem:s26+$0x20];
	v15 =	vadd.f32 v17, v15;
	v17 =	vmul.f32 v48, v49  }
0x1af: {  	v57 =	vld [tilespmem:s26+$0x40];
	[tilespmem:s22+$0x10] =	vst v20;
	v20 =	vmul.f32 v26, v24  }
0x1b0: {  	v24 =	vld [tilespmem:s26+$0x30];
	v15 =	vadd.f32 v17, v15;
	v17 =	vmul.f32 v51, v35  }
0x1b1: {  	v23 =	vmul.f32 v23, v8;
	v12 =	vld [tilespmem:s6+$0x460];
	v27 =	vmul.f32 v53, v27;
	v20 =	vadd.f32 $0.0e+00, v20  }
0x1b2: {  	v26 =	vld [tilespmem:s5+$0x420];
	v15 =	vadd.f32 v17, v15;
	v17 =	vmul.f32 v36, v37  }
0x1b3: {  	[tilespmem:s13+$0xFFFFFFB0] =	vst v23;
	v23 =	vld [tilespmem:s17+$0x430];
	v20 =	vadd.f32 v27, v20;
	v27 =	vmul.f32 v55, v54  }
0x1b4: {  	v15 =	vadd.f32 v17, v15;
	v17 =	vld [tilespmem:s26+$0x50]  }
0x1b5: {  	v59 =	vld [tilespmem:s26+$0x60];
	v24 =	vmul.f32 v24, v25;
	v20 =	vadd.f32 v27, v20  }
0x1b6: {  	v12 =	vmul.f32 v12, v16;
	v25 =	vld [tilespmem:s18+$0x60]  }
0x1b7: {  	v22 =	vld [tilespmem:s24+$0x440];
	v29 =	vmul.f32 v57, v56;
	[tilespmem:s10+$0xFFFFFF90] =	vst v39;
	v26 =	vmul.f32 v26, v19;
	v24 =	vadd.f32 v24, v20  }
0x1b8: {  	s16 =	simm.s32 $0x400;
	[tilespmem:s10+$0x60] =	vst v12;
	v12 =	vld [tilespmem:s26+$0x70];
	v27 =	vperm.xlane v15, v4  }
0x1b9: {  	s15 =	sand.u32 $0x300, s16;
	v21 =	vld [tilespmem:s20+$0x420];
	[tilespmem:s22+$0x20] =	vst v26;
	v17 =	vmul.f32 v17, v58;
	v24 =	vadd.f32 v29, v24  }
0x1ba: {  	s23 =	sor.u32 s15, s12;
	v15 =	vadd.f32 v15, v27;
	v27 =	vld [tilespmem:s5+$0x430]  }
0x1bb: {  	v61 =	vld [tilespmem:s23+$0x0];
	v17 =	vadd.f32 v17, v24;
	v24 =	vmul.f32 v59, v25  }
0x1bc: {  	s11 =	simm.s32 $0x580;
	v63 =	vld [tilespmem:s23+$0x20];
	v22 =	vmul.f32 v22, v8  }
0x1bd: {  	s15 =	sand.u32 $0x380, s11;
	s11 =	simm.s32 $0x3E80;
	v42 =	vld [tilespmem:s23+$0x400];
	v23 =	vmul.f32 v23, v9;
	v12 =	vmul.f32 v12, v60;
	v17 =	vadd.f32 v24, v17  }
0x1be: {  	v11 =	vmul.f32 v14, v11;
	v14 =	vld [tilespmem:s11+$0xFFFFFFB0];
	[tilespmem:s13+$0xFFFFFFC0] =	vst v22;
	v21 =	vmul.f32 v21, v10  }
0x1bf: {  	[tilespmem:s19+$0xFFFFFFB0] =	vst v23;
	v28 =	vld [tilespmem:s24+$0x450];
	v27 =	vmul.f32 v27, v19;
	v12 =	vadd.f32 v12, v17  }
0x1c0: {  	v50 =	vld [tilespmem:s23+$0x50];
	[tilespmem:s10+$0xFFFFFFA0] =	vst v21  }
0x1c1: {  	v23 =	vld [tilespmem:s20+$0x430];
	[tilespmem:s22+$0x30] =	vst v27;
	v17 =	vperm.xlane v12, v4  }
0x1c2: {  	v46 =	vld [tilespmem:s5+$0x440]  }
0x1c3: {  	v33 =	vld [tilespmem:s11+$0x30];
	v12 =	vadd.f32 v12, v17  }
0x1c4: {  	v52 =	vld [tilespmem:s18+$0xFFFFFFE0];
	v26 =	vperm.xlane v15, v5  }
0x1c5: {  	v45 =	vld [tilespmem:s23+$0x30];
	v17 =	vperm.xlane v12, v5  }
0x1c6: {  	v47 =	vld [tilespmem:s18+$0xFFFFFFB0];
	v23 =	vmul.f32 v23, v10;
	v15 =	vadd.f32 v15, v26  }
0x1c7: {  	v48 =	vld [tilespmem:s18+$0xFFFFFFC0];
	v32 =	vmul.f32 v46, v19;
	v17 =	vadd.f32 v12, v17  }
0x1c8: {  	v51 =	vld [tilespmem:s18+$0xFFFFFFD0];
	[tilespmem:s10+$0xFFFFFFB0] =	vst v23;
	v23 =	vmul.f32 v28, v8;
	v24 =	vperm.xlane v15, v6  }
0x1c9: {  	v55 =	vld [tilespmem:s23+$0x70];
	[tilespmem:s22+$0x40] =	vst v32;
	v53 =	vperm.xlane v17, v6  }
0x1ca: {  	[tilespmem:s13+$0xFFFFFFD0] =	vst v23;
	v15 =	vadd.f32 v15, v24;
	v54 =	vld [tilespmem:s5+$0x450]  }
0x1cb: {  	v23 =	vld [tilespmem:s24+$0x460];
	v17 =	vadd.f32 v17, v53  }
0x1cc: {  	v20 =	vld [tilespmem:s6+$0x470];
	v27 =	vperm.xlane v15, v7  }
0x1cd: {  	v58 =	vld [tilespmem:s26+$0x400];
	v41 =	vperm.xlane v17, v7  }
0x1ce: {  	s6 =	simm.s32 $0x3D80;
	v25 =	vld [tilespmem:s18+$0xFFFFFF80];
	v15 =	vadd.f32 v15, v27  }
0x1cf: {  	v60 =	vld [tilespmem:s6+$0x70];
	v21 =	vmul.f32 v54, v19;
	v57 =	vadd.f32 v17, v41  }
0x1d0: {  	v26 =	vld [tilespmem:s23+$0x10];
	v49 =	vmul.f32 $2.000000030e-01, v15  }
0x1d1: {  	v43 =	vld [tilespmem:s6+$0x10];
	vm1 =	vge.f32 v15, $0.0e+00;
	[tilespmem:s22+$0x50] =	vst v21;
	v21 =	vmul.f32 $2.000000030e-01, v57  }
0x1d2: {  	v24 =	vld [tilespmem:s18+$0xFFFFFFA0];
	v12 =	vsel vm1, v15, v49;
	vm1 =	vge.f32 v57, $0.0e+00  }
0x1d3: {  	v44 =	vld [tilespmem:s6+$0x20];
	v25 =	vmul.f32 v61, v25;
	v21 =	vsel vm1, v57, v21  }
0x1d4: {  	v16 =	vmul.f32 v20, v16;
	v20 =	vld [tilespmem:s11+$0xFFFFFFC0];
	v59 =	vmul.f32 v21, v58  }
0x1d5: {  	s9 =	simm.s32 $0xB480;
	s18 =	simm.s32 $0xA00;
	v26 =	vmul.f32 v26, v62;
	v61 =	vld [tilespmem:s6+$0x30];
	v25 =	vadd.f32 $0.0e+00, v25  }
0x1d6: {  	s12 =	sand.u32 $0x3800, s18;
	v27 =	vld [tilespmem:s23+$0x40];
	[tilespmem:s9+$0x0] =	vst v59  }
0x1d7: {  	s14 =	sadd.s32 $0x4C00, s12;
	v25 =	vadd.f32 v26, v25;
	v24 =	vmul.f32 v63, v24;
	v26 =	vld [tilespmem:s26+$0x410]  }
0x1d8: {  	v62 =	vld [tilespmem:s6+$0x0];
	s12 =	sor.u32 s15, s14  }
0x1d9: {  	v63 =	vld [tilespmem:s12+$0x0];
	v24 =	vadd.f32 v24, v25;
	v25 =	vmul.f32 v45, v47  }
0x1da: {  	v15 =	vld [tilespmem:s23+$0x60]  }
0x1db: {  	v24 =	vadd.f32 v25, v24;
	v25 =	vmul.f32 v27, v48;
	v27 =	vld [tilespmem:s12+$0x10]  }
0x1dc: {  	v46 =	vld [tilespmem:s12+$0x30];
	v26 =	vmul.f32 v21, v26  }
0x1dd: {  	v45 =	vld [tilespmem:s12+$0x20];
	v35 =	vmul.f32 v12, v38;
	v24 =	vadd.f32 v25, v24;
	v25 =	vmul.f32 v50, v51  }
0x1de: {  	v47 =	vld [tilespmem:s6+$0x40];
	[tilespmem:s9+$0x10] =	vst v26;
	v26 =	vmul.f32 v63, v62  }
0x1df: {  	v49 =	vld [tilespmem:s6+$0x50];
	[tilespmem:s22+$0xFFFFFF80] =	vst v35;
	v24 =	vadd.f32 v25, v24;
	v15 =	vmul.f32 v15, v52  }
0x1e0: {  	v56 =	vld [tilespmem:s25+$0x410];
	v27 =	vmul.f32 v27, v43;
	v26 =	vadd.f32 $0.0e+00, v26  }
0x1e1: {  	v48 =	vld [tilespmem:s12+$0x40];
	v15 =	vadd.f32 v15, v24;
	v24 =	vmul.f32 v55, v40  }
0x1e2: {  	v50 =	vld [tilespmem:s6+$0x60];
	v26 =	vadd.f32 v27, v26;
	v27 =	vmul.f32 v45, v44  }
0x1e3: {  	v15 =	vadd.f32 v24, v15;
	v24 =	vld [tilespmem:s12+$0x50]  }
0x1e4: {  	v53 =	vld [tilespmem:s12+$0x70];
	v26 =	vadd.f32 v27, v26;
	v27 =	vmul.f32 v46, v61  }
0x1e5: {  	v52 =	vld [tilespmem:s12+$0x60];
	v32 =	vmul.f32 v12, v56  }
0x1e6: {  	v22 =	vld [tilespmem:s5+$0x460];
	v51 =	vperm.xlane v15, v4;
	v26 =	vadd.f32 v27, v26;
	v27 =	vmul.f32 v48, v47  }
0x1e7: {  	v55 =	vld [tilespmem:s6+$0xFFFFFF80]  }
0x1e8: {  	v17 =	vld [tilespmem:s17+$0x440];
	[tilespmem:s22+$0xFFFFFF90] =	vst v32;
	v15 =	vadd.f32 v15, v51;
	v24 =	vmul.f32 v24, v49;
	v26 =	vadd.f32 v27, v26  }
0x1e9: {  	v39 =	vld [tilespmem:s25+$0x420]  }
0x1ea: {  	v57 =	vld [tilespmem:s6+$0xFFFFFF90];
	v27 =	vperm.xlane v15, v5;
	v24 =	vadd.f32 v24, v26;
	v26 =	vmul.f32 v52, v50  }
0x1eb: {  	v22 =	vmul.f32 v22, v19;
	v49 =	vld [tilespmem:s6+$0xFFFFFFD0]  }
0x1ec: {  	s16 =	simm.s32 $0x500;
	v25 =	vld [tilespmem:s26+$0x420];
	v15 =	vadd.f32 v15, v27;
	v24 =	vadd.f32 v26, v24;
	v26 =	vmul.f32 v53, v60  }
0x1ed: {  	s15 =	sand.u32 $0x300, s16;
	v59 =	vld [tilespmem:s6+$0xFFFFFFA0];
	[tilespmem:s22+$0x60] =	vst v22  }
0x1ee: {  	v22 =	vld [tilespmem:s5+$0x470];
	s5 =	sor.u32 s15, s14;
	v27 =	vperm.xlane v15, v6;
	v24 =	vadd.f32 v26, v24  }
0x1ef: {  	v54 =	vld [tilespmem:s5+$0x0]  }
0x1f0: {  	v56 =	vld [tilespmem:s5+$0x10];
	v15 =	vadd.f32 v15, v27;
	v26 =	vperm.xlane v24, v4  }
0x1f1: {  	v58 =	vld [tilespmem:s5+$0x20];
	v25 =	vmul.f32 v25, v21  }
0x1f2: {  	v43 =	vld [tilespmem:s5+$0x60];
	v27 =	vperm.xlane v15, v7;
	v24 =	vadd.f32 v24, v26  }
0x1f3: {  	v19 =	vmul.f32 v22, v19;
	v22 =	vld [tilespmem:s11+$0xFFFFFFE0];
	[tilespmem:s9+$0x20] =	vst v25  }
0x1f4: {  	v25 =	vld [tilespmem:s26+$0x430];
	v15 =	vadd.f32 v15, v27;
	v26 =	vperm.xlane v24, v5  }
0x1f5: {  	v62 =	vld [tilespmem:s5+$0x40]  }
0x1f6: {  	v63 =	vld [tilespmem:s6+$0xFFFFFFC0];
	v27 =	vmul.f32 $2.000000030e-01, v15;
	v24 =	vadd.f32 v24, v26  }
0x1f7: {  	v32 =	vmul.f32 v54, v55;
	v55 =	vld [tilespmem:s11+$0x0];
	vm1 =	vge.f32 v15, $0.0e+00  }
0x1f8: {  	v29 =	vmul.f32 v58, v59;
	v58 =	vld [tilespmem:s11+$0x10];
	v15 =	vsel vm1, v15, v27;
	v27 =	vperm.xlane v24, v6  }
0x1f9: {  	v44 =	vld [tilespmem:s5+$0x70];
	v25 =	vmul.f32 v25, v21  }
0x1fa: {  	v45 =	vld [tilespmem:s6+$0xFFFFFFF0];
	v27 =	vadd.f32 v24, v27  }
0x1fb: {  	v61 =	vld [tilespmem:s6+$0xFFFFFFB0];
	[tilespmem:s9+$0x30] =	vst v25  }
0x1fc: {  	s29 =	simm.s32 $0xC00;
	v39 =	vmul.f32 v39, v12;
	v25 =	vld [tilespmem:s26+$0x440];
	v51 =	vperm.xlane v27, v7  }
0x1fd: {  	s16 =	simm.s32 $0x680;
	s14 =	sand.u32 $0x3800, s29;
	v48 =	vld [tilespmem:s5+$0x50]  }
0x1fe: {  	s3 =	smov.u32 s31;
	s18 =	sand.u32 $0x380, s16;
	v17 =	vmul.f32 v17, v9;
	s31 =	sadd.s32 $0x4C00, s14;
	[tilespmem:s22+$0xFFFFFFA0] =	vst v39;
	v47 =	vld [tilespmem:s12+$0x400];
	v39 =	vadd.f32 v27, v51  }
0x1ff: {  	v50 =	vld [tilespmem:s6+$0xFFFFFFE0];
	s6 =	sor.u32 s18, s31  }
0x200: {  	[tilespmem:s19+$0xFFFFFFC0] =	vst v17;
	v30 =	vmul.f32 v56, v57;
	v57 =	vld [tilespmem:s6+$0x0];
	v17 =	vmul.f32 $2.000000030e-01, v39  }
0x201: {  	v59 =	vmul.f32 v62, v63;
	v63 =	vld [tilespmem:s6+$0x20];
	v25 =	vmul.f32 v25, v21;
	vm1 =	vge.f32 v39, $0.0e+00  }
0x202: {  	v62 =	vmul.f32 v48, v49;
	v49 =	vld [tilespmem:s11+$0x40];
	v17 =	vsel vm1, v39, v17  }
0x203: {  	v60 =	vld [tilespmem:s5+$0x30];
	[tilespmem:s9+$0x40] =	vst v25;
	v53 =	vmul.f32 v17, v47  }
0x204: {  	s28 =	simm.s32 $0xB580;
	v32 =	vadd.f32 $0.0e+00, v32;
	v25 =	vld [tilespmem:s26+$0x450]  }
0x205: {  	v48 =	vmul.f32 v43, v50;
	v50 =	vmul.f32 v44, v45;
	v44 =	vld [tilespmem:s11+$0xFFFFFF90];
	[tilespmem:s28+$0x0] =	vst v53  }
0x206: {  	v30 =	vadd.f32 v30, v32;
	v54 =	vld [tilespmem:s12+$0x410]  }
0x207: {  	v31 =	vmul.f32 v57, v55;
	v55 =	vld [tilespmem:s11+$0x60]  }
0x208: {  	v29 =	vadd.f32 v29, v30;
	v57 =	vld [tilespmem:s6+$0x60];
	v56 =	vmul.f32 v60, v61;
	v26 =	vmul.f32 v15, v42  }
0x209: {  	v60 =	vld [tilespmem:s6+$0x10];
	v25 =	vmul.f32 v25, v21  }
0x20a: {  	v61 =	vld [tilespmem:s11+$0x20];
	v29 =	vadd.f32 v56, v29;
	[tilespmem:s9+$0xFFFFFF80] =	vst v26  }
0x20b: {  	v46 =	vld [tilespmem:s23+$0x410];
	[tilespmem:s9+$0x50] =	vst v25;
	v34 =	vmul.f32 v17, v54  }
0x20c: {  	v29 =	vadd.f32 v59, v29;
	v52 =	vld [tilespmem:s26+$0x460]  }
0x20d: {  	v47 =	vld [tilespmem:s6+$0x30];
	[tilespmem:s28+$0x10] =	vst v34  }
0x20e: {  	v29 =	vadd.f32 v62, v29;
	v34 =	vld [tilespmem:s12+$0x420]  }
0x20f: {  	v31 =	vadd.f32 $0.0e+00, v31;
	v59 =	vld [tilespmem:s6+$0x70];
	v35 =	vmul.f32 v60, v58  }
0x210: {  	v29 =	vadd.f32 v48, v29;
	v51 =	vld [tilespmem:s6+$0x40]  }
0x211: {  	v31 =	vadd.f32 v35, v31;
	v28 =	vmul.f32 v52, v21;
	v52 =	vmul.f32 v63, v61;
	v53 =	vld [tilespmem:s11+$0x50]  }
0x212: {  	v29 =	vadd.f32 v50, v29;
	v46 =	vmul.f32 v15, v46;
	v54 =	vld [tilespmem:s6+$0x50]  }
0x213: {  	v62 =	vld [tilespmem:s11+$0xFFFFFF80];
	v31 =	vadd.f32 v52, v31;
	v32 =	vmul.f32 v47, v33;
	v34 =	vmul.f32 v34, v17  }
0x214: {  	v26 =	vld [tilespmem:s5+$0x400];
	v56 =	vperm.xlane v29, v4;
	[tilespmem:s9+$0xFFFFFF90] =	vst v46  }
0x215: {  	v46 =	vld [tilespmem:s11+$0x70];
	v58 =	vmul.f32 v51, v49;
	v31 =	vadd.f32 v32, v31;
	[tilespmem:s28+$0x20] =	vst v34  }
0x216: {  	s30 =	simm.s32 $0x600;
	v29 =	vadd.f32 v29, v56;
	[tilespmem:s9+$0x60] =	vst v28;
	v34 =	vld [tilespmem:s12+$0x430]  }
0x217: {  	v28 =	vld [tilespmem:s26+$0x470];
	s26 =	sand.u32 $0x300, s30;
	v31 =	vadd.f32 v58, v31;
	v30 =	vmul.f32 v54, v53  }
0x218: {  	v48 =	vld [tilespmem:s11+$0xFFFFFFA0];
	v61 =	vperm.xlane v29, v5;
	s26 =	sor.u32 s26, s31  }
0x219: {  	v33 =	vmul.f32 v57, v55;
	v60 =	vld [tilespmem:s26+$0x0];
	v30 =	vadd.f32 v30, v31  }
0x21a: {  	v27 =	vld [tilespmem:s20+$0x440];
	v29 =	vadd.f32 v29, v61  }
0x21b: {  	v46 =	vmul.f32 v59, v46;
	v63 =	vld [tilespmem:s26+$0x10];
	v30 =	vadd.f32 v33, v30;
	v34 =	vmul.f32 v34, v17  }
0x21c: {  	v39 =	vld [tilespmem:s23+$0x420];
	v47 =	vperm.xlane v29, v6  }
0x21d: {  	v45 =	vld [tilespmem:s26+$0x20];
	v30 =	vadd.f32 v46, v30;
	[tilespmem:s28+$0x30] =	vst v34  }
0x21e: {  	v29 =	vadd.f32 v29, v47;
	v50 =	vmul.f32 v60, v62;
	v51 =	vld [tilespmem:s12+$0x440]  }
0x21f: {  	v49 =	vld [tilespmem:s26+$0x30];
	v52 =	vperm.xlane v30, v4  }
0x220: {  	v25 =	vld [tilespmem:s17+$0x450];
	v53 =	vperm.xlane v29, v7;
	v31 =	vmul.f32 v63, v44;
	v34 =	vadd.f32 $0.0e+00, v50  }
0x221: {  	v13 =	vmul.f32 v18, v13;
	[tilespmem:s22+$0x70] =	vst v19;
	v19 =	vmul.f32 v39, v15;
	v54 =	vld [tilespmem:s26+$0x40];
	v18 =	vadd.f32 v30, v52  }
0x222: {  	v57 =	vld [tilespmem:s26+$0x50];
	v56 =	vmul.f32 v45, v48;
	v29 =	vadd.f32 v29, v53;
	v55 =	vadd.f32 v31, v34  }
0x223: {  	[tilespmem:s13+$0x70] =	vst v11;
	v58 =	vld [tilespmem:s11+$0xFFFFFFD0];
	v59 =	vperm.xlane v18, v5;
	v35 =	vmul.f32 v51, v17  }
0x224: {  	v24 =	vld [tilespmem:s25+$0x430];
	[tilespmem:s9+$0xFFFFFFA0] =	vst v19;
	v14 =	vmul.f32 v49, v14;
	v11 =	vmul.f32 $2.000000030e-01, v29;
	v30 =	vadd.f32 v56, v55  }
0x225: {  	v19 =	vmul.f32 v27, v10;
	v60 =	vld [tilespmem:s26+$0x60];
	vm1 =	vge.f32 v29, $0.0e+00;
	v18 =	vadd.f32 v18, v59;
	[tilespmem:s28+$0x40] =	vst v35  }
0x226: {  	[tilespmem:s19+$0x70] =	vst v13;
	v11 =	vsel vm1, v29, v11;
	v13 =	vadd.f32 v14, v30;
	v14 =	vmul.f32 v54, v20;
	v20 =	vld [tilespmem:s12+$0x450]  }
0x227: {  	[tilespmem:s10+$0x70] =	vst v16;
	v63 =	vld [tilespmem:s11+$0xFFFFFFF0];
	v16 =	vmul.f32 v11, v26;
	v61 =	vperm.xlane v18, v6  }
0x228: {  	[tilespmem:s10+$0xFFFFFFC0] =	vst v19;
	v19 =	vmul.f32 v25, v9;
	v62 =	vmul.f32 v57, v58;
	v26 =	vld [tilespmem:s26+$0x70];
	v14 =	vadd.f32 v14, v13  }
0x229: {  	v27 =	vld [tilespmem:s23+$0x430];
	[tilespmem:s28+$0xFFFFFF80] =	vst v16;
	v16 =	vmul.f32 v24, v12;
	v18 =	vadd.f32 v18, v61  }
0x22a: {  	[tilespmem:s19+$0xFFFFFFD0] =	vst v19;
	v22 =	vmul.f32 v60, v22;
	v24 =	vld [tilespmem:s5+$0x410];
	v14 =	vadd.f32 v62, v14  }
0x22b: {  	v19 =	vld [tilespmem:s20+$0x450];
	[tilespmem:s22+$0xFFFFFFB0] =	vst v16;
	v16 =	vperm.xlane v18, v7;
	v20 =	vmul.f32 v20, v17  }
0x22c: {  	v14 =	vadd.f32 v22, v14;
	v22 =	vld [tilespmem:s25+$0x440]  }
0x22d: {  	v21 =	vmul.f32 v28, v21;
	v25 =	vmul.f32 v26, v63;
	v26 =	vld [tilespmem:s6+$0x400];
	v18 =	vadd.f32 v18, v16;
	[tilespmem:s28+$0x50] =	vst v20  }
0x22e: {  	v16 =	vmul.f32 v23, v8;
	v20 =	vld [tilespmem:s12+$0x460]  }
0x22f: {  	[tilespmem:s9+$0x70] =	vst v21;
	v13 =	vld [tilespmem:s26+$0x400];
	v23 =	vadd.f32 v25, v14;
	v14 =	vmul.f32 $2.000000030e-01, v18;
	v25 =	vmul.f32 v11, v24  }
0x230: {  	v27 =	vmul.f32 v27, v15;
	[tilespmem:s13+$0xFFFFFFE0] =	vst v16;
	vm1 =	vge.f32 v18, $0.0e+00;
	v16 =	vld [tilespmem:s17+$0x460]  }
0x231: {  	v24 =	vperm.xlane v23, v4;
	v14 =	vsel vm1, v18, v14;
	[tilespmem:s28+$0xFFFFFF90] =	vst v25;
	v18 =	vld [tilespmem:s24+$0x470];
	v22 =	vmul.f32 v22, v12  }
0x232: {  	s15 =	simm.s32 $0x3F80;
	s31 =	simm.s32 $0xC;
	[tilespmem:s9+$0xFFFFFFB0] =	vst v27;
	s24 =	simm.s32 $0xB580;
	v25 =	vmul.f32 v14, v26;
	v21 =	vld [tilespmem:s5+$0x420]  }
.LBB2_6:
0x233: {  	v26 =	vld [tilespmem:s15+$0x70];
	v23 =	vadd.f32 v23, v24;
	v20 =	vmul.f32 v20, v17;
	s28 =	sadd.s32 $0x100, s28;
	[tilespmem:s22+$0xFFFFFFC0] =	vst v22;
	s18 =	smov.u32 s26  }
0x234: {  	s29 =	sadd.s32 $0x200, s29;
	s30 =	sadd.s32 $0x100, s30;
	v22 =	vld [tilespmem:s15+$0x30];
	[tilespmem:s28+$0x0] =	vst v25;
	v19 =	vmul.f32 v19, v10  }
0x235: {  	s26 =	sand.u32 $0x3800, s29;
	s16 =	sand.u32 $0x300, s30;
	s11 =	sadd.s32 $0x80, s30;
	v24 =	vperm.xlane v23, v5;
	v25 =	vld [tilespmem:s6+$0x410];
	[tilespmem:s24+$0x60] =	vst v20;
	v16 =	vmul.f32 v16, v9  }
0x236: {  	s31 =	sadd.s32 $0x2, s31;
	s14 =	sadd.s32 $0x4C00, s26;
	s11 =	sand.u32 $0x380, s11;
	v20 =	vld [tilespmem:s12+$0x470];
	[tilespmem:s10+$0xFFFFFFD0] =	vst v19;
	v18 =	vmul.f32 v18, v8;
	v8 =	vmovc v9;
	v9 =	vmovc v10;
	v10 =	vmov v12;
	v12 =	vmov v15  }
0x237: {  	p1 =	slt.u32 s31, $0x26;
	s26 =	sor.u32 s16, s14;
	s11 =	sor.u32 s11, s14;
	v15 =	vmov v11;
	v19 =	vld [tilespmem:s15+$0x0];
	v23 =	vadd.f32 v23, v24;
	v21 =	vmul.f32 v21, v11;
	[tilespmem:s19+$0xFFFFFFE0] =	vst v16  }
0x238: {  	v11 =	vld [tilespmem:s11+$0x0];
	[tilespmem:s13+$0xFFFFFFF0] =	vst v18;
	s13 =	smov.u32 s19;
	s19 =	smov.u32 s10;
	s10 =	smov.u32 s22  }
0x239: {  	s22 =	smov.u32 s9;
	s9 =	smov.u32 s24;
	v16 =	vld [tilespmem:s15+$0x10];
	v18 =	vperm.xlane v23, v6;
	[tilespmem:s24+$0xFFFFFFA0] =	vst v21;
	s24 =	smov.u32 s28  }
0x23a: {  	s12 =	smov.u32 s6;
	s6 =	smov.u32 s11;
	v21 =	vld [tilespmem:s11+$0x10];
	v24 =	vmul.f32 v14, v25  }
0x23b: {  	v25 =	vld [tilespmem:s15+$0x20];
	v18 =	vadd.f32 v23, v18;
	v20 =	vmul.f32 v20, v17;
	v17 =	vmov v14  }
0x23c: {  	v14 =	vld [tilespmem:s6+$0x20];
	[tilespmem:s28+$0x10] =	vst v24  }
0x23d: {  	v11 =	vmul.f32 v11, v19;
	v19 =	vld [tilespmem:s6+$0x30];
	v23 =	vperm.xlane v18, v7;
	[tilespmem:s9+$0x70] =	vst v20  }
0x23e: {  	v20 =	vld [tilespmem:s12+$0x420]  }
0x23f: {  	v11 =	vadd.f32 $0.0e+00, v11;
	v16 =	vmul.f32 v21, v16;
	v21 =	vld [tilespmem:s15+$0x40];
	v18 =	vadd.f32 v18, v23  }
0x240: {  	v23 =	vld [tilespmem:s6+$0x40]  }
0x241: {  	v11 =	vadd.f32 v16, v11;
	v14 =	vmul.f32 v14, v25;
	v16 =	vld [tilespmem:s15+$0x50];
	v24 =	vmul.f32 $2.000000030e-01, v18  }
0x242: {  	vm1 =	vge.f32 v18, $0.0e+00;
	v25 =	vld [tilespmem:s6+$0x50]  }
0x243: {  	v19 =	vmul.f32 v19, v22;
	v14 =	vadd.f32 v14, v11;
	v22 =	vld [tilespmem:s15+$0x60];
	v20 =	vmul.f32 v20, v17  }
0x244: {  	v11 =	vsel vm1, v18, v24;
	v27 =	vld [tilespmem:s6+$0x60]  }
0x245: {  	v13 =	vmul.f32 v11, v13;
	v14 =	vadd.f32 v19, v14;
	v18 =	vmul.f32 v23, v21;
	v19 =	vld [tilespmem:s6+$0x70];
	[tilespmem:s28+$0x20] =	vst v20  }
0x246: {  	v20 =	vld [tilespmem:s12+$0x430]  }
0x247: {  	v21 =	vld [tilespmem:s26+$0x0];
	v14 =	vadd.f32 v18, v14;
	v16 =	vmul.f32 v25, v16;
	[tilespmem:s28+$0xFFFFFF80] =	vst v13  }
0x248: {  	v13 =	vld [tilespmem:s15+$0xFFFFFF80]  }
0x249: {  	v18 =	vld [tilespmem:s26+$0x10];
	v14 =	vadd.f32 v16, v14;
	v16 =	vmul.f32 v27, v22  }
0x24a: {  	v22 =	vld [tilespmem:s15+$0xFFFFFF90]  }
0x24b: {  	v23 =	vld [tilespmem:s26+$0x20];
	v14 =	vadd.f32 v16, v14;
	v16 =	vmul.f32 v19, v26;
	v19 =	vmul.f32 v20, v17  }
0x24c: {  	v20 =	vld [tilespmem:s15+$0xFFFFFFA0]  }
0x24d: {  	v13 =	vmul.f32 v21, v13;
	v21 =	vld [tilespmem:s26+$0x30];
	v14 =	vadd.f32 v16, v14;
	[tilespmem:s28+$0x30] =	vst v19  }
0x24e: {  	v16 =	vld [tilespmem:s12+$0x440]  }
0x24f: {  	v13 =	vadd.f32 $0.0e+00, v13;
	v18 =	vmul.f32 v18, v22;
	v19 =	vld [tilespmem:s15+$0xFFFFFFB0];
	v22 =	vperm.xlane v14, v4  }
0x250: {  	v24 =	vld [tilespmem:s26+$0x40]  }
0x251: {  	v13 =	vadd.f32 v18, v13;
	v18 =	vmul.f32 v23, v20;
	v20 =	vld [tilespmem:s15+$0xFFFFFFC0];
	v14 =	vadd.f32 v14, v22  }
0x252: {  	v22 =	vld [tilespmem:s26+$0x50]  }
0x253: {  	v13 =	vadd.f32 v18, v13;
	v18 =	vld [tilespmem:s15+$0xFFFFFFD0];
	v23 =	vperm.xlane v14, v5;
	v16 =	vmul.f32 v16, v17  }
0x254: {  	v19 =	vmul.f32 v21, v19;
	v21 =	vld [tilespmem:s26+$0x60]  }
0x255: {  	v25 =	vld [tilespmem:s15+$0xFFFFFFE0];
	v14 =	vadd.f32 v14, v23;
	[tilespmem:s28+$0x40] =	vst v16  }
0x256: {  	v13 =	vadd.f32 v19, v13;
	v16 =	vmul.f32 v24, v20;
	v19 =	vld [tilespmem:s12+$0x450]  }
0x257: {  	v20 =	vld [tilespmem:s26+$0x70];
	v23 =	vperm.xlane v14, v6  }
0x258: {  	v16 =	vadd.f32 v16, v13;
	v18 =	vmul.f32 v22, v18;
	v22 =	vld [tilespmem:s15+$0xFFFFFFF0]  }
0x259: {  	v13 =	vld [tilespmem:s26+$0x400];
	v14 =	vadd.f32 v14, v23  }
0x25a: {  	v16 =	vadd.f32 v18, v16;
	v18 =	vmul.f32 v21, v25;
	v21 =	vld [tilespmem:s18+$0x410]  }
0x25b: {  	v23 =	vperm.xlane v14, v7;
	v19 =	vmul.f32 v19, v17;
	v24 =	vld [tilespmem:s5+$0x430]  }
0x25c: {  	v16 =	vadd.f32 v18, v16;
	v18 =	vld [tilespmem:s23+$0x440]  }
0x25d: {  	v22 =	vmul.f32 v20, v22;
	v14 =	vadd.f32 v14, v23;
	v25 =	vld [tilespmem:s6+$0x400];
	[tilespmem:s28+$0x50] =	vst v19  }
.Ltmp1:
0x25e: {  	v20 =	vld [tilespmem:s12+$0x460];
	(pc) =	sbr.rel @p1 .LBB2_6-.Ltmp1, $4  }
0x25f: {  	v23 =	vadd.f32 v22, v16;
	v22 =	vmul.f32 $2.000000030e-01, v14;
	v21 =	vmul.f32 v11, v21;
	v19 =	vld [tilespmem:s25+$0x450]  }
0x260: {  	vm1 =	vge.f32 v14, $0.0e+00;
	v26 =	vmul.f32 v24, v15;
	v16 =	vld [tilespmem:s20+$0x460]  }
0x261: {  	v24 =	vperm.xlane v23, v4;
	v14 =	vsel vm1, v14, v22;
	[tilespmem:s28+$0xFFFFFF90] =	vst v21;
	v22 =	vmul.f32 v18, v12;
	v18 =	vld [tilespmem:s17+$0x470];
	s17 =	smov.u32 s20;
	s20 =	smov.u32 s25;
	s25 =	smov.u32 s23  }
0x262: {  	s15 =	sadd.s32 $0x100, s15;
	s23 =	smov.u32 s5;
	s5 =	smov.u32 s18;
	v25 =	vmul.f32 v14, v25;
	v21 =	vld [tilespmem:s18+$0x420];
	[tilespmem:s9+$0xFFFFFFB0] =	vst v26  }
0x263: {  	v23 =	vadd.f32 v23, v24;
	_ =	sdelay $0x1  }
0x264: {  	v24 =	vperm.xlane v23, v5;
	_ =	sdelay $0x1  }
0x265: {  	v23 =	vadd.f32 v23, v24;
	_ =	sdelay $0x1  }
0x266: {  	v24 =	vperm.xlane v23, v6;
	_ =	sdelay $0x1  }
0x267: {  	v23 =	vadd.f32 v23, v24;
	_ =	sdelay $0x1  }
0x268: {  	v24 =	vperm.xlane v23, v7;
	_ =	sdelay $0x1  }
0x269: {  	v23 =	vadd.f32 v23, v24  }
0x26a: {  	s15 =	sadd.s32 $0x100, s28  }
0x26b: {  	[tilespmem:s15+$0x0] =	vst v25;
	v24 =	vmul.f32 $2.000000030e-01, v23  }
0x26c: {  	v25 =	vld [tilespmem:s6+$0x410];
	vm1 =	vge.f32 v23, $0.0e+00  }
0x26d: {  	v23 =	vsel vm1, v23, v24  }
0x26e: {  	v13 =	vmul.f32 v23, v13;
	_ =	sdelay $0x1  }
0x26f: {  	[tilespmem:s15+$0xFFFFFF80] =	vst v13  }
0x270: {  	v13 =	vmul.f32 v14, v25;
	v24 =	vld [tilespmem:s26+$0x410];
	_ =	sdelay $0x1  }
0x271: {  	[tilespmem:s15+$0x10] =	vst v13  }
0x272: {  	v13 =	vld [tilespmem:s6+$0x420];
	_ =	sdelay $0x1  }
0x273: {  	v24 =	vmul.f32 v23, v24;
	_ =	sdelay $0x1  }
0x274: {  	[tilespmem:s15+$0xFFFFFF90] =	vst v24  }
0x275: {  	v13 =	vmul.f32 v13, v14;
	v24 =	vld [tilespmem:s26+$0x420];
	_ =	sdelay $0x1  }
0x276: {  	[tilespmem:s15+$0x20] =	vst v13  }
0x277: {  	v13 =	vld [tilespmem:s6+$0x430]  }
0x278: {  	v21 =	vmul.f32 v21, v11  }
0x279: {  	v24 =	vmul.f32 v24, v23  }
0x27a: {  	[tilespmem:s24+$0xFFFFFFA0] =	vst v21  }
0x27b: {  	v21 =	vld [tilespmem:s5+$0x430];
	[tilespmem:s15+$0xFFFFFFA0] =	vst v24  }
0x27c: {  	v13 =	vmul.f32 v13, v14;
	v24 =	vld [tilespmem:s26+$0x430];
	_ =	sdelay $0x1  }
0x27d: {  	[tilespmem:s15+$0x30] =	vst v13  }
0x27e: {  	v13 =	vld [tilespmem:s6+$0x440]  }
0x27f: {  	v21 =	vmul.f32 v21, v11  }
0x280: {  	v24 =	vmul.f32 v24, v23  }
0x281: {  	[tilespmem:s24+$0xFFFFFFB0] =	vst v21;
	v25 =	vld [tilespmem:s23+$0x440]  }
0x282: {  	v21 =	vld [tilespmem:s5+$0x440];
	[tilespmem:s15+$0xFFFFFFB0] =	vst v24  }
0x283: {  	v13 =	vmul.f32 v13, v14;
	v24 =	vld [tilespmem:s26+$0x440];
	_ =	sdelay $0x1  }
0x284: {  	[tilespmem:s15+$0x40] =	vst v13  }
0x285: {  	v25 =	vmul.f32 v25, v15;
	v13 =	vld [tilespmem:s6+$0x450]  }
0x286: {  	[tilespmem:s22+$0xFFFFFFC0] =	vst v22;
	v21 =	vmul.f32 v21, v11  }
0x287: {  	v22 =	vld [tilespmem:s25+$0x450];
	[tilespmem:s9+$0xFFFFFFC0] =	vst v25;
	v24 =	vmul.f32 v24, v23  }
0x288: {  	[tilespmem:s24+$0xFFFFFFC0] =	vst v21;
	v25 =	vld [tilespmem:s23+$0x450]  }
0x289: {  	v20 =	vmul.f32 v20, v17;
	v21 =	vld [tilespmem:s5+$0x450];
	[tilespmem:s15+$0xFFFFFFC0] =	vst v24  }
0x28a: {  	v13 =	vmul.f32 v13, v14;
	v24 =	vld [tilespmem:s26+$0x450]  }
0x28b: {  	v19 =	vmul.f32 v19, v10;
	[tilespmem:s24+$0x60] =	vst v20  }
0x28c: {  	[tilespmem:s15+$0x50] =	vst v13;
	v13 =	vmul.f32 v22, v12  }
0x28d: {  	[tilespmem:s10+$0xFFFFFFD0] =	vst v19;
	v20 =	vmul.f32 v25, v15;
	v19 =	vld [tilespmem:s6+$0x460]  }
0x28e: {  	v22 =	vld [tilespmem:s20+$0x460];
	[tilespmem:s22+$0xFFFFFFD0] =	vst v13;
	v13 =	vmul.f32 v21, v11  }
0x28f: {  	[tilespmem:s9+$0xFFFFFFD0] =	vst v20;
	v21 =	vld [tilespmem:s25+$0x460];
	v20 =	vmul.f32 v24, v23  }
0x290: {  	v16 =	vmul.f32 v16, v9;
	v24 =	vld [tilespmem:s23+$0x460];
	[tilespmem:s24+$0xFFFFFFD0] =	vst v13  }
0x291: {  	v8 =	vmul.f32 v18, v8;
	v13 =	vld [tilespmem:s5+$0x460];
	[tilespmem:s15+$0xFFFFFFD0] =	vst v20  }
0x292: {  	[tilespmem:s19+$0xFFFFFFE0] =	vst v16;
	v16 =	vmul.f32 v19, v14;
	v18 =	vld [tilespmem:s26+$0x460]  }
0x293: {  	[tilespmem:s13+$0xFFFFFFF0] =	vst v8;
	v8 =	vmul.f32 v22, v10;
	v19 =	vld [tilespmem:s12+$0x470]  }
0x294: {  	v20 =	vld [tilespmem:s17+$0x470];
	[tilespmem:s15+$0x60] =	vst v16;
	v16 =	vmul.f32 v21, v12  }
0x295: {  	[tilespmem:s10+$0xFFFFFFE0] =	vst v8;
	v21 =	vld [tilespmem:s6+$0x470];
	v8 =	vmul.f32 v24, v15  }
0x296: {  	v22 =	vld [tilespmem:s20+$0x470];
	[tilespmem:s22+$0xFFFFFFE0] =	vst v16;
	v13 =	vmul.f32 v13, v11  }
0x297: {  	v16 =	vld [tilespmem:s25+$0x470];
	[tilespmem:s9+$0xFFFFFFE0] =	vst v8;
	v8 =	vmul.f32 v18, v23  }
0x298: {  	v17 =	vmul.f32 v19, v17;
	v18 =	vld [tilespmem:s23+$0x470];
	[tilespmem:s24+$0xFFFFFFE0] =	vst v13  }
0x299: {  	v9 =	vmul.f32 v20, v9;
	v13 =	vld [tilespmem:s5+$0x470];
	[tilespmem:s15+$0xFFFFFFE0] =	vst v8  }
0x29a: {  	[tilespmem:s24+$0x70] =	vst v17;
	v8 =	vmul.f32 v21, v14;
	v14 =	vld [tilespmem:s26+$0x470]  }
0x29b: {  	[tilespmem:s19+$0xFFFFFFF0] =	vst v9;
	v9 =	vmul.f32 v22, v10  }
0x29c: {  	[tilespmem:s15+$0x70] =	vst v8;
	v8 =	vmul.f32 v16, v12  }
0x29d: {  	[tilespmem:s10+$0xFFFFFFF0] =	vst v9;
	v9 =	vmul.f32 v18, v15  }
0x29e: {  	[tilespmem:s22+$0xFFFFFFF0] =	vst v8;
	v8 =	vmul.f32 v13, v11  }
0x29f: {  	[tilespmem:s9+$0xFFFFFFF0] =	vst v9;
	v9 =	vmul.f32 v14, v23  }
0x2a0: {  	s16 =	rddreg [dreg:$0x2];
	s18 =	simm.s32 $0x28;
	[tilespmem:s24+$0xFFFFFFF0] =	vst v8  }
0x2a1: {  	p1 =	seq.s32 s7, $0x18;
	s17 =	simm.s32 $0xB000;
	[tilespmem:s15+$0xFFFFFFF0] =	vst v9;
	s15 =	sand.u32 $0x3FFFFF00, s4  }
0x2a2: {  	[spmem:s16] =	stream.indirect.scatter.add.f32 [tilespmem:s17], [sflag:$0x3], $0x80, s15, s18, $0xb8;
	[tilespmem:$0x1FC80] =	vst v63  }
0x2a3: {  	s6 =	simm.s32 @!p1 $0x28;
	s5 =	sadd.s32 @!p1 $0x100, s4;
	s9 =	simm.s32 @!p1 $0x3800  }
0x2a4: {  	[tilespmem:s9], [sflag:$0x1] =	stream.indirect.gather @!p1 [hbm4b:s3+s6], $0x80, s5, s6, $0xb8;
	[tilespmem:$0x1FC80] =	vst v63  }
0x2a5: {  	v8 =	vld @!p1 [tilespmem:s4+$0x1D00];
	_ =	sdelay $0x4  }
0x2a6: {  	v9 =	vshll.u32 @!p1 v8, $0x1  }
0x2a7: {  	v10 =	vlaneseq.u32 @!p1;
	v8 =	vand.u32 @!p1 $0x7, v8;
	v9 =	vand.u32 @!p1 $0xFFFFFFF0, v9  }
0x2a8: {  	v11 =	vshrl.u32 @!p1 v10, $0x3;
	v8 =	vor.u32 @!p1 v8, v9;
	v9 =	vand.u32 @!p1 $0x7, v10  }
0x2a9: {  	v11 =	vmul.u32 @!p1 $0x8, v11;
	v12 =	vperm.xlane @!p1 v8, v9  }
0x2aa: {  	v10 =	vor.u32 @!p1 $0x8, v10  }
0x2ab: {  	v8 =	vperm.xlane @!p1 v8, v10;
	v12 =	vadd.s32 @!p1 v11, v12;
	_ =	sdelay $0x1  }
0x2ac: {  	v8 =	vadd.s32 @!p1 v11, v8;
	_ =	sdelay $0x1  }
0x2ad: {  	vm1 =	vmmov @!p1 $0xffff;
	s5 =	simm.s32 @!p1 $0x0;
	s6 =	simm.s32 @!p1 $0x4C00  }
0x2ae: {  	[tilespmem:s6], [sflag:$0x1] =	stream.indirect_vreg.gather @!p1 [hbm4b:s21+s5], $0x80, v12, vm1, $0xb8;
	[tilespmem:$0x1FC80] =	vst v63  }
0x2af: {  	s6 =	simm.s32 @!p1 $0x5400  }
0x2b0: {  	[tilespmem:s6], [sflag:$0x1] =	stream.indirect_vreg.gather @!p1 [hbm4b:s21+s5], $0x80, v8, vm1, $0xb8;
	[tilespmem:$0x1FC80] =	vst v63  }
0x2b1: {  	v8 =	vld @!p1 [tilespmem:s4+$0x1D10];
	_ =	sdelay $0x4  }
0x2b2: {  	v12 =	vshll.u32 @!p1 v8, $0x1  }
0x2b3: {  	v8 =	vand.u32 @!p1 $0x7, v8;
	v12 =	vand.u32 @!p1 $0xFFFFFFF0, v12  }
0x2b4: {  	v8 =	vor.u32 @!p1 v8, v12  }
0x2b5: {  	v12 =	vperm.xlane @!p1 v8, v9;
	_ =	sdelay $0x1  }
0x2b6: {  	v8 =	vperm.xlane @!p1 v8, v10;
	v12 =	vadd.s32 @!p1 v11, v12;
	_ =	sdelay $0x1  }
0x2b7: {  	v8 =	vadd.s32 @!p1 v11, v8;
	_ =	sdelay $0x1  }
0x2b8: {  	s6 =	simm.s32 @!p1 $0x5C00  }
0x2b9: {  	[tilespmem:s6], [sflag:$0x1] =	stream.indirect_vreg.gather @!p1 [hbm4b:s21+s5], $0x80, v12, vm1, $0xb8;
	[tilespmem:$0x1FC80] =	vst v63  }
0x2ba: {  	s6 =	simm.s32 @!p1 $0x6400  }
0x2bb: {  	[tilespmem:s6], [sflag:$0x1] =	stream.indirect_vreg.gather @!p1 [hbm4b:s21+s5], $0x80, v8, vm1, $0xb8;
	[tilespmem:$0x1FC80] =	vst v63  }
0x2bc: {  	v8 =	vld.msk @!p1 [tilespmem:s4+$0x1D20], $0xff;
	_ =	sdelay $0x4  }
0x2bd: {  	v10 =	vshll.u32 @!p1 v8, $0x1  }
0x2be: {  	v8 =	vand.u32 @!p1 $0x7, v8;
	v10 =	vand.u32 @!p1 $0xFFFFFFF0, v10  }
0x2bf: {  	v8 =	vor.u32 @!p1 v8, v10  }
0x2c0: {  	v8 =	vperm.xlane @!p1 v8, v9;
	_ =	sdelay $0x1  }
0x2c1: {  	v8 =	vadd.s32 @!p1 v11, v8;
	_ =	sdelay $0x3  }
0x2c2: {  	s4 =	simm.s32 @!p1 $0x6C00  }
0x2c3: {  	[tilespmem:s4], [sflag:$0x1] =	stream.indirect_vreg.gather @!p1 [hbm4b:s21+s5], $0x80, v8, vm1, $0xb8;
	[tilespmem:$0x1FC80] =	vst v63  }
0x2c4: {  	_ =	swait.ge [sflag:s2], $0x1400  }
0x2c5: {  	[sflag:s2] =	ssyncset.done $0x0  }
0x2c6: {  	[sflag:s2] =	ssyncadd.s32 $0xFFFFEC00  }
0x2c7: {  	_ =	swait.ge [sflag:s2], $0x2800  }
0x2c8: {  	[sflag:s2] =	ssyncset.done $0x0  }
0x2c9: {  	s19 =	simm.s32 $0x3;
	[sflag:s2] =	ssyncadd.s32 $0xFFFFD800  }
0x2ca: {  	s20 =	simm.s32 $0x0;
	s23 =	simm.s32 $0x80;
	_ =	swait.ge [sflag:s19], $0x1400  }
0x2cb: {  	s26 =	sand.u32 $0x380, s23;
	s22 =	sand.u32 $0x3800, s20;
	[sflag:s19] =	ssyncset.done $0x0  }
0x2cc: {  	s25 =	sadd.s32 $0x8800, s22;
	s24 =	simm.s32 $0x7480;
	[sflag:s19] =	ssyncadd.s32 $0xFFFFEC00  }
0x2cd: {  	s5 =	sor.u32 s26, s25;
	v8 =	vld [tilespmem:s24+$0x0]  }
0x2ce: {  	v9 =	vld [tilespmem:s5+$0x0]  }
0x2cf: {  	v10 =	vld [tilespmem:s24+$0x10]  }
0x2d0: {  	v11 =	vld [tilespmem:s5+$0x10]  }
0x2d1: {  	v12 =	vld [tilespmem:s24+$0x20]  }
0x2d2: {  	v13 =	vld [tilespmem:s5+$0x20]  }
0x2d3: {  	v14 =	vld [tilespmem:s24+$0x30];
	v8 =	vmul.f32 v9, v8  }
0x2d4: {  	v9 =	vld [tilespmem:s5+$0x30]  }
0x2d5: {  	v15 =	vld [tilespmem:s5+$0x40];
	v10 =	vmul.f32 v11, v10;
	v8 =	vadd.f32 $0.0e+00, v8  }
0x2d6: {  	v11 =	vld [tilespmem:s24+$0x40]  }
0x2d7: {  	v8 =	vadd.f32 v10, v8;
	v10 =	vmul.f32 v13, v12;
	v12 =	vld [tilespmem:s24+$0x50]  }
0x2d8: {  	v13 =	vld [tilespmem:s5+$0x50]  }
0x2d9: {  	v9 =	vmul.f32 v9, v14;
	v14 =	vld [tilespmem:s5+$0x60];
	v8 =	vadd.f32 v10, v8  }
0x2da: {  	v10 =	vld [tilespmem:s24+$0x60]  }
0x2db: {  	v16 =	vld [tilespmem:s24+$0x70];
	v8 =	vadd.f32 v9, v8;
	v9 =	vmul.f32 v15, v11  }
0x2dc: {  	v11 =	vld [tilespmem:s5+$0x70]  }
0x2dd: {  	v8 =	vadd.f32 v9, v8;
	v9 =	vmul.f32 v13, v12;
	_ =	sdelay $0x1  }
0x2de: {  	v8 =	vadd.f32 v9, v8;
	v9 =	vmul.f32 v14, v10;
	_ =	sdelay $0x1  }
0x2df: {  	v8 =	vadd.f32 v9, v8;
	v9 =	vmul.f32 v11, v16;
	_ =	sdelay $0x1  }
0x2e0: {  	v8 =	vadd.f32 v9, v8;
	_ =	sdelay $0x1  }
0x2e1: {  	v9 =	vperm.xlane v8, v4;
	_ =	sdelay $0x1  }
0x2e2: {  	v8 =	vadd.f32 v8, v9  }
0x2e3: {  	s4 =	sand.u32 $0x300, s20  }
0x2e4: {  	s20 =	sor.u32 s4, s25;
	v17 =	vld [tilespmem:s24+$0xFFFFFFB0];
	v10 =	vperm.xlane v8, v5  }
0x2e5: {  	v18 =	vld [tilespmem:s20+$0x40]  }
0x2e6: {  	v19 =	vld [tilespmem:s24+$0xFFFFFFC0];
	v8 =	vadd.f32 v8, v10  }
0x2e7: {  	v20 =	vld [tilespmem:s5+$0x400]  }
0x2e8: {  	v21 =	vld [tilespmem:s20+$0x50];
	v11 =	vperm.xlane v8, v6  }
0x2e9: {  	v22 =	vld [tilespmem:s24+$0xFFFFFFD0]  }
0x2ea: {  	v23 =	vld [tilespmem:s20+$0x60];
	v8 =	vadd.f32 v8, v11  }
0x2eb: {  	s31 =	smov.u32 s3;
	s12 =	simm.s32 $0x200;
	v24 =	vld [tilespmem:s24+$0xFFFFFFE0]  }
0x2ec: {  	s13 =	simm.s32 $0x180;
	s3 =	simm.s32 $0x7580;
	s9 =	sand.u32 $0x3800, s12;
	v25 =	vld [tilespmem:s24+$0xFFFFFFF0];
	v11 =	vperm.xlane v8, v7  }
0x2ed: {  	s14 =	sand.u32 $0x380, s13;
	s11 =	sadd.s32 $0x8800, s9;
	v26 =	vld [tilespmem:s3+$0x30]  }
0x2ee: {  	s9 =	sor.u32 s14, s11;
	v27 =	vld [tilespmem:s3+$0x0];
	v8 =	vadd.f32 v8, v11  }
0x2ef: {  	v28 =	vld [tilespmem:s9+$0x0]  }
0x2f0: {  	v12 =	vld [tilespmem:s24+$0xFFFFFF80];
	v11 =	vmul.f32 $2.000000030e-01, v8  }
0x2f1: {  	v9 =	vld [tilespmem:s20+$0x0];
	vm1 =	vge.f32 v8, $0.0e+00  }
0x2f2: {  	v13 =	vld [tilespmem:s20+$0x10];
	v11 =	vsel vm1, v8, v11  }
0x2f3: {  	v10 =	vld [tilespmem:s24+$0xFFFFFF90];
	v20 =	vmul.f32 v11, v20  }
0x2f4: {  	s4 =	simm.s32 $0xB080;
	v15 =	vld [tilespmem:s24+$0xFFFFFFA0]  }
0x2f5: {  	v14 =	vld [tilespmem:s20+$0x20];
	[tilespmem:s4+$0x0] =	vst v20  }
0x2f6: {  	v9 =	vmul.f32 v9, v12;
	v20 =	vld [tilespmem:s5+$0x410]  }
0x2f7: {  	v16 =	vld [tilespmem:s20+$0x30]  }
0x2f8: {  	v29 =	vld [tilespmem:s3+$0x10];
	v9 =	vadd.f32 $0.0e+00, v9;
	v10 =	vmul.f32 v13, v10  }
0x2f9: {  	v12 =	vld [tilespmem:s9+$0x10]  }
0x2fa: {  	v30 =	vld [tilespmem:s3+$0x20];
	v9 =	vadd.f32 v10, v9;
	v10 =	vmul.f32 v14, v15  }
0x2fb: {  	v13 =	vld [tilespmem:s9+$0x20];
	v20 =	vmul.f32 v11, v20  }
0x2fc: {  	v9 =	vadd.f32 v10, v9;
	v10 =	vmul.f32 v16, v17;
	v16 =	vld [tilespmem:s9+$0x40]  }
0x2fd: {  	v17 =	vld [tilespmem:s9+$0x50];
	[tilespmem:s4+$0x10] =	vst v20;
	v20 =	vmul.f32 v28, v27  }
0x2fe: {  	v12 =	vmul.f32 v12, v29;
	v27 =	vld [tilespmem:s9+$0x30]  }
0x2ff: {  	v9 =	vadd.f32 v10, v9;
	v10 =	vmul.f32 v18, v19;
	v18 =	vld [tilespmem:s3+$0x60];
	v15 =	vadd.f32 $0.0e+00, v20  }
0x300: {  	v20 =	vld [tilespmem:s3+$0x40]  }
0x301: {  	v13 =	vmul.f32 v13, v30;
	v19 =	vld [tilespmem:s9+$0x60];
	v12 =	vadd.f32 v12, v15  }
0x302: {  	v15 =	vld [tilespmem:s3+$0x50]  }
0x303: {  	v14 =	vld [tilespmem:s5+$0x420];
	v12 =	vadd.f32 v13, v12;
	v13 =	vmul.f32 v27, v26  }
0x304: {  	v8 =	vld [tilespmem:s20+$0x70];
	v9 =	vadd.f32 v10, v9;
	v10 =	vmul.f32 v21, v22  }
0x305: {  	v21 =	vld [tilespmem:s3+$0x70];
	v12 =	vadd.f32 v13, v12;
	v13 =	vmul.f32 v16, v20  }
0x306: {  	v9 =	vadd.f32 v10, v9;
	v10 =	vmul.f32 v23, v24;
	v16 =	vld [tilespmem:s9+$0x70]  }
0x307: {  	v12 =	vadd.f32 v13, v12;
	v13 =	vmul.f32 v17, v15  }
0x308: {  	v9 =	vadd.f32 v10, v9;
	v10 =	vmul.f32 v14, v11  }
0x309: {  	v8 =	vmul.f32 v8, v25;
	v12 =	vadd.f32 v13, v12;
	v13 =	vmul.f32 v19, v18  }
0x30a: {  	[tilespmem:s4+$0x20] =	vst v10  }
0x30b: {  	v8 =	vadd.f32 v8, v9;
	v9 =	vld [tilespmem:s5+$0x430];
	v10 =	vadd.f32 v13, v12;
	v12 =	vmul.f32 v16, v21;
	_ =	sdelay $0x1  }
0x30c: {  	s15 =	simm.s32 $0x100;
	v13 =	vperm.xlane v8, v4;
	v10 =	vadd.f32 v12, v10  }
0x30d: {  	s10 =	sand.u32 $0x300, s15  }
0x30e: {  	s13 =	sor.u32 s10, s11;
	v55 =	vld [tilespmem:s3+$0xFFFFFFE0];
	v8 =	vadd.f32 v8, v13;
	v13 =	vperm.xlane v10, v4  }
0x30f: {  	s16 =	simm.s32 $0x7680;
	v56 =	vld [tilespmem:s13+$0x70];
	v9 =	vmul.f32 v9, v11  }
0x310: {  	v57 =	vld [tilespmem:s16+$0x30];
	v10 =	vadd.f32 v10, v13  }
0x311: {  	s18 =	simm.s32 $0x400;
	v31 =	vld [tilespmem:s16+$0x0];
	[tilespmem:s4+$0x30] =	vst v9;
	v15 =	vperm.xlane v8, v5  }
0x312: {  	s6 =	sand.u32 $0x3800, s18;
	s19 =	simm.s32 $0x280;
	v9 =	vld [tilespmem:s5+$0x440];
	v13 =	vperm.xlane v10, v5  }
0x313: {  	s22 =	sadd.s32 $0x8800, s6;
	s23 =	sand.u32 $0x380, s19;
	v33 =	vld [tilespmem:s16+$0x10];
	v8 =	vadd.f32 v8, v15  }
0x314: {  	v34 =	vld [tilespmem:s16+$0x20];
	s6 =	sor.u32 s23, s22;
	v10 =	vadd.f32 v10, v13  }
0x315: {  	v32 =	vld [tilespmem:s6+$0x0];
	v18 =	vperm.xlane v8, v6  }
0x316: {  	v58 =	vld [tilespmem:s6+$0x30];
	v13 =	vperm.xlane v10, v6  }
0x317: {  	v23 =	vld [tilespmem:s13+$0x40];
	v9 =	vmul.f32 v9, v11;
	v8 =	vadd.f32 v8, v18  }
0x318: {  	v24 =	vld [tilespmem:s3+$0xFFFFFFC0];
	v10 =	vadd.f32 v10, v13  }
0x319: {  	v14 =	vld [tilespmem:s13+$0x0];
	[tilespmem:s4+$0x40] =	vst v9;
	v22 =	vperm.xlane v8, v7  }
0x31a: {  	v9 =	vld [tilespmem:s5+$0x450];
	v13 =	vperm.xlane v10, v7  }
0x31b: {  	v26 =	vld [tilespmem:s3+$0xFFFFFFD0];
	v8 =	vadd.f32 v8, v22  }
0x31c: {  	v27 =	vld [tilespmem:s9+$0x400];
	v10 =	vadd.f32 v10, v13  }
0x31d: {  	v20 =	vld [tilespmem:s3+$0xFFFFFFA0];
	v25 =	vmul.f32 $2.000000030e-01, v8  }
0x31e: {  	v17 =	vld [tilespmem:s13+$0x10];
	vm1 =	vge.f32 v8, $0.0e+00;
	v13 =	vmul.f32 $2.000000030e-01, v10  }
0x31f: {  	v16 =	vld [tilespmem:s3+$0xFFFFFF80];
	v9 =	vmul.f32 v9, v11;
	v8 =	vsel vm1, v8, v25;
	vm1 =	vge.f32 v10, $0.0e+00  }
0x320: {  	v19 =	vld [tilespmem:s13+$0x20];
	v13 =	vsel vm1, v10, v13  }
0x321: {  	v15 =	vld [tilespmem:s3+$0xFFFFFF90];
	[tilespmem:s4+$0x50] =	vst v9;
	v9 =	vmul.f32 v13, v27  }
0x322: {  	s17 =	simm.s32 $0xB180;
	v21 =	vld [tilespmem:s3+$0xFFFFFFB0]  }
0x323: {  	v12 =	vld [tilespmem:s20+$0x400];
	[tilespmem:s17+$0x0] =	vst v9  }
0x324: {  	v14 =	vmul.f32 v14, v16;
	v9 =	vld [tilespmem:s9+$0x410]  }
0x325: {  	v18 =	vld [tilespmem:s13+$0x30]  }
0x326: {  	v16 =	vld [tilespmem:s6+$0x10];
	v14 =	vadd.f32 $0.0e+00, v14;
	v15 =	vmul.f32 v17, v15  }
0x327: {  	v17 =	vld [tilespmem:s6+$0x20]  }
0x328: {  	v14 =	vadd.f32 v15, v14;
	v15 =	vmul.f32 v19, v20;
	v20 =	vld [tilespmem:s16+$0x40]  }
0x329: {  	v22 =	vld [tilespmem:s13+$0x50];
	v9 =	vmul.f32 v13, v9  }
0x32a: {  	v14 =	vadd.f32 v15, v14;
	v15 =	vmul.f32 v18, v21;
	v18 =	vld [tilespmem:s6+$0x40]  }
0x32b: {  	v21 =	vld [tilespmem:s6+$0x50];
	[tilespmem:s17+$0x10] =	vst v9;
	v9 =	vmul.f32 v32, v31  }
0x32c: {  	v14 =	vadd.f32 v15, v14;
	v15 =	vmul.f32 v23, v24;
	v23 =	vld [tilespmem:s16+$0x60]  }
0x32d: {  	v16 =	vmul.f32 v16, v33;
	v25 =	vld [tilespmem:s13+$0x60];
	v12 =	vmul.f32 v8, v12;
	v9 =	vadd.f32 $0.0e+00, v9  }
0x32e: {  	v14 =	vadd.f32 v15, v14;
	v15 =	vmul.f32 v22, v26;
	v22 =	vld [tilespmem:s6+$0x60]  }
0x32f: {  	[tilespmem:s4+$0xFFFFFF80] =	vst v12;
	v12 =	vld [tilespmem:s3+$0xFFFFFFF0];
	v9 =	vadd.f32 v16, v9;
	v16 =	vmul.f32 v17, v34  }
0x330: {  	v17 =	vld [tilespmem:s16+$0x50]  }
0x331: {  	v19 =	vld [tilespmem:s9+$0x420];
	v9 =	vadd.f32 v16, v9;
	v16 =	vmul.f32 v58, v57  }
0x332: {  	v10 =	vld [tilespmem:s20+$0x410]  }
0x333: {  	v24 =	vld [tilespmem:s16+$0x70];
	v9 =	vadd.f32 v16, v9;
	v16 =	vmul.f32 v18, v20  }
0x334: {  	v14 =	vadd.f32 v15, v14;
	v15 =	vmul.f32 v25, v55;
	v18 =	vld [tilespmem:s6+$0x70]  }
0x335: {  	v9 =	vadd.f32 v16, v9;
	v16 =	vmul.f32 v21, v17  }
0x336: {  	v59 =	vld [tilespmem:s16+$0xFFFFFFC0];
	v14 =	vadd.f32 v15, v14;
	v12 =	vmul.f32 v56, v12;
	v15 =	vmul.f32 v19, v13  }
0x337: {  	s25 =	simm.s32 $0x7780;
	v38 =	vld [tilespmem:s16+$0xFFFFFFF0];
	v10 =	vmul.f32 v8, v10;
	v9 =	vadd.f32 v16, v9;
	v16 =	vmul.f32 v22, v23  }
0x338: {  	v39 =	vld [tilespmem:s25+$0x30];
	[tilespmem:s17+$0x20] =	vst v15  }
0x339: {  	v12 =	vadd.f32 v12, v14;
	[tilespmem:s4+$0xFFFFFF90] =	vst v10;
	v10 =	vld [tilespmem:s9+$0x430];
	v15 =	vmul.f32 v18, v24;
	v9 =	vadd.f32 v16, v9  }
0x33a: {  	v41 =	vld [tilespmem:s25+$0x70]  }
0x33b: {  	v47 =	vld [tilespmem:s25+$0xFFFFFFC0];
	v16 =	vperm.xlane v12, v4;
	v9 =	vadd.f32 v15, v9  }
0x33c: {  	v49 =	vld [tilespmem:s25+$0xFFFFFFD0]  }
0x33d: {  	s24 =	simm.s32 $0x200;
	v27 =	vld [tilespmem:s5+$0x460];
	v12 =	vadd.f32 v12, v16;
	v19 =	vperm.xlane v9, v4  }
0x33e: {  	v35 =	vld [tilespmem:s25+$0xFFFFFFE0];
	s11 =	sand.u32 $0x300, s24;
	v10 =	vmul.f32 v10, v13  }
0x33f: {  	v63 =	vld [tilespmem:s6+$0x400];
	s19 =	sor.u32 s11, s22;
	v20 =	vperm.xlane v12, v5;
	v9 =	vadd.f32 v9, v19  }
0x340: {  	v60 =	vld [tilespmem:s19+$0x50];
	[tilespmem:s17+$0x30] =	vst v10  }
0x341: {  	v10 =	vld [tilespmem:s9+$0x440];
	v12 =	vadd.f32 v12, v20;
	v20 =	vperm.xlane v9, v5  }
0x342: {  	v62 =	vld [tilespmem:s19+$0x60];
	v14 =	vmul.f32 v27, v11  }
0x343: {  	v36 =	vld [tilespmem:s19+$0x70];
	v23 =	vperm.xlane v12, v6;
	v9 =	vadd.f32 v9, v20  }
0x344: {  	v25 =	vld [tilespmem:s19+$0x30];
	[tilespmem:s4+$0x60] =	vst v14  }
0x345: {  	v14 =	vld [tilespmem:s5+$0x470];
	v12 =	vadd.f32 v12, v23;
	v26 =	vperm.xlane v9, v6  }
0x346: {  	v21 =	vld [tilespmem:s19+$0x10];
	v10 =	vmul.f32 v10, v13  }
0x347: {  	v22 =	vld [tilespmem:s16+$0xFFFFFF90];
	v27 =	vperm.xlane v12, v7;
	v9 =	vadd.f32 v9, v26  }
0x348: {  	v15 =	vld [tilespmem:s19+$0x0];
	[tilespmem:s17+$0x40] =	vst v10  }
0x349: {  	v10 =	vld [tilespmem:s9+$0x450];
	v12 =	vadd.f32 v12, v27;
	v27 =	vperm.xlane v9, v7  }
0x34a: {  	v16 =	vld [tilespmem:s16+$0xFFFFFF80]  }
0x34b: {  	v18 =	vld [tilespmem:s20+$0x420];
	v27 =	vadd.f32 v9, v27  }
0x34c: {  	v24 =	vld [tilespmem:s16+$0xFFFFFFA0];
	v61 =	vmul.f32 $2.000000030e-01, v12  }
0x34d: {  	v19 =	vld [tilespmem:s19+$0x20];
	vm1 =	vge.f32 v12, $0.0e+00;
	v37 =	vmul.f32 $2.000000030e-01, v27  }
0x34e: {  	v20 =	vld [tilespmem:s16+$0xFFFFFFB0];
	v10 =	vmul.f32 v10, v13;
	v9 =	vsel vm1, v12, v61;
	vm1 =	vge.f32 v27, $0.0e+00  }
0x34f: {  	v15 =	vmul.f32 v15, v16;
	v23 =	vld [tilespmem:s19+$0x40];
	v16 =	vsel vm1, v27, v37  }
0x350: {  	v26 =	vld [tilespmem:s16+$0xFFFFFFD0];
	[tilespmem:s17+$0x50] =	vst v10;
	v10 =	vmul.f32 v16, v63  }
0x351: {  	s10 =	simm.s32 $0xB280;
	s26 =	simm.s32 $0x600;
	v21 =	vmul.f32 v21, v22;
	v15 =	vadd.f32 $0.0e+00, v15;
	v12 =	vld [tilespmem:s16+$0xFFFFFFE0]  }
0x352: {  	s3 =	simm.s32 $0x380;
	s5 =	sand.u32 $0x3800, s26;
	v22 =	vld [tilespmem:s9+$0x460];
	[tilespmem:s10+$0x0] =	vst v10  }
0x353: {  	s15 =	sand.u32 $0x380, s3;
	s14 =	sadd.s32 $0x8800, s5;
	v10 =	vadd.f32 v21, v15;
	v15 =	vmul.f32 v19, v24;
	v19 =	vld [tilespmem:s6+$0x410]  }
0x354: {  	s5 =	sor.u32 s15, s14;
	v21 =	vld [tilespmem:s25+$0x0]  }
0x355: {  	v10 =	vadd.f32 v15, v10;
	v15 =	vmul.f32 v25, v20;
	v20 =	vld [tilespmem:s5+$0x0]  }
0x356: {  	v24 =	vld [tilespmem:s25+$0x10]  }
0x357: {  	v10 =	vadd.f32 v15, v10;
	v15 =	vmul.f32 v23, v59;
	v23 =	vld [tilespmem:s5+$0x10]  }
0x358: {  	v25 =	vld [tilespmem:s25+$0x20];
	v19 =	vmul.f32 v16, v19  }
0x359: {  	v10 =	vadd.f32 v15, v10;
	v15 =	vmul.f32 v60, v26;
	v26 =	vld [tilespmem:s5+$0x20]  }
0x35a: {  	[tilespmem:s10+$0x10] =	vst v19;
	v19 =	vmul.f32 v20, v21;
	v20 =	vld [tilespmem:s5+$0x30]  }
0x35b: {  	v12 =	vmul.f32 v62, v12;
	v10 =	vadd.f32 v15, v10;
	v15 =	vld [tilespmem:s6+$0x420]  }
0x35c: {  	v21 =	vmul.f32 v23, v24;
	v23 =	vld [tilespmem:s25+$0x40];
	v19 =	vadd.f32 $0.0e+00, v19  }
0x35d: {  	v24 =	vld [tilespmem:s5+$0x40];
	v10 =	vadd.f32 v12, v10;
	v12 =	vmul.f32 v36, v38  }
0x35e: {  	v19 =	vadd.f32 v21, v19;
	v21 =	vmul.f32 v26, v25;
	v25 =	vld [tilespmem:s25+$0x50]  }
0x35f: {  	v10 =	vadd.f32 v12, v10;
	v12 =	vld [tilespmem:s5+$0x50]  }
0x360: {  	v40 =	vld [tilespmem:s5+$0x60];
	v20 =	vmul.f32 v20, v39;
	v19 =	vadd.f32 v21, v19  }
0x361: {  	v18 =	vmul.f32 v18, v8;
	v21 =	vld [tilespmem:s25+$0x60]  }
0x362: {  	v17 =	vld [tilespmem:s13+$0x400];
	v19 =	vadd.f32 v20, v19;
	v20 =	vmul.f32 v24, v23  }
0x363: {  	s18 =	simm.s32 $0x7880;
	[tilespmem:s4+$0xFFFFFFA0] =	vst v18;
	v18 =	vmul.f32 v22, v13;
	v22 =	vld [tilespmem:s5+$0x70];
	v26 =	vperm.xlane v10, v4  }
0x364: {  	v54 =	vld [tilespmem:s18+$0x20];
	v15 =	vmul.f32 v15, v16;
	v12 =	vmul.f32 v12, v25;
	v19 =	vadd.f32 v20, v19  }
0x365: {  	s3 =	simm.s32 $0x480;
	v56 =	vld [tilespmem:s18+$0x40];
	v10 =	vadd.f32 v10, v26  }
0x366: {  	s12 =	sand.u32 $0x380, s3;
	s3 =	simm.s32 $0x7A80;
	v52 =	vld [tilespmem:s5+$0x400];
	[tilespmem:s10+$0x20] =	vst v15;
	v15 =	vmul.f32 v40, v21;
	v12 =	vadd.f32 v12, v19  }
0x367: {  	v11 =	vmul.f32 v14, v11;
	v14 =	vld [tilespmem:s3+$0xFFFFFFB0];
	v24 =	vperm.xlane v10, v5  }
0x368: {  	s16 =	simm.s32 $0x300;
	v17 =	vmul.f32 v9, v17;
	v19 =	vld [tilespmem:s6+$0x430];
	v12 =	vadd.f32 v15, v12;
	v15 =	vmul.f32 v22, v41  }
0x369: {  	v58 =	vld [tilespmem:s18+$0x50];
	s11 =	sand.u32 $0x300, s16;
	v10 =	vadd.f32 v10, v24  }
0x36a: {  	s24 =	sor.u32 s11, s14;
	[tilespmem:s17+$0xFFFFFF80] =	vst v17;
	v17 =	vld [tilespmem:s19+$0x400];
	v12 =	vadd.f32 v15, v12  }
0x36b: {  	v43 =	vld [tilespmem:s24+$0x30];
	v24 =	vperm.xlane v10, v6  }
0x36c: {  	v45 =	vld [tilespmem:s24+$0x40];
	v26 =	vperm.xlane v12, v4  }
0x36d: {  	v27 =	vld [tilespmem:s13+$0x410];
	v10 =	vadd.f32 v10, v24;
	v19 =	vmul.f32 v19, v16  }
0x36e: {  	v48 =	vld [tilespmem:s24+$0x50];
	v12 =	vadd.f32 v12, v26  }
0x36f: {  	v51 =	vld [tilespmem:s24+$0x60];
	v42 =	vperm.xlane v10, v7;
	[tilespmem:s10+$0x30] =	vst v19  }
0x370: {  	v19 =	vld [tilespmem:s6+$0x440];
	v44 =	vperm.xlane v12, v5  }
0x371: {  	v37 =	vld [tilespmem:s25+$0xFFFFFFF0];
	v10 =	vadd.f32 v10, v42  }
0x372: {  	v62 =	vld [tilespmem:s18+$0xFFFFFF90];
	[tilespmem:s17+$0x60] =	vst v18;
	v27 =	vmul.f32 v9, v27;
	v12 =	vadd.f32 v12, v44  }
0x373: {  	v18 =	vld [tilespmem:s9+$0x470];
	v46 =	vmul.f32 $2.000000030e-01, v10  }
0x374: {  	[tilespmem:s17+$0xFFFFFF90] =	vst v27;
	v27 =	vld [tilespmem:s25+$0xFFFFFFA0];
	vm1 =	vge.f32 v10, $0.0e+00;
	v50 =	vperm.xlane v12, v6  }
0x375: {  	v20 =	vld [tilespmem:s13+$0x420];
	v10 =	vsel vm1, v10, v46;
	v19 =	vmul.f32 v19, v16  }
0x376: {  	v21 =	vld [tilespmem:s24+$0x0];
	v17 =	vmul.f32 v10, v17;
	v12 =	vadd.f32 v12, v50  }
0x377: {  	v22 =	vld [tilespmem:s25+$0xFFFFFF80];
	[tilespmem:s10+$0x40] =	vst v19  }
0x378: {  	[tilespmem:s10+$0xFFFFFF80] =	vst v17;
	v17 =	vld [tilespmem:s6+$0x450];
	v33 =	vperm.xlane v12, v7  }
0x379: {  	v19 =	vld [tilespmem:s19+$0x410]  }
0x37a: {  	v25 =	vld [tilespmem:s24+$0x10];
	v20 =	vmul.f32 v20, v9;
	v12 =	vadd.f32 v12, v33  }
0x37b: {  	v15 =	vld [tilespmem:s25+$0xFFFFFF90]  }
0x37c: {  	v60 =	vld [tilespmem:s18+$0x70];
	[tilespmem:s17+$0xFFFFFFA0] =	vst v20;
	v20 =	vmul.f32 $2.000000030e-01, v12  }
0x37d: {  	v24 =	vld [tilespmem:s24+$0x20];
	v17 =	vmul.f32 v17, v16;
	vm1 =	vge.f32 v12, $0.0e+00  }
0x37e: {  	v36 =	vld [tilespmem:s24+$0x70];
	v21 =	vmul.f32 v21, v22;
	v39 =	vmul.f32 v10, v19;
	v19 =	vsel vm1, v12, v20  }
0x37f: {  	v26 =	vld [tilespmem:s25+$0xFFFFFFB0];
	[tilespmem:s10+$0x50] =	vst v17;
	v17 =	vmul.f32 v19, v52  }
0x380: {  	s22 =	simm.s32 $0xB380;
	s26 =	simm.s32 $0x800;
	v38 =	vld [tilespmem:s24+$0x400];
	v15 =	vmul.f32 v25, v15;
	v20 =	vadd.f32 $0.0e+00, v21  }
0x381: {  	s11 =	sand.u32 $0x3800, s26;
	v23 =	vld [tilespmem:s20+$0x430];
	[tilespmem:s22+$0x0] =	vst v17  }
0x382: {  	s11 =	sadd.s32 $0x8800, s11;
	v15 =	vadd.f32 v15, v20;
	v17 =	vmul.f32 v24, v27;
	v20 =	vld [tilespmem:s5+$0x410]  }
0x383: {  	s25 =	sor.u32 s12, s11;
	v24 =	vld [tilespmem:s18+$0x0]  }
0x384: {  	v15 =	vadd.f32 v17, v15;
	v17 =	vmul.f32 v43, v26;
	v26 =	vld [tilespmem:s25+$0x0]  }
0x385: {  	v53 =	vld [tilespmem:s25+$0x10]  }
0x386: {  	v27 =	vld [tilespmem:s18+$0x10];
	v15 =	vadd.f32 v17, v15;
	v17 =	vmul.f32 v45, v47  }
0x387: {  	v25 =	vld [tilespmem:s18+$0x30];
	v20 =	vmul.f32 v19, v20  }
0x388: {  	v55 =	vld [tilespmem:s25+$0x20];
	v15 =	vadd.f32 v17, v15;
	v17 =	vmul.f32 v48, v49  }
0x389: {  	v57 =	vld [tilespmem:s25+$0x40];
	[tilespmem:s22+$0x10] =	vst v20;
	v20 =	vmul.f32 v26, v24  }
0x38a: {  	v24 =	vld [tilespmem:s25+$0x30];
	v15 =	vadd.f32 v17, v15;
	v17 =	vmul.f32 v51, v35  }
0x38b: {  	v12 =	vld [tilespmem:s6+$0x460];
	v27 =	vmul.f32 v53, v27;
	v20 =	vadd.f32 $0.0e+00, v20  }
0x38c: {  	v26 =	vld [tilespmem:s5+$0x420];
	v15 =	vadd.f32 v17, v15;
	v17 =	vmul.f32 v36, v37  }
0x38d: {  	v40 =	vld [tilespmem:s18+$0xFFFFFFF0];
	v20 =	vadd.f32 v27, v20;
	v27 =	vmul.f32 v55, v54  }
0x38e: {  	v23 =	vmul.f32 v23, v8;
	v15 =	vadd.f32 v17, v15;
	v17 =	vld [tilespmem:s25+$0x50]  }
0x38f: {  	v59 =	vld [tilespmem:s25+$0x60];
	v24 =	vmul.f32 v24, v25;
	v20 =	vadd.f32 v27, v20  }
0x390: {  	[tilespmem:s4+$0xFFFFFFB0] =	vst v23;
	v12 =	vmul.f32 v12, v16;
	v25 =	vld [tilespmem:s18+$0x60]  }
0x391: {  	v22 =	vld [tilespmem:s20+$0x440];
	v29 =	vmul.f32 v57, v56;
	v26 =	vmul.f32 v26, v19;
	v24 =	vadd.f32 v24, v20  }
0x392: {  	s14 =	simm.s32 $0x400;
	[tilespmem:s10+$0x60] =	vst v12;
	v12 =	vld [tilespmem:s25+$0x70];
	v27 =	vperm.xlane v15, v4  }
0x393: {  	v23 =	vld [tilespmem:s13+$0x430];
	s12 =	sand.u32 $0x300, s14;
	[tilespmem:s22+$0x20] =	vst v26;
	v17 =	vmul.f32 v17, v58;
	v24 =	vadd.f32 v29, v24  }
0x394: {  	s23 =	sor.u32 s12, s11;
	v15 =	vadd.f32 v15, v27;
	v27 =	vld [tilespmem:s5+$0x430]  }
0x395: {  	v61 =	vld [tilespmem:s23+$0x0];
	v17 =	vadd.f32 v17, v24;
	v24 =	vmul.f32 v59, v25  }
0x396: {  	v63 =	vld [tilespmem:s23+$0x20];
	v22 =	vmul.f32 v22, v8  }
0x397: {  	s15 =	simm.s32 $0x7980;
	v42 =	vld [tilespmem:s23+$0x400];
	v12 =	vmul.f32 v12, v60;
	v17 =	vadd.f32 v24, v17  }
0x398: {  	v44 =	vld [tilespmem:s15+$0x20];
	[tilespmem:s4+$0xFFFFFFC0] =	vst v22  }
0x399: {  	v28 =	vld [tilespmem:s20+$0x450];
	[tilespmem:s10+$0xFFFFFF90] =	vst v39;
	v27 =	vmul.f32 v27, v19;
	v12 =	vadd.f32 v12, v17  }
0x39a: {  	v21 =	vld [tilespmem:s19+$0x420]  }
0x39b: {  	v50 =	vld [tilespmem:s23+$0x50];
	[tilespmem:s22+$0x30] =	vst v27;
	v17 =	vperm.xlane v12, v4  }
0x39c: {  	v46 =	vld [tilespmem:s5+$0x440]  }
0x39d: {  	v33 =	vld [tilespmem:s3+$0x30];
	v12 =	vadd.f32 v12, v17  }
0x39e: {  	v52 =	vld [tilespmem:s18+$0xFFFFFFE0];
	v26 =	vperm.xlane v15, v5  }
0x39f: {  	v21 =	vmul.f32 v21, v10;
	v43 =	vld [tilespmem:s15+$0x10];
	v17 =	vperm.xlane v12, v5  }
0x3a0: {  	v23 =	vmul.f32 v23, v9;
	v45 =	vld [tilespmem:s23+$0x30];
	v15 =	vadd.f32 v15, v26  }
0x3a1: {  	v47 =	vld [tilespmem:s18+$0xFFFFFFB0];
	[tilespmem:s10+$0xFFFFFFA0] =	vst v21;
	v32 =	vmul.f32 v46, v19;
	v17 =	vadd.f32 v12, v17  }
0x3a2: {  	[tilespmem:s17+$0xFFFFFFB0] =	vst v23;
	v23 =	vld [tilespmem:s19+$0x430];
	v24 =	vperm.xlane v15, v6  }
0x3a3: {  	v48 =	vld [tilespmem:s18+$0xFFFFFFC0];
	[tilespmem:s22+$0x40] =	vst v32;
	v53 =	vperm.xlane v17, v6  }
0x3a4: {  	v15 =	vadd.f32 v15, v24;
	v54 =	vld [tilespmem:s5+$0x450]  }
0x3a5: {  	v51 =	vld [tilespmem:s18+$0xFFFFFFD0];
	v17 =	vadd.f32 v17, v53  }
0x3a6: {  	v60 =	vld [tilespmem:s15+$0x70];
	v27 =	vperm.xlane v15, v7  }
0x3a7: {  	v20 =	vld [tilespmem:s6+$0x470];
	v41 =	vperm.xlane v17, v7  }
0x3a8: {  	v23 =	vmul.f32 v23, v10;
	v25 =	vld [tilespmem:s18+$0xFFFFFF80];
	v15 =	vadd.f32 v15, v27  }
0x3a9: {  	v58 =	vld [tilespmem:s25+$0x400];
	v21 =	vmul.f32 v54, v19;
	v57 =	vadd.f32 v17, v41  }
0x3aa: {  	[tilespmem:s10+$0xFFFFFFB0] =	vst v23;
	v23 =	vmul.f32 v28, v8;
	v26 =	vld [tilespmem:s23+$0x10];
	v49 =	vmul.f32 $2.000000030e-01, v15  }
0x3ab: {  	v55 =	vld [tilespmem:s23+$0x70];
	vm1 =	vge.f32 v15, $0.0e+00;
	[tilespmem:s22+$0x50] =	vst v21;
	v21 =	vmul.f32 $2.000000030e-01, v57  }
0x3ac: {  	[tilespmem:s4+$0xFFFFFFD0] =	vst v23;
	v24 =	vld [tilespmem:s18+$0xFFFFFFA0];
	v12 =	vsel vm1, v15, v49;
	vm1 =	vge.f32 v57, $0.0e+00  }
0x3ad: {  	v23 =	vld [tilespmem:s20+$0x460];
	v25 =	vmul.f32 v61, v25;
	v21 =	vsel vm1, v57, v21  }
0x3ae: {  	v16 =	vmul.f32 v20, v16;
	v20 =	vld [tilespmem:s3+$0xFFFFFFC0];
	v59 =	vmul.f32 v21, v58  }
0x3af: {  	s16 =	simm.s32 $0xA00;
	s9 =	simm.s32 $0xB480;
	v26 =	vmul.f32 v26, v62;
	v61 =	vld [tilespmem:s15+$0x30];
	v25 =	vadd.f32 $0.0e+00, v25  }
0x3b0: {  	s11 =	sand.u32 $0x3800, s16;
	s18 =	simm.s32 $0x580;
	v27 =	vld [tilespmem:s23+$0x40];
	[tilespmem:s9+$0x0] =	vst v59  }
0x3b1: {  	s11 =	sadd.s32 $0x8800, s11;
	s12 =	sand.u32 $0x380, s18;
	v25 =	vadd.f32 v26, v25;
	v24 =	vmul.f32 v63, v24;
	v26 =	vld [tilespmem:s25+$0x410]  }
0x3b2: {  	v62 =	vld [tilespmem:s15+$0x0];
	s12 =	sor.u32 s12, s11  }
0x3b3: {  	v63 =	vld [tilespmem:s12+$0x0];
	v24 =	vadd.f32 v24, v25;
	v25 =	vmul.f32 v45, v47  }
0x3b4: {  	v15 =	vld [tilespmem:s23+$0x60]  }
0x3b5: {  	v24 =	vadd.f32 v25, v24;
	v25 =	vmul.f32 v27, v48;
	v27 =	vld [tilespmem:s12+$0x10]  }
0x3b6: {  	v46 =	vld [tilespmem:s12+$0x30];
	v26 =	vmul.f32 v21, v26  }
0x3b7: {  	v45 =	vld [tilespmem:s12+$0x20];
	v35 =	vmul.f32 v12, v38;
	v24 =	vadd.f32 v25, v24;
	v25 =	vmul.f32 v50, v51  }
0x3b8: {  	v47 =	vld [tilespmem:s15+$0x40];
	[tilespmem:s9+$0x10] =	vst v26;
	v26 =	vmul.f32 v63, v62  }
0x3b9: {  	v49 =	vld [tilespmem:s15+$0x50];
	[tilespmem:s22+$0xFFFFFF80] =	vst v35;
	v24 =	vadd.f32 v25, v24;
	v15 =	vmul.f32 v15, v52  }
0x3ba: {  	v56 =	vld [tilespmem:s24+$0x410];
	v27 =	vmul.f32 v27, v43;
	v26 =	vadd.f32 $0.0e+00, v26  }
0x3bb: {  	v48 =	vld [tilespmem:s12+$0x40];
	v15 =	vadd.f32 v15, v24;
	v24 =	vmul.f32 v55, v40  }
0x3bc: {  	v50 =	vld [tilespmem:s15+$0x60];
	v26 =	vadd.f32 v27, v26;
	v27 =	vmul.f32 v45, v44  }
0x3bd: {  	v15 =	vadd.f32 v24, v15;
	v24 =	vld [tilespmem:s12+$0x50]  }
0x3be: {  	v53 =	vld [tilespmem:s12+$0x70];
	v26 =	vadd.f32 v27, v26;
	v27 =	vmul.f32 v46, v61  }
0x3bf: {  	v52 =	vld [tilespmem:s12+$0x60];
	v32 =	vmul.f32 v12, v56  }
0x3c0: {  	v22 =	vld [tilespmem:s5+$0x460];
	v51 =	vperm.xlane v15, v4;
	v26 =	vadd.f32 v27, v26;
	v27 =	vmul.f32 v48, v47  }
0x3c1: {  	v55 =	vld [tilespmem:s15+$0xFFFFFF80]  }
0x3c2: {  	v17 =	vld [tilespmem:s13+$0x440];
	[tilespmem:s22+$0xFFFFFF90] =	vst v32;
	v15 =	vadd.f32 v15, v51;
	v24 =	vmul.f32 v24, v49;
	v26 =	vadd.f32 v27, v26  }
0x3c3: {  	v39 =	vld [tilespmem:s24+$0x420]  }
0x3c4: {  	v57 =	vld [tilespmem:s15+$0xFFFFFF90];
	v27 =	vperm.xlane v15, v5;
	v24 =	vadd.f32 v24, v26;
	v26 =	vmul.f32 v52, v50  }
0x3c5: {  	v22 =	vmul.f32 v22, v19;
	v49 =	vld [tilespmem:s15+$0xFFFFFFD0]  }
0x3c6: {  	s26 =	simm.s32 $0x500;
	v25 =	vld [tilespmem:s25+$0x420];
	v15 =	vadd.f32 v15, v27;
	v24 =	vadd.f32 v26, v24;
	v26 =	vmul.f32 v53, v60  }
0x3c7: {  	s14 =	sand.u32 $0x300, s26;
	v59 =	vld [tilespmem:s15+$0xFFFFFFA0];
	[tilespmem:s22+$0x60] =	vst v22  }
0x3c8: {  	v22 =	vld [tilespmem:s5+$0x470];
	s5 =	sor.u32 s14, s11;
	v27 =	vperm.xlane v15, v6;
	v24 =	vadd.f32 v26, v24  }
0x3c9: {  	v54 =	vld [tilespmem:s5+$0x0]  }
0x3ca: {  	v56 =	vld [tilespmem:s5+$0x10];
	v15 =	vadd.f32 v15, v27;
	v26 =	vperm.xlane v24, v4  }
0x3cb: {  	v58 =	vld [tilespmem:s5+$0x20];
	v25 =	vmul.f32 v25, v21  }
0x3cc: {  	v43 =	vld [tilespmem:s5+$0x60];
	v27 =	vperm.xlane v15, v7;
	v24 =	vadd.f32 v24, v26  }
0x3cd: {  	v19 =	vmul.f32 v22, v19;
	v22 =	vld [tilespmem:s3+$0xFFFFFFE0];
	[tilespmem:s9+$0x20] =	vst v25  }
0x3ce: {  	s28 =	simm.s32 $0xC00;
	v25 =	vld [tilespmem:s25+$0x430];
	v15 =	vadd.f32 v15, v27;
	v26 =	vperm.xlane v24, v5  }
0x3cf: {  	s11 =	sand.u32 $0x3800, s28;
	s14 =	simm.s32 $0x680;
	v62 =	vld [tilespmem:s5+$0x40]  }
0x3d0: {  	s16 =	sadd.s32 $0x8800, s11;
	s18 =	sand.u32 $0x380, s14;
	v63 =	vld [tilespmem:s15+$0xFFFFFFC0];
	v27 =	vmul.f32 $2.000000030e-01, v15;
	v24 =	vadd.f32 v24, v26  }
0x3d1: {  	s6 =	sor.u32 s18, s16;
	v32 =	vmul.f32 v54, v55;
	v55 =	vld [tilespmem:s3+$0x0];
	vm1 =	vge.f32 v15, $0.0e+00  }
0x3d2: {  	v30 =	vmul.f32 v56, v57;
	v57 =	vld [tilespmem:s6+$0x0];
	v15 =	vsel vm1, v15, v27;
	v27 =	vperm.xlane v24, v6  }
0x3d3: {  	v29 =	vmul.f32 v58, v59;
	v58 =	vld [tilespmem:s3+$0x10];
	v25 =	vmul.f32 v25, v21  }
0x3d4: {  	v44 =	vld [tilespmem:s5+$0x70];
	v27 =	vadd.f32 v24, v27  }
0x3d5: {  	v45 =	vld [tilespmem:s15+$0xFFFFFFF0];
	[tilespmem:s9+$0x30] =	vst v25  }
0x3d6: {  	v39 =	vmul.f32 v39, v12;
	v25 =	vld [tilespmem:s25+$0x440];
	v51 =	vperm.xlane v27, v7  }
0x3d7: {  	v59 =	vmul.f32 v62, v63;
	v63 =	vld [tilespmem:s6+$0x20]  }
0x3d8: {  	v17 =	vmul.f32 v17, v9;
	[tilespmem:s22+$0xFFFFFFA0] =	vst v39;
	v47 =	vld [tilespmem:s12+$0x400];
	v39 =	vadd.f32 v27, v51  }
0x3d9: {  	v31 =	vmul.f32 v57, v55;
	v55 =	vld [tilespmem:s3+$0x60]  }
0x3da: {  	[tilespmem:s17+$0xFFFFFFC0] =	vst v17;
	v61 =	vld [tilespmem:s15+$0xFFFFFFB0];
	v17 =	vmul.f32 $2.000000030e-01, v39  }
0x3db: {  	v48 =	vld [tilespmem:s5+$0x50];
	v25 =	vmul.f32 v25, v21;
	vm1 =	vge.f32 v39, $0.0e+00  }
0x3dc: {  	v50 =	vld [tilespmem:s15+$0xFFFFFFE0];
	v17 =	vsel vm1, v39, v17  }
0x3dd: {  	v60 =	vld [tilespmem:s5+$0x30];
	[tilespmem:s9+$0x40] =	vst v25;
	v53 =	vmul.f32 v17, v47  }
0x3de: {  	s26 =	simm.s32 $0xB580;
	v32 =	vadd.f32 $0.0e+00, v32;
	v25 =	vld [tilespmem:s25+$0x450]  }
0x3df: {  	v57 =	vld [tilespmem:s6+$0x60];
	[tilespmem:s26+$0x0] =	vst v53  }
0x3e0: {  	v30 =	vadd.f32 v30, v32;
	v62 =	vmul.f32 v48, v49;
	v54 =	vld [tilespmem:s12+$0x410]  }
0x3e1: {  	v49 =	vld [tilespmem:s3+$0x40];
	v48 =	vmul.f32 v43, v50;
	v50 =	vmul.f32 v44, v45  }
0x3e2: {  	v29 =	vadd.f32 v29, v30;
	v44 =	vld [tilespmem:s3+$0xFFFFFF90];
	v56 =	vmul.f32 v60, v61;
	v26 =	vmul.f32 v15, v42  }
0x3e3: {  	v60 =	vld [tilespmem:s6+$0x10];
	v25 =	vmul.f32 v25, v21  }
0x3e4: {  	v61 =	vld [tilespmem:s3+$0x20];
	v29 =	vadd.f32 v56, v29;
	[tilespmem:s9+$0xFFFFFF80] =	vst v26  }
0x3e5: {  	v46 =	vld [tilespmem:s23+$0x410];
	[tilespmem:s9+$0x50] =	vst v25;
	v34 =	vmul.f32 v17, v54  }
0x3e6: {  	v29 =	vadd.f32 v59, v29;
	v52 =	vld [tilespmem:s25+$0x460]  }
0x3e7: {  	v47 =	vld [tilespmem:s6+$0x30];
	[tilespmem:s26+$0x10] =	vst v34  }
0x3e8: {  	v29 =	vadd.f32 v62, v29;
	v34 =	vld [tilespmem:s12+$0x420]  }
0x3e9: {  	v31 =	vadd.f32 $0.0e+00, v31;
	v59 =	vld [tilespmem:s6+$0x70];
	v35 =	vmul.f32 v60, v58  }
0x3ea: {  	v29 =	vadd.f32 v48, v29;
	v51 =	vld [tilespmem:s6+$0x40]  }
0x3eb: {  	v31 =	vadd.f32 v35, v31;
	v28 =	vmul.f32 v52, v21;
	v52 =	vmul.f32 v63, v61;
	v53 =	vld [tilespmem:s3+$0x50]  }
0x3ec: {  	v29 =	vadd.f32 v50, v29;
	v46 =	vmul.f32 v15, v46;
	v54 =	vld [tilespmem:s6+$0x50]  }
0x3ed: {  	v62 =	vld [tilespmem:s3+$0xFFFFFF80];
	v31 =	vadd.f32 v52, v31;
	v32 =	vmul.f32 v47, v33;
	v34 =	vmul.f32 v34, v17  }
0x3ee: {  	v26 =	vld [tilespmem:s5+$0x400];
	v56 =	vperm.xlane v29, v4;
	[tilespmem:s9+$0xFFFFFF90] =	vst v46  }
0x3ef: {  	v46 =	vld [tilespmem:s3+$0x70];
	v58 =	vmul.f32 v51, v49;
	v31 =	vadd.f32 v32, v31;
	[tilespmem:s26+$0x20] =	vst v34  }
0x3f0: {  	s29 =	simm.s32 $0x600;
	v29 =	vadd.f32 v29, v56;
	[tilespmem:s9+$0x60] =	vst v28;
	v34 =	vld [tilespmem:s12+$0x430]  }
0x3f1: {  	v28 =	vld [tilespmem:s25+$0x470];
	s25 =	sand.u32 $0x300, s29;
	v31 =	vadd.f32 v58, v31;
	v30 =	vmul.f32 v54, v53  }
0x3f2: {  	v48 =	vld [tilespmem:s3+$0xFFFFFFA0];
	v61 =	vperm.xlane v29, v5;
	s25 =	sor.u32 s25, s16  }
0x3f3: {  	v33 =	vmul.f32 v57, v55;
	v60 =	vld [tilespmem:s25+$0x0];
	v30 =	vadd.f32 v30, v31  }
0x3f4: {  	v27 =	vld [tilespmem:s19+$0x440];
	v29 =	vadd.f32 v29, v61  }
0x3f5: {  	v46 =	vmul.f32 v59, v46;
	v63 =	vld [tilespmem:s25+$0x10];
	v30 =	vadd.f32 v33, v30;
	v34 =	vmul.f32 v34, v17  }
0x3f6: {  	v39 =	vld [tilespmem:s23+$0x420];
	v47 =	vperm.xlane v29, v6  }
0x3f7: {  	v45 =	vld [tilespmem:s25+$0x20];
	v30 =	vadd.f32 v46, v30;
	[tilespmem:s26+$0x30] =	vst v34  }
0x3f8: {  	v29 =	vadd.f32 v29, v47;
	v50 =	vmul.f32 v60, v62;
	v51 =	vld [tilespmem:s12+$0x440]  }
0x3f9: {  	v49 =	vld [tilespmem:s25+$0x30];
	v52 =	vperm.xlane v30, v4  }
0x3fa: {  	v25 =	vld [tilespmem:s13+$0x450];
	v53 =	vperm.xlane v29, v7;
	v31 =	vmul.f32 v63, v44;
	v34 =	vadd.f32 $0.0e+00, v50  }
0x3fb: {  	v13 =	vmul.f32 v18, v13;
	[tilespmem:s22+$0x70] =	vst v19;
	v19 =	vmul.f32 v39, v15;
	v54 =	vld [tilespmem:s25+$0x40];
	v18 =	vadd.f32 v30, v52  }
0x3fc: {  	v57 =	vld [tilespmem:s25+$0x50];
	v56 =	vmul.f32 v45, v48;
	v29 =	vadd.f32 v29, v53;
	v55 =	vadd.f32 v31, v34  }
0x3fd: {  	[tilespmem:s4+$0x70] =	vst v11;
	v58 =	vld [tilespmem:s3+$0xFFFFFFD0];
	v59 =	vperm.xlane v18, v5;
	v35 =	vmul.f32 v51, v17  }
0x3fe: {  	v24 =	vld [tilespmem:s24+$0x430];
	[tilespmem:s9+$0xFFFFFFA0] =	vst v19;
	v14 =	vmul.f32 v49, v14;
	v11 =	vmul.f32 $2.000000030e-01, v29;
	v30 =	vadd.f32 v56, v55  }
0x3ff: {  	v19 =	vmul.f32 v27, v10;
	v60 =	vld [tilespmem:s25+$0x60];
	vm1 =	vge.f32 v29, $0.0e+00;
	v18 =	vadd.f32 v18, v59;
	[tilespmem:s26+$0x40] =	vst v35  }
0x400: {  	[tilespmem:s17+$0x70] =	vst v13;
	v11 =	vsel vm1, v29, v11;
	v13 =	vadd.f32 v14, v30;
	v14 =	vmul.f32 v54, v20;
	v20 =	vld [tilespmem:s12+$0x450]  }
0x401: {  	[tilespmem:s10+$0x70] =	vst v16;
	v63 =	vld [tilespmem:s3+$0xFFFFFFF0];
	v16 =	vmul.f32 v11, v26;
	v61 =	vperm.xlane v18, v6  }
0x402: {  	[tilespmem:s10+$0xFFFFFFC0] =	vst v19;
	v19 =	vmul.f32 v25, v9;
	v62 =	vmul.f32 v57, v58;
	v26 =	vld [tilespmem:s25+$0x70];
	v14 =	vadd.f32 v14, v13  }
0x403: {  	v27 =	vld [tilespmem:s23+$0x430];
	[tilespmem:s26+$0xFFFFFF80] =	vst v16;
	v16 =	vmul.f32 v24, v12;
	v18 =	vadd.f32 v18, v61  }
0x404: {  	[tilespmem:s17+$0xFFFFFFD0] =	vst v19;
	v22 =	vmul.f32 v60, v22;
	v24 =	vld [tilespmem:s5+$0x410];
	v14 =	vadd.f32 v62, v14  }
0x405: {  	v19 =	vld [tilespmem:s19+$0x450];
	[tilespmem:s22+$0xFFFFFFB0] =	vst v16;
	v16 =	vperm.xlane v18, v7;
	v20 =	vmul.f32 v20, v17  }
0x406: {  	v14 =	vadd.f32 v22, v14;
	v22 =	vld [tilespmem:s24+$0x440]  }
0x407: {  	v21 =	vmul.f32 v28, v21;
	v25 =	vmul.f32 v26, v63;
	v26 =	vld [tilespmem:s6+$0x400];
	v18 =	vadd.f32 v18, v16;
	[tilespmem:s26+$0x50] =	vst v20  }
0x408: {  	v16 =	vmul.f32 v23, v8;
	v20 =	vld [tilespmem:s12+$0x460]  }
0x409: {  	[tilespmem:s9+$0x70] =	vst v21;
	v13 =	vld [tilespmem:s25+$0x400];
	v23 =	vadd.f32 v25, v14;
	v14 =	vmul.f32 $2.000000030e-01, v18;
	v25 =	vmul.f32 v11, v24  }
0x40a: {  	v27 =	vmul.f32 v27, v15;
	[tilespmem:s4+$0xFFFFFFE0] =	vst v16;
	vm1 =	vge.f32 v18, $0.0e+00;
	v16 =	vld [tilespmem:s13+$0x460]  }
0x40b: {  	v24 =	vperm.xlane v23, v4;
	v14 =	vsel vm1, v18, v14;
	[tilespmem:s26+$0xFFFFFF90] =	vst v25;
	v18 =	vld [tilespmem:s20+$0x470];
	v22 =	vmul.f32 v22, v12  }
0x40c: {  	s30 =	simm.s32 $0xC;
	s15 =	simm.s32 $0x7B80;
	[tilespmem:s9+$0xFFFFFFB0] =	vst v27;
	s20 =	simm.s32 $0xB580;
	v25 =	vmul.f32 v14, v26;
	v21 =	vld [tilespmem:s5+$0x420]  }
.LBB2_8:
0x40d: {  	v26 =	vld [tilespmem:s15+$0x70];
	v23 =	vadd.f32 v23, v24;
	v20 =	vmul.f32 v20, v17;
	s26 =	sadd.s32 $0x100, s26;
	[tilespmem:s22+$0xFFFFFFC0] =	vst v22;
	s18 =	smov.u32 s25  }
0x40e: {  	s28 =	sadd.s32 $0x200, s28;
	s29 =	sadd.s32 $0x100, s29;
	v22 =	vld [tilespmem:s15+$0x30];
	[tilespmem:s26+$0x0] =	vst v25;
	v19 =	vmul.f32 v19, v10  }
0x40f: {  	s11 =	sand.u32 $0x3800, s28;
	s14 =	sand.u32 $0x300, s29;
	s16 =	sadd.s32 $0x80, s29;
	v24 =	vperm.xlane v23, v5;
	v25 =	vld [tilespmem:s6+$0x410];
	[tilespmem:s20+$0x60] =	vst v20;
	v16 =	vmul.f32 v16, v9  }
0x410: {  	s30 =	sadd.s32 $0x2, s30;
	s11 =	sadd.s32 $0x8800, s11;
	s16 =	sand.u32 $0x380, s16;
	v20 =	vld [tilespmem:s12+$0x470];
	[tilespmem:s10+$0xFFFFFFD0] =	vst v19;
	v18 =	vmul.f32 v18, v8;
	v8 =	vmovc v9;
	v9 =	vmovc v10;
	v10 =	vmov v12;
	v12 =	vmov v15  }
0x411: {  	p1 =	slt.u32 s30, $0x26;
	s25 =	sor.u32 s14, s11;
	s11 =	sor.u32 s16, s11;
	v15 =	vmov v11;
	v19 =	vld [tilespmem:s15+$0x0];
	v23 =	vadd.f32 v23, v24;
	v21 =	vmul.f32 v21, v11;
	[tilespmem:s17+$0xFFFFFFE0] =	vst v16  }
0x412: {  	v11 =	vld [tilespmem:s11+$0x0];
	[tilespmem:s4+$0xFFFFFFF0] =	vst v18;
	s4 =	smov.u32 s17;
	s17 =	smov.u32 s10;
	s10 =	smov.u32 s22  }
0x413: {  	s22 =	smov.u32 s9;
	s9 =	smov.u32 s20;
	v16 =	vld [tilespmem:s15+$0x10];
	v18 =	vperm.xlane v23, v6;
	[tilespmem:s20+$0xFFFFFFA0] =	vst v21;
	s20 =	smov.u32 s26  }
0x414: {  	s12 =	smov.u32 s6;
	s6 =	smov.u32 s11;
	v21 =	vld [tilespmem:s11+$0x10];
	v24 =	vmul.f32 v14, v25  }
0x415: {  	v25 =	vld [tilespmem:s15+$0x20];
	v18 =	vadd.f32 v23, v18;
	v20 =	vmul.f32 v20, v17;
	v17 =	vmov v14  }
0x416: {  	v14 =	vld [tilespmem:s6+$0x20];
	[tilespmem:s26+$0x10] =	vst v24  }
0x417: {  	v11 =	vmul.f32 v11, v19;
	v19 =	vld [tilespmem:s6+$0x30];
	v23 =	vperm.xlane v18, v7;
	[tilespmem:s9+$0x70] =	vst v20  }
0x418: {  	v20 =	vld [tilespmem:s12+$0x420]  }
0x419: {  	v11 =	vadd.f32 $0.0e+00, v11;
	v16 =	vmul.f32 v21, v16;
	v21 =	vld [tilespmem:s15+$0x40];
	v18 =	vadd.f32 v18, v23  }
0x41a: {  	v23 =	vld [tilespmem:s6+$0x40]  }
0x41b: {  	v11 =	vadd.f32 v16, v11;
	v14 =	vmul.f32 v14, v25;
	v16 =	vld [tilespmem:s15+$0x50];
	v24 =	vmul.f32 $2.000000030e-01, v18  }
0x41c: {  	vm1 =	vge.f32 v18, $0.0e+00;
	v25 =	vld [tilespmem:s6+$0x50]  }
0x41d: {  	v19 =	vmul.f32 v19, v22;
	v14 =	vadd.f32 v14, v11;
	v22 =	vld [tilespmem:s15+$0x60];
	v20 =	vmul.f32 v20, v17  }
0x41e: {  	v11 =	vsel vm1, v18, v24;
	v27 =	vld [tilespmem:s6+$0x60]  }
0x41f: {  	v13 =	vmul.f32 v11, v13;
	v14 =	vadd.f32 v19, v14;
	v18 =	vmul.f32 v23, v21;
	v19 =	vld [tilespmem:s6+$0x70];
	[tilespmem:s26+$0x20] =	vst v20  }
0x420: {  	v20 =	vld [tilespmem:s12+$0x430]  }
0x421: {  	v21 =	vld [tilespmem:s25+$0x0];
	v14 =	vadd.f32 v18, v14;
	v16 =	vmul.f32 v25, v16;
	[tilespmem:s26+$0xFFFFFF80] =	vst v13  }
0x422: {  	v13 =	vld [tilespmem:s15+$0xFFFFFF80]  }
0x423: {  	v18 =	vld [tilespmem:s25+$0x10];
	v14 =	vadd.f32 v16, v14;
	v16 =	vmul.f32 v27, v22  }
0x424: {  	v22 =	vld [tilespmem:s15+$0xFFFFFF90]  }
0x425: {  	v23 =	vld [tilespmem:s25+$0x20];
	v14 =	vadd.f32 v16, v14;
	v16 =	vmul.f32 v19, v26;
	v19 =	vmul.f32 v20, v17  }
0x426: {  	v20 =	vld [tilespmem:s15+$0xFFFFFFA0]  }
0x427: {  	v13 =	vmul.f32 v21, v13;
	v21 =	vld [tilespmem:s25+$0x30];
	v14 =	vadd.f32 v16, v14;
	[tilespmem:s26+$0x30] =	vst v19  }
0x428: {  	v16 =	vld [tilespmem:s12+$0x440]  }
0x429: {  	v13 =	vadd.f32 $0.0e+00, v13;
	v18 =	vmul.f32 v18, v22;
	v19 =	vld [tilespmem:s15+$0xFFFFFFB0];
	v22 =	vperm.xlane v14, v4  }
0x42a: {  	v24 =	vld [tilespmem:s25+$0x40]  }
0x42b: {  	v13 =	vadd.f32 v18, v13;
	v18 =	vmul.f32 v23, v20;
	v20 =	vld [tilespmem:s15+$0xFFFFFFC0];
	v14 =	vadd.f32 v14, v22  }
0x42c: {  	v22 =	vld [tilespmem:s25+$0x50]  }
0x42d: {  	v13 =	vadd.f32 v18, v13;
	v18 =	vld [tilespmem:s15+$0xFFFFFFD0];
	v23 =	vperm.xlane v14, v5;
	v16 =	vmul.f32 v16, v17  }
0x42e: {  	v19 =	vmul.f32 v21, v19;
	v21 =	vld [tilespmem:s25+$0x60]  }
0x42f: {  	v25 =	vld [tilespmem:s15+$0xFFFFFFE0];
	v14 =	vadd.f32 v14, v23;
	[tilespmem:s26+$0x40] =	vst v16  }
0x430: {  	v13 =	vadd.f32 v19, v13;
	v16 =	vmul.f32 v24, v20;
	v19 =	vld [tilespmem:s12+$0x450]  }
0x431: {  	v20 =	vld [tilespmem:s25+$0x70];
	v23 =	vperm.xlane v14, v6  }
0x432: {  	v16 =	vadd.f32 v16, v13;
	v18 =	vmul.f32 v22, v18;
	v22 =	vld [tilespmem:s15+$0xFFFFFFF0]  }
0x433: {  	v13 =	vld [tilespmem:s25+$0x400];
	v14 =	vadd.f32 v14, v23  }
0x434: {  	v16 =	vadd.f32 v18, v16;
	v18 =	vmul.f32 v21, v25;
	v21 =	vld [tilespmem:s18+$0x410]  }
0x435: {  	v23 =	vperm.xlane v14, v7;
	v19 =	vmul.f32 v19, v17;
	v24 =	vld [tilespmem:s5+$0x430]  }
0x436: {  	v16 =	vadd.f32 v18, v16;
	v18 =	vld [tilespmem:s23+$0x440]  }
0x437: {  	v22 =	vmul.f32 v20, v22;
	v14 =	vadd.f32 v14, v23;
	v25 =	vld [tilespmem:s6+$0x400];
	[tilespmem:s26+$0x50] =	vst v19  }
.Ltmp2:
0x438: {  	v20 =	vld [tilespmem:s12+$0x460];
	(pc) =	sbr.rel @p1 .LBB2_8-.Ltmp2, $4  }
0x439: {  	v23 =	vadd.f32 v22, v16;
	v22 =	vmul.f32 $2.000000030e-01, v14;
	v21 =	vmul.f32 v11, v21;
	v19 =	vld [tilespmem:s24+$0x450]  }
0x43a: {  	vm1 =	vge.f32 v14, $0.0e+00;
	v26 =	vmul.f32 v24, v15;
	v16 =	vld [tilespmem:s19+$0x460]  }
0x43b: {  	v24 =	vperm.xlane v23, v4;
	v14 =	vsel vm1, v14, v22;
	[tilespmem:s26+$0xFFFFFF90] =	vst v21;
	v22 =	vmul.f32 v18, v12;
	v18 =	vld [tilespmem:s13+$0x470];
	s13 =	smov.u32 s19;
	s19 =	smov.u32 s24;
	s24 =	smov.u32 s23  }
0x43c: {  	s15 =	sadd.s32 $0x100, s15;
	s23 =	smov.u32 s5;
	s5 =	smov.u32 s18;
	v25 =	vmul.f32 v14, v25;
	v21 =	vld [tilespmem:s18+$0x420];
	[tilespmem:s9+$0xFFFFFFB0] =	vst v26  }
0x43d: {  	v23 =	vadd.f32 v23, v24;
	_ =	sdelay $0x1  }
0x43e: {  	v24 =	vperm.xlane v23, v5;
	_ =	sdelay $0x1  }
0x43f: {  	v23 =	vadd.f32 v23, v24;
	_ =	sdelay $0x1  }
0x440: {  	v24 =	vperm.xlane v23, v6;
	_ =	sdelay $0x1  }
0x441: {  	v23 =	vadd.f32 v23, v24;
	_ =	sdelay $0x1  }
0x442: {  	v24 =	vperm.xlane v23, v7;
	_ =	sdelay $0x1  }
0x443: {  	v23 =	vadd.f32 v23, v24  }
0x444: {  	s15 =	sadd.s32 $0x100, s26  }
0x445: {  	[tilespmem:s15+$0x0] =	vst v25;
	v24 =	vmul.f32 $2.000000030e-01, v23  }
0x446: {  	v25 =	vld [tilespmem:s6+$0x410];
	vm1 =	vge.f32 v23, $0.0e+00  }
0x447: {  	v23 =	vsel vm1, v23, v24  }
0x448: {  	v13 =	vmul.f32 v23, v13;
	_ =	sdelay $0x1  }
0x449: {  	[tilespmem:s15+$0xFFFFFF80] =	vst v13  }
0x44a: {  	v39 =	vmul.f32 v14, v25;
	v40 =	vld [tilespmem:s25+$0x410];
	_ =	sdelay $0x1  }
0x44b: {  	[tilespmem:s15+$0x10] =	vst v39  }
0x44c: {  	v13 =	vld [tilespmem:s6+$0x420];
	_ =	sdelay $0x1  }
0x44d: {  	v24 =	vmul.f32 v23, v40;
	_ =	sdelay $0x1  }
0x44e: {  	[tilespmem:s15+$0xFFFFFF90] =	vst v24  }
0x44f: {  	v13 =	vmul.f32 v13, v14;
	v24 =	vld [tilespmem:s25+$0x420];
	_ =	sdelay $0x1  }
0x450: {  	[tilespmem:s15+$0x20] =	vst v13  }
0x451: {  	v13 =	vld [tilespmem:s6+$0x430]  }
0x452: {  	v21 =	vmul.f32 v21, v11  }
0x453: {  	v24 =	vmul.f32 v24, v23  }
0x454: {  	[tilespmem:s20+$0xFFFFFFA0] =	vst v21  }
0x455: {  	v21 =	vld [tilespmem:s5+$0x430];
	[tilespmem:s15+$0xFFFFFFA0] =	vst v24  }
0x456: {  	v13 =	vmul.f32 v13, v14;
	v24 =	vld [tilespmem:s25+$0x430];
	_ =	sdelay $0x1  }
0x457: {  	[tilespmem:s15+$0x30] =	vst v13  }
0x458: {  	v13 =	vld [tilespmem:s6+$0x440]  }
0x459: {  	v21 =	vmul.f32 v21, v11  }
0x45a: {  	v24 =	vmul.f32 v24, v23  }
0x45b: {  	v41 =	vld [tilespmem:s23+$0x440];
	[tilespmem:s20+$0xFFFFFFB0] =	vst v21  }
0x45c: {  	v21 =	vld [tilespmem:s5+$0x440];
	[tilespmem:s15+$0xFFFFFFB0] =	vst v24  }
0x45d: {  	v13 =	vmul.f32 v13, v14;
	v24 =	vld [tilespmem:s25+$0x440];
	_ =	sdelay $0x1  }
0x45e: {  	[tilespmem:s15+$0x40] =	vst v13  }
0x45f: {  	v25 =	vmul.f32 v41, v15;
	v13 =	vld [tilespmem:s6+$0x450]  }
0x460: {  	[tilespmem:s22+$0xFFFFFFC0] =	vst v22;
	v21 =	vmul.f32 v21, v11  }
0x461: {  	v22 =	vld [tilespmem:s24+$0x450];
	[tilespmem:s9+$0xFFFFFFC0] =	vst v25;
	v24 =	vmul.f32 v24, v23  }
0x462: {  	v25 =	vld [tilespmem:s23+$0x450];
	[tilespmem:s20+$0xFFFFFFC0] =	vst v21  }
0x463: {  	v20 =	vmul.f32 v20, v17;
	v21 =	vld [tilespmem:s5+$0x450];
	[tilespmem:s15+$0xFFFFFFC0] =	vst v24  }
0x464: {  	v13 =	vmul.f32 v13, v14;
	v24 =	vld [tilespmem:s25+$0x450]  }
0x465: {  	v19 =	vmul.f32 v19, v10;
	[tilespmem:s20+$0x60] =	vst v20  }
0x466: {  	v42 =	vmul.f32 v22, v12;
	[tilespmem:s15+$0x50] =	vst v13  }
0x467: {  	[tilespmem:s10+$0xFFFFFFD0] =	vst v19;
	v44 =	vmul.f32 v25, v15;
	v43 =	vld [tilespmem:s6+$0x460]  }
0x468: {  	v45 =	vld [tilespmem:s19+$0x460];
	[tilespmem:s22+$0xFFFFFFD0] =	vst v42;
	v46 =	vmul.f32 v21, v11  }
0x469: {  	v47 =	vld [tilespmem:s24+$0x460];
	[tilespmem:s9+$0xFFFFFFD0] =	vst v44;
	v48 =	vmul.f32 v24, v23  }
0x46a: {  	v16 =	vmul.f32 v16, v9;
	v49 =	vld [tilespmem:s23+$0x460];
	[tilespmem:s20+$0xFFFFFFD0] =	vst v46  }
0x46b: {  	v8 =	vmul.f32 v18, v8;
	v13 =	vld [tilespmem:s5+$0x460];
	[tilespmem:s15+$0xFFFFFFD0] =	vst v48  }
0x46c: {  	[tilespmem:s17+$0xFFFFFFE0] =	vst v16;
	v50 =	vmul.f32 v43, v14;
	v51 =	vld [tilespmem:s25+$0x460]  }
0x46d: {  	v52 =	vld [tilespmem:s12+$0x470];
	[tilespmem:s4+$0xFFFFFFF0] =	vst v8;
	v8 =	vmul.f32 v45, v10  }
0x46e: {  	v53 =	vld [tilespmem:s13+$0x470];
	v54 =	vmul.f32 v47, v12;
	[tilespmem:s15+$0x60] =	vst v50  }
0x46f: {  	[tilespmem:s10+$0xFFFFFFE0] =	vst v8;
	v8 =	vmul.f32 v49, v15;
	v55 =	vld [tilespmem:s6+$0x470]  }
0x470: {  	v56 =	vld [tilespmem:s19+$0x470];
	[tilespmem:s22+$0xFFFFFFE0] =	vst v54;
	v13 =	vmul.f32 v13, v11  }
0x471: {  	v16 =	vld [tilespmem:s24+$0x470];
	[tilespmem:s9+$0xFFFFFFE0] =	vst v8;
	v8 =	vmul.f32 v51, v23  }
0x472: {  	v57 =	vmul.f32 v52, v17;
	v58 =	vld [tilespmem:s23+$0x470];
	[tilespmem:s20+$0xFFFFFFE0] =	vst v13  }
0x473: {  	v59 =	vmul.f32 v53, v9;
	v13 =	vld [tilespmem:s5+$0x470];
	[tilespmem:s15+$0xFFFFFFE0] =	vst v8  }
0x474: {  	[tilespmem:s20+$0x70] =	vst v57;
	v8 =	vmul.f32 v55, v14;
	v60 =	vld [tilespmem:s25+$0x470]  }
0x475: {  	[tilespmem:s17+$0xFFFFFFF0] =	vst v59;
	v61 =	vmul.f32 v56, v10  }
0x476: {  	s7 =	sadd.s32 $0x1, s7;
	[tilespmem:s15+$0x70] =	vst v8;
	v8 =	vmul.f32 v16, v12  }
0x477: {  	p2 =	sne.s32 s7, $0x19;
	[tilespmem:s10+$0xFFFFFFF0] =	vst v61;
	v62 =	vmul.f32 v58, v15  }
.Ltmp3:
0x478: {  	[tilespmem:s22+$0xFFFFFFF0] =	vst v8;
	v8 =	vmul.f32 v13, v11;
	(pc) =	sbr.rel @p2 .LBB2_5-.Ltmp3, $4  }
0x479: {  	[tilespmem:s9+$0xFFFFFFF0] =	vst v62;
	v63 =	vmul.f32 v60, v23  }
0x47a: {  	s3 =	rddreg [dreg:$0x2];
	[tilespmem:s20+$0xFFFFFFF0] =	vst v8  }
0x47b: {  	s30 =	simm.s32 $0xB000;
	p1 =	por $0x1, $0x1;
	s23 =	simm.s32 $0x28;
	[tilespmem:s15+$0xFFFFFFF0] =	vst v63  }
0x47c: {  	[spmem:s3] =	stream.indirect.scatter.add.f32 [tilespmem:s30], [sflag:$0x3], $0x80, s8, s23, $0xb8;
	[tilespmem:$0x1FC80] =	vst v63  }
0x47d: {  	s3 =	sld [smem:$0x7EE];
	_ =	sdelay $0x2  }
0x47e: {  	s3 =	sadd.s32 $0x1, s3  }
0x47f: {  	p1 =	sne.s32 s3, $0x5  }
.Ltmp4:
0x480: {  	_ = 	snop;
	(pc) =	sbr.rel @p1 .LBB2_4-.Ltmp4, $1  }
0x481: {  	_ =	sdelay $0x3  }
0x482: {  	s3 =	simm.s32 $0x3  }
0x483: {  	_ =	swait.ge [sflag:s3], $0x1400  }
0x484: {  	[sflag:s3] =	ssyncset.done $0x0  }
0x485: {  	[sflag:s3] =	ssyncadd.s32 $0xFFFFEC00  }
0x486: {  	s4 =	stileid.u32;
	[bflag:$0x0] =	sbarrier.arrive $0xFFFF  }
0x487: {  	s16 =	simm.s32 $0x4;
	s4 =	sshll.u32 s4, $0x6;
	s11 =	rddreg [dreg:$0x16]  }
0x488: {  	s4 =	sor.u32 $0x1C04, s4;
	s6 =	rddreg [dreg:$0x4];
	s5 =	sshrl.u32 s11, $0x3  }
0x489: {  	[hbm:s6], [sflag:s4] =	dma.local [spmem:s5], $0x280  }
0x48a: {  	_ =	swait.ge [sflag:s16], $0x280  }
0x48b: {  	[sflag:s16] =	ssyncset.done $0x0;
	s12 =	rddreg [dreg:$0x17]  }
0x48c: {  	s24 =	rddreg [dreg:$0x5];
	[sflag:s16] =	ssyncadd.s32 $0xFFFFFD80;
	s22 =	sshrl.u32 s12, $0x3  }
0x48d: {  	[hbm:s24], [sflag:s4] =	dma.local [spmem:s22], $0x280  }
0x48e: {  	_ =	swait.ge [sflag:s16], $0x280  }
0x48f: {  	[sflag:s16] =	ssyncset.done $0x0;
	s13 =	rddreg [dreg:$0x18]  }
0x490: {  	s26 =	rddreg [dreg:$0x6];
	[sflag:s16] =	ssyncadd.s32 $0xFFFFFD80;
	s25 =	sshrl.u32 s13, $0x3  }
0x491: {  	[hbm:s26], [sflag:s4] =	dma.local [spmem:s25], $0x280  }
0x492: {  	_ =	swait.ge [sflag:s16], $0x280  }
0x493: {  	[sflag:s16] =	ssyncset.done $0x0;
	s14 =	rddreg [dreg:$0x19]  }
0x494: {  	s29 =	rddreg [dreg:$0x7];
	[sflag:s16] =	ssyncadd.s32 $0xFFFFFD80;
	s28 =	sshrl.u32 s14, $0x3  }
0x495: {  	[hbm:s29], [sflag:s4] =	dma.local [spmem:s28], $0x280  }
0x496: {  	_ =	swait.ge [sflag:s16], $0x280  }
0x497: {  	[sflag:s16] =	ssyncset.done $0x0;
	s10 =	rddreg [dreg:$0x1a]  }
0x498: {  	s3 =	rddreg [dreg:$0x8];
	[sflag:s16] =	ssyncadd.s32 $0xFFFFFD80;
	s30 =	sshrl.u32 s10, $0x3  }
0x499: {  	[hbm:s3], [sflag:s4] =	dma.local [spmem:s30], $0x280  }
0x49a: {  	_ =	swait.ge [sflag:s16], $0x280  }
0x49b: {  	[sflag:s16] =	ssyncset.done $0x0;
	s8 =	rddreg [dreg:$0x1b]  }
0x49c: {  	s9 =	rddreg [dreg:$0x9];
	[sflag:s16] =	ssyncadd.s32 $0xFFFFFD80;
	s7 =	sshrl.u32 s8, $0x3  }
0x49d: {  	[hbm:s9], [sflag:s4] =	dma.local [spmem:s7], $0x280  }
0x49e: {  	_ =	swait.ge [sflag:s16], $0x280  }
0x49f: {  	[sflag:s16] =	ssyncset.done $0x0;
	s17 =	rddreg [dreg:$0x1c]  }
0x4a0: {  	s18 =	rddreg [dreg:$0xa];
	[sflag:s16] =	ssyncadd.s32 $0xFFFFFD80;
	s15 =	sshrl.u32 s17, $0x3  }
0x4a1: {  	[hbm:s18], [sflag:s4] =	dma.local [spmem:s15], $0x280  }
0x4a2: {  	_ =	swait.ge [sflag:s16], $0x280  }
0x4a3: {  	[sflag:s16] =	ssyncset.done $0x0;
	s18 =	rddreg [dreg:$0x1d]  }
0x4a4: {  	s20 =	rddreg [dreg:$0xb];
	[sflag:s16] =	ssyncadd.s32 $0xFFFFFD80;
	s19 =	sshrl.u32 s18, $0x3  }
0x4a5: {  	[hbm:s20], [sflag:s4] =	dma.local [spmem:s19], $0x280  }
0x4a6: {  	_ =	swait.ge [sflag:s16], $0x280  }
0x4a7: {  	[sflag:s16] =	ssyncset.done $0x0;
	s19 =	rddreg [dreg:$0x1e]  }
0x4a8: {  	s24 =	rddreg [dreg:$0xc];
	[sflag:s16] =	ssyncadd.s32 $0xFFFFFD80;
	s22 =	sshrl.u32 s19, $0x3  }
0x4a9: {  	[hbm:s24], [sflag:s4] =	dma.local [spmem:s22], $0x280  }
0x4aa: {  	_ =	swait.ge [sflag:s16], $0x280  }
0x4ab: {  	[sflag:s16] =	ssyncset.done $0x0;
	s15 =	rddreg [dreg:$0x1f]  }
0x4ac: {  	s26 =	rddreg [dreg:$0xd];
	[sflag:s16] =	ssyncadd.s32 $0xFFFFFD80;
	s25 =	sshrl.u32 s15, $0x3  }
0x4ad: {  	[hbm:s26], [sflag:s4] =	dma.local [spmem:s25], $0x280  }
0x4ae: {  	_ =	swait.ge [sflag:s16], $0x280  }
0x4af: {  	s9 =	sld [smem:$0x7F8];
	_ =	sdelay $0x1  }
0x4b0: {  	[sflag:s16] =	ssyncset.done $0x0  }
0x4b1: {  	s29 =	rddreg [dreg:$0xe];
	[sflag:s16] =	ssyncadd.s32 $0xFFFFFD80;
	s28 =	sshrl.u32 s9, $0x3  }
0x4b2: {  	[hbm:s29], [sflag:s4] =	dma.local [spmem:s28], $0x280  }
0x4b3: {  	_ =	swait.ge [sflag:s16], $0x280  }
0x4b4: {  	s7 =	sld [smem:$0x7F9];
	_ =	sdelay $0x1  }
0x4b5: {  	[sflag:s16] =	ssyncset.done $0x0  }
0x4b6: {  	s3 =	rddreg [dreg:$0xf];
	[sflag:s16] =	ssyncadd.s32 $0xFFFFFD80;
	s30 =	sshrl.u32 s7, $0x3  }
0x4b7: {  	[hbm:s3], [sflag:s4] =	dma.local [spmem:s30], $0x280  }
0x4b8: {  	_ =	swait.ge [sflag:s16], $0x280  }
0x4b9: {  	s20 =	sld [smem:$0x7FA];
	_ =	sdelay $0x1  }
0x4ba: {  	[sflag:s16] =	ssyncset.done $0x0  }
0x4bb: {  	s22 =	rddreg [dreg:$0x10];
	[sflag:s16] =	ssyncadd.s32 $0xFFFFFD80;
	s6 =	sshrl.u32 s20, $0x3  }
0x4bc: {  	[hbm:s22], [sflag:s4] =	dma.local [spmem:s6], $0x280  }
0x4bd: {  	_ =	swait.ge [sflag:s16], $0x280  }
0x4be: {  	s6 =	sld [smem:$0x7FB];
	_ =	sdelay $0x1  }
0x4bf: {  	[sflag:s16] =	ssyncset.done $0x0  }
0x4c0: {  	s25 =	rddreg [dreg:$0x11];
	[sflag:s16] =	ssyncadd.s32 $0xFFFFFD80;
	s24 =	sshrl.u32 s6, $0x3  }
0x4c1: {  	[hbm:s25], [sflag:s4] =	dma.local [spmem:s24], $0x280  }
0x4c2: {  	_ =	swait.ge [sflag:s16], $0x280  }
0x4c3: {  	s22 =	sld [smem:$0x7FC];
	_ =	sdelay $0x1  }
0x4c4: {  	[sflag:s16] =	ssyncset.done $0x0  }
0x4c5: {  	s28 =	rddreg [dreg:$0x12];
	[sflag:s16] =	ssyncadd.s32 $0xFFFFFD80;
	s26 =	sshrl.u32 s22, $0x3  }
0x4c6: {  	[hbm:s28], [sflag:s4] =	dma.local [spmem:s26], $0x280  }
0x4c7: {  	_ =	swait.ge [sflag:s16], $0x280  }
0x4c8: {  	[sflag:s16] =	ssyncset.done $0x0  }
0x4c9: {  	[sflag:s16] =	ssyncadd.s32 $0xFFFFFD80;
	s16 =	sld [smem:$0x7FD];
	_ =	sdelay $0x2  }
0x4ca: {  	s3 =	rddreg [dreg:$0x13];
	s5 =	sshrl.u32 @!p0 s16, $0x3  }
0x4cb: {  	[hbm:s3], [sflag:s4] =	dma.local @!p0 [spmem:s5], $0x280  }
0x4cc: {  	s4 =	simm.s32 @!p0 $0x4  }
0x4cd: {  	_ =	swait.ge @!p0 [sflag:s4], $0x280  }
0x4ce: {  	s29 =	sld [smem:$0x7EF]  }
0x4cf: {  	s30 =	sld [smem:$0x7F7];
	_ =	sdelay $0x1  }
0x4d0: {  	s5 =	sadd.s32 $0x1, s29  }
0x4d1: {  	p1 =	sne.s32 s5, s30  }
.Ltmp5:
0x4d2: {  	_ = 	snop;
	(pc) =	sbr.rel @p1 .LBB2_1-.Ltmp5, $3  }
0x4d3: {  	_ =	sdelay $0x1  }
0x4d4: {  	[sflag:s4] =	ssyncset.done @!p0 $0x0  }
0x4d5: {  	[sflag:s4] =	ssyncadd.s32 @!p0 $0xFFFFFD80  }
0x4d6: {  	_ =	sfence.sel $0x180000  }
0x4d7: {  	[bflag:$0x0] =	sbarrier.arrive $0xFFFF  }
0x4d8: {  	_ =	strace $0x90000047  }
0x4d9: {  	s0 =	stileid.u32;
	[bflag:$0x2] =	sbarrier.arrive $0xFFFF  }
0x4da: {  	p0 =	sne.s32 s0, $0x0;
	s0 =	rddreg [dreg:$0x3]  }
0x4db: {  	s0 =	sadd.s32 @!p0 $0x100000, s0  }
0x4dc: {  	[sflag:s0] =	ssyncadd.tile.s32 @!p0 $0x1;
	_ =	shalt  }
.Lfunc_end2:
_tile_overlayer_lowered:
.L_overlay_start_2:
0x4dd: {  	(tag) =	ssettag $0x2  }
0x4de: {  	s0 =	rddreg [dreg:$0x0];
	s2 =	stileid.u32  }
0x4df: {  	s1 =	rddreg [dreg:$0x1];
	p0 =	sne.s32 s2, $0x0  }
0x4e0: {  	s3 =	rddreg [dreg:$0x2];
	[bflag:$0x3] =	sbarrier.arrive $0xFFFF;
	s2 =	simm.s32 @!p0 $0x1C04  }
0x4e1: {  	[timem:s3], [sflag:s2] =	dma.local @!p0 [hbm:s0], s1  }
0x4e2: {  	s0 =	simm.s32 @!p0 $0x4  }
0x4e3: {  	_ =	swait.ge @!p0 [sflag:s0], s1  }
0x4e4: {  	s1 =	ssub.s32 @!p0 $0x0, s1;
	[sflag:s0] =	ssyncset.done @!p0 $0x0  }
0x4e5: {  	[sflag:s0] =	ssyncadd.s32 @!p0 s1  }
0x4e6: {  	[bflag:$0x3] =	sbarrier.arrive $0xFFFF  }
0x4e7: {  	_ =	shalt  }

</sc_bundles>
